<compile_context>
chip_gen: v7x
topology: tpu7x:2x2x1
jax: 0.10.2.dev20260603
libtpu: 0.0.44.dev20260713+nightly
codegen_flags: <defaults>
</compile_context>

<pallas_src>
import functools

import jax
import jax.numpy as jnp
from jax import lax
from jax.experimental import pallas as pl
from jax.experimental.pallas import tpu as pltpu
from jax.experimental.pallas import tpu_sc as plsc

VOCAB = 1_000_000
EMBED_DIM = 32
BATCH = 16384
HIST = 50

NUM_WORKERS = 32
TOTAL = BATCH * HIST
STRIP = BATCH // NUM_WORKERS
GATHER = 128
CHUNKS_PER_BLK = STRIP // GATHER
NUM_BLOCKS = HIST

_mesh = plsc.VectorSubcoreMesh(core_axis_name="c", subcore_axis_name="s")


@functools.partial(
    pl.kernel,
    mesh=_mesh,
    out_type=jax.ShapeDtypeStruct((HIST, BATCH, EMBED_DIM), jnp.float32),
    compiler_params=pltpu.CompilerParams(use_tc_tiling_on_sc=False),
    scratch_types=[
        pltpu.VMEM((NUM_BLOCKS, STRIP), jnp.int32),
        pltpu.VMEM((STRIP, EMBED_DIM), jnp.float32),
        pltpu.VMEM((STRIP, EMBED_DIM), jnp.float32),
        pltpu.SemaphoreType.DMA,
        [pltpu.SemaphoreType.DMA] * 2,
        [pltpu.SemaphoreType.DMA] * 2,
    ],
)
def _embed_gather(x_hbm, table_hbm, out_hbm, idx_v, buf0, buf1, semi, semg,
                  semw):
    wid = lax.axis_index("s") * 2 + lax.axis_index("c")
    b0 = wid * STRIP
    bufs = (buf0, buf1)

    stages = [
        pltpu.async_copy(x_hbm.at[pl.ds(h * BATCH + b0, STRIP)],
                         idx_v.at[h], semi)
        for h in range(NUM_BLOCKS)
    ]
    for d in stages:
        d.wait()

    def gathers(h, p, start=True):
        mk = pltpu.async_copy if start else pltpu.make_async_copy
        return [
            mk(table_hbm.at[idx_v.at[h, pl.ds(c * GATHER, GATHER)]],
               bufs[p].at[pl.ds(c * GATHER, GATHER)],
               semg[p])
            for c in range(CHUNKS_PER_BLK)
        ]

    def writeback(h, p, start=True):
        mk = pltpu.async_copy if start else pltpu.make_async_copy
        return mk(bufs[p], out_hbm.at[h, pl.ds(b0, STRIP)], semw[p])

    gathers(0, 0)
    gathers(1, 1)

    def body(pi, carry):
        h0 = 2 * pi
        for d in gathers(h0, 0, start=False):
            d.wait()
        writeback(h0, 0)

        for d in gathers(h0 + 1, 1, start=False):
            d.wait()

        writeback(h0, 0, start=False).wait()
        gathers(h0 + 2, 0)

        writeback(h0 + 1, 1)
        writeback(h0 + 1, 1, start=False).wait()
        gathers(h0 + 3, 1)
        return carry

    lax.fori_loop(0, NUM_BLOCKS // 2 - 1, body, 0)

    for d in gathers(NUM_BLOCKS - 2, 0, start=False):
        d.wait()
    writeback(NUM_BLOCKS - 2, 0)
    for d in gathers(NUM_BLOCKS - 1, 1, start=False):
        d.wait()
    writeback(NUM_BLOCKS - 1, 1)
    writeback(NUM_BLOCKS - 2, 0, start=False).wait()
    writeback(NUM_BLOCKS - 1, 1, start=False).wait()


def kernel(x, table):
    idx = x.T.reshape(TOTAL)
    out = _embed_gather(idx, table)
    return out.transpose(1, 0, 2)

# --- scband reference (transcript-rebuilt; emitter-appended) ---
"""Pipeline reference for scband-text-input-module-27994596836235 (READ-ONLY COPY).

The authoritative reference and input builder live on the scoring server;
editing this copy changes nothing except your own understanding.
"""

import jax, jax.numpy as jnp
import numpy as np

VOCAB = 1000000
EMBED_DIM = 32
BATCH = 16384
HIST = 50

def setup_inputs(seed: int = 0) -> dict:
    key = jax.random.key(seed)
    k_idx, k_tab = jax.random.split(key)
    x = jax.random.randint(k_idx, (BATCH, HIST), 0, VOCAB, dtype=jnp.int64 if jax.config.jax_enable_x64 else jnp.int32)
    table = jax.random.normal(k_tab, (VOCAB, EMBED_DIM), dtype=jnp.float32) * 0.02
    return {"x": x, "table": table}

def reference(x, table):
    # nn.Embedding lookup: table[x]
    return jnp.take(table, x, axis=0)

if __name__ == "__main__":
    import jax
    _d = setup_inputs()
    print(jax.jit(kernel)(*tuple(_d.values())))

</pallas_src>

<mosaic_0001>
#map = affine_map<(d0, d1) -> (0)>
#map1 = affine_map<(d0, d1) -> (0, 0)>
#map2 = affine_map<(d0, d1) -> (0, 0, 0)>
module attributes {stable_mosaic.version = 14 : i64} {
  func.func @_embed_gather(%arg0: i32, %arg1: i32, %arg2: memref<819200xi32, #tpu.memory_space<hbm>>, %arg3: memref<1000000x32xf32, #tpu.memory_space<hbm>>, %arg4: memref<50x16384x32xf32, #tpu.memory_space<hbm>>, %arg5: memref<50x512xi32, #tpu.memory_space<vmem>>, %arg6: memref<512x32xf32, #tpu.memory_space<vmem>>, %arg7: memref<512x32xf32, #tpu.memory_space<vmem>>, %arg8: memref<!tpu.dma_semaphore, #tpu.memory_space<semaphore_mem>>, %arg9: memref<!tpu.dma_semaphore, #tpu.memory_space<semaphore_mem>>, %arg10: memref<!tpu.dma_semaphore, #tpu.memory_space<semaphore_mem>>, %arg11: memref<!tpu.dma_semaphore, #tpu.memory_space<semaphore_mem>>, %arg12: memref<!tpu.dma_semaphore, #tpu.memory_space<semaphore_mem>>) attributes {dimension_semantics = [#tpu.dimension_semantics<core_parallel>, #tpu.dimension_semantics<subcore_parallel>], iteration_bounds = array<i64: 2, 16>, scalar_prefetch = 0 : i64, scratch_operands = 8 : i64, tpu.core_type = #tpu.core_type<sc_vector_subcore>, window_params = [{transform_indices = #map}, {transform_indices = #map1}, {transform_indices = #map2}]} {
    %mul3A = arith.constant 2 : i32
    %mul3A_0 = arith.muli %arg1, %mul3A : i32
    %add3A = arith.addi %mul3A_0, %arg0 : i32
    %mul3A_1 = arith.constant 512 : i32
    %mul3A_2 = arith.muli %add3A, %mul3A_1 : i32
    %add3A_3 = arith.constant 0 : i32
    %add3A_4 = arith.addi %add3A_3, %mul3A_2 : i32
    %dma_start3A = arith.constant 0 : i32
    %dma_start3A_5 = arith.constant 0 : i32
    %dma_start3A_6 = tpu.memref_slice %arg5[%dma_start3A, %dma_start3A_5] : memref<50x512xi32, #tpu.memory_space<vmem>> -> memref<1x512xi32, #tpu.memory_space<vmem>>
    %dma_start3A_7 = tpu.memref_squeeze %dma_start3A_6 : memref<1x512xi32, #tpu.memory_space<vmem>> -> memref<512xi32, #tpu.memory_space<vmem>>
    %dma_start3A_8 = tpu.memref_slice %arg2[%add3A_4] : memref<819200xi32, #tpu.memory_space<hbm>> -> memref<512xi32, #tpu.memory_space<hbm>>
    %dma_start3A_9 = arith.constant 0 : i32
    %dma_start3A_10 = tpu.memref_slice %arg5[%dma_start3A, %dma_start3A_9] : memref<50x512xi32, #tpu.memory_space<vmem>> -> memref<1x512xi32, #tpu.memory_space<vmem>>
    %dma_start3A_11 = tpu.memref_squeeze %dma_start3A_10 : memref<1x512xi32, #tpu.memory_space<vmem>> -> memref<512xi32, #tpu.memory_space<vmem>>
    %dma_start3A_12 = tpu.memref_slice %arg2[%add3A_4] : memref<819200xi32, #tpu.memory_space<hbm>> -> memref<512xi32, #tpu.memory_space<hbm>>
    tpu.enqueue_dma source(%dma_start3A_12 : memref<512xi32, #tpu.memory_space<hbm>>) target(%dma_start3A_11 : memref<512xi32, #tpu.memory_space<vmem>>) target_semaphore(%arg8 : memref<!tpu.dma_semaphore, #tpu.memory_space<semaphore_mem>>)
    %add3A_13 = arith.constant 16384 : i32
    %add3A_14 = arith.addi %add3A_13, %mul3A_2 : i32
    %dma_start3A_15 = arith.constant 1 : i32
    %dma_start3A_16 = arith.constant 0 : i32
    %dma_start3A_17 = tpu.memref_slice %arg5[%dma_start3A_15, %dma_start3A_16] : memref<50x512xi32, #tpu.memory_space<vmem>> -> memref<1x512xi32, #tpu.memory_space<vmem>>
    %dma_start3A_18 = tpu.memref_squeeze %dma_start3A_17 : memref<1x512xi32, #tpu.memory_space<vmem>> -> memref<512xi32, #tpu.memory_space<vmem>>
    %dma_start3A_19 = tpu.memref_slice %arg2[%add3A_14] : memref<819200xi32, #tpu.memory_space<hbm>> -> memref<512xi32, #tpu.memory_space<hbm>>
    %dma_start3A_20 = arith.constant 0 : i32
    %dma_start3A_21 = tpu.memref_slice %arg5[%dma_start3A_15, %dma_start3A_20] : memref<50x512xi32, #tpu.memory_space<vmem>> -> memref<1x512xi32, #tpu.memory_space<vmem>>
    %dma_start3A_22 = tpu.memref_squeeze %dma_start3A_21 : memref<1x512xi32, #tpu.memory_space<vmem>> -> memref<512xi32, #tpu.memory_space<vmem>>
    %dma_start3A_23 = tpu.memref_slice %arg2[%add3A_14] : memref<819200xi32, #tpu.memory_space<hbm>> -> memref<512xi32, #tpu.memory_space<hbm>>
    tpu.enqueue_dma source(%dma_start3A_23 : memref<512xi32, #tpu.memory_space<hbm>>) target(%dma_start3A_22 : memref<512xi32, #tpu.memory_space<vmem>>) target_semaphore(%arg8 : memref<!tpu.dma_semaphore, #tpu.memory_space<semaphore_mem>>)
    %add3A_24 = arith.constant 32768 : i32
    %add3A_25 = arith.addi %add3A_24, %mul3A_2 : i32
    %dma_start3A_26 = arith.constant 2 : i32
    %dma_start3A_27 = arith.constant 0 : i32
    %dma_start3A_28 = tpu.memref_slice %arg5[%dma_start3A_26, %dma_start3A_27] : memref<50x512xi32, #tpu.memory_space<vmem>> -> memref<1x512xi32, #tpu.memory_space<vmem>>
    %dma_start3A_29 = tpu.memref_squeeze %dma_start3A_28 : memref<1x512xi32, #tpu.memory_space<vmem>> -> memref<512xi32, #tpu.memory_space<vmem>>
    %dma_start3A_30 = tpu.memref_slice %arg2[%add3A_25] : memref<819200xi32, #tpu.memory_space<hbm>> -> memref<512xi32, #tpu.memory_space<hbm>>
    %dma_start3A_31 = arith.constant 0 : i32
    %dma_start3A_32 = tpu.memref_slice %arg5[%dma_start3A_26, %dma_start3A_31] : memref<50x512xi32, #tpu.memory_space<vmem>> -> memref<1x512xi32, #tpu.memory_space<vmem>>
    %dma_start3A_33 = tpu.memref_squeeze %dma_start3A_32 : memref<1x512xi32, #tpu.memory_space<vmem>> -> memref<512xi32, #tpu.memory_space<vmem>>
    %dma_start3A_34 = tpu.memref_slice %arg2[%add3A_25] : memref<819200xi32, #tpu.memory_space<hbm>> -> memref<512xi32, #tpu.memory_space<hbm>>
    tpu.enqueue_dma source(%dma_start3A_34 : memref<512xi32, #tpu.memory_space<hbm>>) target(%dma_start3A_33 : memref<512xi32, #tpu.memory_space<vmem>>) target_semaphore(%arg8 : memref<!tpu.dma_semaphore, #tpu.memory_space<semaphore_mem>>)
    %add3A_35 = arith.constant 49152 : i32
    %add3A_36 = arith.addi %add3A_35, %mul3A_2 : i32
    %dma_start3A_37 = arith.constant 3 : i32
    %dma_start3A_38 = arith.constant 0 : i32
    %dma_start3A_39 = tpu.memref_slice %arg5[%dma_start3A_37, %dma_start3A_38] : memref<50x512xi32, #tpu.memory_space<vmem>> -> memref<1x512xi32, #tpu.memory_space<vmem>>
    %dma_start3A_40 = tpu.memref_squeeze %dma_start3A_39 : memref<1x512xi32, #tpu.memory_space<vmem>> -> memref<512xi32, #tpu.memory_space<vmem>>
    %dma_start3A_41 = tpu.memref_slice %arg2[%add3A_36] : memref<819200xi32, #tpu.memory_space<hbm>> -> memref<512xi32, #tpu.memory_space<hbm>>
    %dma_start3A_42 = arith.constant 0 : i32
    %dma_start3A_43 = tpu.memref_slice %arg5[%dma_start3A_37, %dma_start3A_42] : memref<50x512xi32, #tpu.memory_space<vmem>> -> memref<1x512xi32, #tpu.memory_space<vmem>>
    %dma_start3A_44 = tpu.memref_squeeze %dma_start3A_43 : memref<1x512xi32, #tpu.memory_space<vmem>> -> memref<512xi32, #tpu.memory_space<vmem>>
    %dma_start3A_45 = tpu.memref_slice %arg2[%add3A_36] : memref<819200xi32, #tpu.memory_space<hbm>> -> memref<512xi32, #tpu.memory_space<hbm>>
    tpu.enqueue_dma source(%dma_start3A_45 : memref<512xi32, #tpu.memory_space<hbm>>) target(%dma_start3A_44 : memref<512xi32, #tpu.memory_space<vmem>>) target_semaphore(%arg8 : memref<!tpu.dma_semaphore, #tpu.memory_space<semaphore_mem>>)
    %add3A_46 = arith.constant 65536 : i32
    %add3A_47 = arith.addi %add3A_46, %mul3A_2 : i32
    %dma_start3A_48 = arith.constant 4 : i32
    %dma_start3A_49 = arith.constant 0 : i32
    %dma_start3A_50 = tpu.memref_slice %arg5[%dma_start3A_48, %dma_start3A_49] : memref<50x512xi32, #tpu.memory_space<vmem>> -> memref<1x512xi32, #tpu.memory_space<vmem>>
    %dma_start3A_51 = tpu.memref_squeeze %dma_start3A_50 : memref<1x512xi32, #tpu.memory_space<vmem>> -> memref<512xi32, #tpu.memory_space<vmem>>
    %dma_start3A_52 = tpu.memref_slice %arg2[%add3A_47] : memref<819200xi32, #tpu.memory_space<hbm>> -> memref<512xi32, #tpu.memory_space<hbm>>
    %dma_start3A_53 = arith.constant 0 : i32
    %dma_start3A_54 = tpu.memref_slice %arg5[%dma_start3A_48, %dma_start3A_53] : memref<50x512xi32, #tpu.memory_space<vmem>> -> memref<1x512xi32, #tpu.memory_space<vmem>>
    %dma_start3A_55 = tpu.memref_squeeze %dma_start3A_54 : memref<1x512xi32, #tpu.memory_space<vmem>> -> memref<512xi32, #tpu.memory_space<vmem>>
    %dma_start3A_56 = tpu.memref_slice %arg2[%add3A_47] : memref<819200xi32, #tpu.memory_space<hbm>> -> memref<512xi32, #tpu.memory_space<hbm>>
    tpu.enqueue_dma source(%dma_start3A_56 : memref<512xi32, #tpu.memory_space<hbm>>) target(%dma_start3A_55 : memref<512xi32, #tpu.memory_space<vmem>>) target_semaphore(%arg8 : memref<!tpu.dma_semaphore, #tpu.memory_space<semaphore_mem>>)
    %add3A_57 = arith.constant 81920 : i32
    %add3A_58 = arith.addi %add3A_57, %mul3A_2 : i32
    %dma_start3A_59 = arith.constant 5 : i32
    %dma_start3A_60 = arith.constant 0 : i32
    %dma_start3A_61 = tpu.memref_slice %arg5[%dma_start3A_59, %dma_start3A_60] : memref<50x512xi32, #tpu.memory_space<vmem>> -> memref<1x512xi32, #tpu.memory_space<vmem>>
    %dma_start3A_62 = tpu.memref_squeeze %dma_start3A_61 : memref<1x512xi32, #tpu.memory_space<vmem>> -> memref<512xi32, #tpu.memory_space<vmem>>
    %dma_start3A_63 = tpu.memref_slice %arg2[%add3A_58] : memref<819200xi32, #tpu.memory_space<hbm>> -> memref<512xi32, #tpu.memory_space<hbm>>
    %dma_start3A_64 = arith.constant 0 : i32
    %dma_start3A_65 = tpu.memref_slice %arg5[%dma_start3A_59, %dma_start3A_64] : memref<50x512xi32, #tpu.memory_space<vmem>> -> memref<1x512xi32, #tpu.memory_space<vmem>>
    %dma_start3A_66 = tpu.memref_squeeze %dma_start3A_65 : memref<1x512xi32, #tpu.memory_space<vmem>> -> memref<512xi32, #tpu.memory_space<vmem>>
    %dma_start3A_67 = tpu.memref_slice %arg2[%add3A_58] : memref<819200xi32, #tpu.memory_space<hbm>> -> memref<512xi32, #tpu.memory_space<hbm>>
    tpu.enqueue_dma source(%dma_start3A_67 : memref<512xi32, #tpu.memory_space<hbm>>) target(%dma_start3A_66 : memref<512xi32, #tpu.memory_space<vmem>>) target_semaphore(%arg8 : memref<!tpu.dma_semaphore, #tpu.memory_space<semaphore_mem>>)
    %add3A_68 = arith.constant 98304 : i32
    %add3A_69 = arith.addi %add3A_68, %mul3A_2 : i32
    %dma_start3A_70 = arith.constant 6 : i32
    %dma_start3A_71 = arith.constant 0 : i32
    %dma_start3A_72 = tpu.memref_slice %arg5[%dma_start3A_70, %dma_start3A_71] : memref<50x512xi32, #tpu.memory_space<vmem>> -> memref<1x512xi32, #tpu.memory_space<vmem>>
    %dma_start3A_73 = tpu.memref_squeeze %dma_start3A_72 : memref<1x512xi32, #tpu.memory_space<vmem>> -> memref<512xi32, #tpu.memory_space<vmem>>
    %dma_start3A_74 = tpu.memref_slice %arg2[%add3A_69] : memref<819200xi32, #tpu.memory_space<hbm>> -> memref<512xi32, #tpu.memory_space<hbm>>
    %dma_start3A_75 = arith.constant 0 : i32
    %dma_start3A_76 = tpu.memref_slice %arg5[%dma_start3A_70, %dma_start3A_75] : memref<50x512xi32, #tpu.memory_space<vmem>> -> memref<1x512xi32, #tpu.memory_space<vmem>>
    %dma_start3A_77 = tpu.memref_squeeze %dma_start3A_76 : memref<1x512xi32, #tpu.memory_space<vmem>> -> memref<512xi32, #tpu.memory_space<vmem>>
    %dma_start3A_78 = tpu.memref_slice %arg2[%add3A_69] : memref<819200xi32, #tpu.memory_space<hbm>> -> memref<512xi32, #tpu.memory_space<hbm>>
    tpu.enqueue_dma source(%dma_start3A_78 : memref<512xi32, #tpu.memory_space<hbm>>) target(%dma_start3A_77 : memref<512xi32, #tpu.memory_space<vmem>>) target_semaphore(%arg8 : memref<!tpu.dma_semaphore, #tpu.memory_space<semaphore_mem>>)
    %add3A_79 = arith.constant 114688 : i32
    %add3A_80 = arith.addi %add3A_79, %mul3A_2 : i32
    %dma_start3A_81 = arith.constant 7 : i32
    %dma_start3A_82 = arith.constant 0 : i32
    %dma_start3A_83 = tpu.memref_slice %arg5[%dma_start3A_81, %dma_start3A_82] : memref<50x512xi32, #tpu.memory_space<vmem>> -> memref<1x512xi32, #tpu.memory_space<vmem>>
    %dma_start3A_84 = tpu.memref_squeeze %dma_start3A_83 : memref<1x512xi32, #tpu.memory_space<vmem>> -> memref<512xi32, #tpu.memory_space<vmem>>
    %dma_start3A_85 = tpu.memref_slice %arg2[%add3A_80] : memref<819200xi32, #tpu.memory_space<hbm>> -> memref<512xi32, #tpu.memory_space<hbm>>
    %dma_start3A_86 = arith.constant 0 : i32
    %dma_start3A_87 = tpu.memref_slice %arg5[%dma_start3A_81, %dma_start3A_86] : memref<50x512xi32, #tpu.memory_space<vmem>> -> memref<1x512xi32, #tpu.memory_space<vmem>>
    %dma_start3A_88 = tpu.memref_squeeze %dma_start3A_87 : memref<1x512xi32, #tpu.memory_space<vmem>> -> memref<512xi32, #tpu.memory_space<vmem>>
    %dma_start3A_89 = tpu.memref_slice %arg2[%add3A_80] : memref<819200xi32, #tpu.memory_space<hbm>> -> memref<512xi32, #tpu.memory_space<hbm>>
    tpu.enqueue_dma source(%dma_start3A_89 : memref<512xi32, #tpu.memory_space<hbm>>) target(%dma_start3A_88 : memref<512xi32, #tpu.memory_space<vmem>>) target_semaphore(%arg8 : memref<!tpu.dma_semaphore, #tpu.memory_space<semaphore_mem>>)
    %add3A_90 = arith.constant 131072 : i32
    %add3A_91 = arith.addi %add3A_90, %mul3A_2 : i32
    %dma_start3A_92 = arith.constant 8 : i32
    %dma_start3A_93 = arith.constant 0 : i32
    %dma_start3A_94 = tpu.memref_slice %arg5[%dma_start3A_92, %dma_start3A_93] : memref<50x512xi32, #tpu.memory_space<vmem>> -> memref<1x512xi32, #tpu.memory_space<vmem>>
    %dma_start3A_95 = tpu.memref_squeeze %dma_start3A_94 : memref<1x512xi32, #tpu.memory_space<vmem>> -> memref<512xi32, #tpu.memory_space<vmem>>
    %dma_start3A_96 = tpu.memref_slice %arg2[%add3A_91] : memref<819200xi32, #tpu.memory_space<hbm>> -> memref<512xi32, #tpu.memory_space<hbm>>
    %dma_start3A_97 = arith.constant 0 : i32
    %dma_start3A_98 = tpu.memref_slice %arg5[%dma_start3A_92, %dma_start3A_97] : memref<50x512xi32, #tpu.memory_space<vmem>> -> memref<1x512xi32, #tpu.memory_space<vmem>>
    %dma_start3A_99 = tpu.memref_squeeze %dma_start3A_98 : memref<1x512xi32, #tpu.memory_space<vmem>> -> memref<512xi32, #tpu.memory_space<vmem>>
    %dma_start3A_100 = tpu.memref_slice %arg2[%add3A_91] : memref<819200xi32, #tpu.memory_space<hbm>> -> memref<512xi32, #tpu.memory_space<hbm>>
    tpu.enqueue_dma source(%dma_start3A_100 : memref<512xi32, #tpu.memory_space<hbm>>) target(%dma_start3A_99 : memref<512xi32, #tpu.memory_space<vmem>>) target_semaphore(%arg8 : memref<!tpu.dma_semaphore, #tpu.memory_space<semaphore_mem>>)
    %add3A_101 = arith.constant 147456 : i32
    %add3A_102 = arith.addi %add3A_101, %mul3A_2 : i32
    %dma_start3A_103 = arith.constant 9 : i32
    %dma_start3A_104 = arith.constant 0 : i32
    %dma_start3A_105 = tpu.memref_slice %arg5[%dma_start3A_103, %dma_start3A_104] : memref<50x512xi32, #tpu.memory_space<vmem>> -> memref<1x512xi32, #tpu.memory_space<vmem>>
    %dma_start3A_106 = tpu.memref_squeeze %dma_start3A_105 : memref<1x512xi32, #tpu.memory_space<vmem>> -> memref<512xi32, #tpu.memory_space<vmem>>
    %dma_start3A_107 = tpu.memref_slice %arg2[%add3A_102] : memref<819200xi32, #tpu.memory_space<hbm>> -> memref<512xi32, #tpu.memory_space<hbm>>
    %dma_start3A_108 = arith.constant 0 : i32
    %dma_start3A_109 = tpu.memref_slice %arg5[%dma_start3A_103, %dma_start3A_108] : memref<50x512xi32, #tpu.memory_space<vmem>> -> memref<1x512xi32, #tpu.memory_space<vmem>>
    %dma_start3A_110 = tpu.memref_squeeze %dma_start3A_109 : memref<1x512xi32, #tpu.memory_space<vmem>> -> memref<512xi32, #tpu.memory_space<vmem>>
    %dma_start3A_111 = tpu.memref_slice %arg2[%add3A_102] : memref<819200xi32, #tpu.memory_space<hbm>> -> memref<512xi32, #tpu.memory_space<hbm>>
    tpu.enqueue_dma source(%dma_start3A_111 : memref<512xi32, #tpu.memory_space<hbm>>) target(%dma_start3A_110 : memref<512xi32, #tpu.memory_space<vmem>>) target_semaphore(%arg8 : memref<!tpu.dma_semaphore, #tpu.memory_space<semaphore_mem>>)
    %add3A_112 = arith.constant 163840 : i32
    %add3A_113 = arith.addi %add3A_112, %mul3A_2 : i32
    %dma_start3A_114 = arith.constant 10 : i32
    %dma_start3A_115 = arith.constant 0 : i32
    %dma_start3A_116 = tpu.memref_slice %arg5[%dma_start3A_114, %dma_start3A_115] : memref<50x512xi32, #tpu.memory_space<vmem>> -> memref<1x512xi32, #tpu.memory_space<vmem>>
    %dma_start3A_117 = tpu.memref_squeeze %dma_start3A_116 : memref<1x512xi32, #tpu.memory_space<vmem>> -> memref<512xi32, #tpu.memory_space<vmem>>
    %dma_start3A_118 = tpu.memref_slice %arg2[%add3A_113] : memref<819200xi32, #tpu.memory_space<hbm>> -> memref<512xi32, #tpu.memory_space<hbm>>
    %dma_start3A_119 = arith.constant 0 : i32
    %dma_start3A_120 = tpu.memref_slice %arg5[%dma_start3A_114, %dma_start3A_119] : memref<50x512xi32, #tpu.memory_space<vmem>> -> memref<1x512xi32, #tpu.memory_space<vmem>>
    %dma_start3A_121 = tpu.memref_squeeze %dma_start3A_120 : memref<1x512xi32, #tpu.memory_space<vmem>> -> memref<512xi32, #tpu.memory_space<vmem>>
    %dma_start3A_122 = tpu.memref_slice %arg2[%add3A_113] : memref<819200xi32, #tpu.memory_space<hbm>> -> memref<512xi32, #tpu.memory_space<hbm>>
    tpu.enqueue_dma source(%dma_start3A_122 : memref<512xi32, #tpu.memory_space<hbm>>) target(%dma_start3A_121 : memref<512xi32, #tpu.memory_space<vmem>>) target_semaphore(%arg8 : memref<!tpu.dma_semaphore, #tpu.memory_space<semaphore_mem>>)
    %add3A_123 = arith.constant 180224 : i32
    %add3A_124 = arith.addi %add3A_123, %mul3A_2 : i32
    %dma_start3A_125 = arith.constant 11 : i32
    %dma_start3A_126 = arith.constant 0 : i32
    %dma_start3A_127 = tpu.memref_slice %arg5[%dma_start3A_125, %dma_start3A_126] : memref<50x512xi32, #tpu.memory_space<vmem>> -> memref<1x512xi32, #tpu.memory_space<vmem>>
    %dma_start3A_128 = tpu.memref_squeeze %dma_start3A_127 : memref<1x512xi32, #tpu.memory_space<vmem>> -> memref<512xi32, #tpu.memory_space<vmem>>
    %dma_start3A_129 = tpu.memref_slice %arg2[%add3A_124] : memref<819200xi32, #tpu.memory_space<hbm>> -> memref<512xi32, #tpu.memory_space<hbm>>
    %dma_start3A_130 = arith.constant 0 : i32
    %dma_start3A_131 = tpu.memref_slice %arg5[%dma_start3A_125, %dma_start3A_130] : memref<50x512xi32, #tpu.memory_space<vmem>> -> memref<1x512xi32, #tpu.memory_space<vmem>>
    %dma_start3A_132 = tpu.memref_squeeze %dma_start3A_131 : memref<1x512xi32, #tpu.memory_space<vmem>> -> memref<512xi32, #tpu.memory_space<vmem>>
    %dma_start3A_133 = tpu.memref_slice %arg2[%add3A_124] : memref<819200xi32, #tpu.memory_space<hbm>> -> memref<512xi32, #tpu.memory_space<hbm>>
    tpu.enqueue_dma source(%dma_start3A_133 : memref<512xi32, #tpu.memory_space<hbm>>) target(%dma_start3A_132 : memref<512xi32, #tpu.memory_space<vmem>>) target_semaphore(%arg8 : memref<!tpu.dma_semaphore, #tpu.memory_space<semaphore_mem>>)
    %add3A_134 = arith.constant 196608 : i32
    %add3A_135 = arith.addi %add3A_134, %mul3A_2 : i32
    %dma_start3A_136 = arith.constant 12 : i32
    %dma_start3A_137 = arith.constant 0 : i32
    %dma_start3A_138 = tpu.memref_slice %arg5[%dma_start3A_136, %dma_start3A_137] : memref<50x512xi32, #tpu.memory_space<vmem>> -> memref<1x512xi32, #tpu.memory_space<vmem>>
    %dma_start3A_139 = tpu.memref_squeeze %dma_start3A_138 : memref<1x512xi32, #tpu.memory_space<vmem>> -> memref<512xi32, #tpu.memory_space<vmem>>
    %dma_start3A_140 = tpu.memref_slice %arg2[%add3A_135] : memref<819200xi32, #tpu.memory_space<hbm>> -> memref<512xi32, #tpu.memory_space<hbm>>
    %dma_start3A_141 = arith.constant 0 : i32
    %dma_start3A_142 = tpu.memref_slice %arg5[%dma_start3A_136, %dma_start3A_141] : memref<50x512xi32, #tpu.memory_space<vmem>> -> memref<1x512xi32, #tpu.memory_space<vmem>>
    %dma_start3A_143 = tpu.memref_squeeze %dma_start3A_142 : memref<1x512xi32, #tpu.memory_space<vmem>> -> memref<512xi32, #tpu.memory_space<vmem>>
    %dma_start3A_144 = tpu.memref_slice %arg2[%add3A_135] : memref<819200xi32, #tpu.memory_space<hbm>> -> memref<512xi32, #tpu.memory_space<hbm>>
    tpu.enqueue_dma source(%dma_start3A_144 : memref<512xi32, #tpu.memory_space<hbm>>) target(%dma_start3A_143 : memref<512xi32, #tpu.memory_space<vmem>>) target_semaphore(%arg8 : memref<!tpu.dma_semaphore, #tpu.memory_space<semaphore_mem>>)
    %add3A_145 = arith.constant 212992 : i32
    %add3A_146 = arith.addi %add3A_145, %mul3A_2 : i32
    %dma_start3A_147 = arith.constant 13 : i32
    %dma_start3A_148 = arith.constant 0 : i32
    %dma_start3A_149 = tpu.memref_slice %arg5[%dma_start3A_147, %dma_start3A_148] : memref<50x512xi32, #tpu.memory_space<vmem>> -> memref<1x512xi32, #tpu.memory_space<vmem>>
    %dma_start3A_150 = tpu.memref_squeeze %dma_start3A_149 : memref<1x512xi32, #tpu.memory_space<vmem>> -> memref<512xi32, #tpu.memory_space<vmem>>
    %dma_start3A_151 = tpu.memref_slice %arg2[%add3A_146] : memref<819200xi32, #tpu.memory_space<hbm>> -> memref<512xi32, #tpu.memory_space<hbm>>
    %dma_start3A_152 = arith.constant 0 : i32
    %dma_start3A_153 = tpu.memref_slice %arg5[%dma_start3A_147, %dma_start3A_152] : memref<50x512xi32, #tpu.memory_space<vmem>> -> memref<1x512xi32, #tpu.memory_space<vmem>>
    %dma_start3A_154 = tpu.memref_squeeze %dma_start3A_153 : memref<1x512xi32, #tpu.memory_space<vmem>> -> memref<512xi32, #tpu.memory_space<vmem>>
    %dma_start3A_155 = tpu.memref_slice %arg2[%add3A_146] : memref<819200xi32, #tpu.memory_space<hbm>> -> memref<512xi32, #tpu.memory_space<hbm>>
    tpu.enqueue_dma source(%dma_start3A_155 : memref<512xi32, #tpu.memory_space<hbm>>) target(%dma_start3A_154 : memref<512xi32, #tpu.memory_space<vmem>>) target_semaphore(%arg8 : memref<!tpu.dma_semaphore, #tpu.memory_space<semaphore_mem>>)
    %add3A_156 = arith.constant 229376 : i32
    %add3A_157 = arith.addi %add3A_156, %mul3A_2 : i32
    %dma_start3A_158 = arith.constant 14 : i32
    %dma_start3A_159 = arith.constant 0 : i32
    %dma_start3A_160 = tpu.memref_slice %arg5[%dma_start3A_158, %dma_start3A_159] : memref<50x512xi32, #tpu.memory_space<vmem>> -> memref<1x512xi32, #tpu.memory_space<vmem>>
    %dma_start3A_161 = tpu.memref_squeeze %dma_start3A_160 : memref<1x512xi32, #tpu.memory_space<vmem>> -> memref<512xi32, #tpu.memory_space<vmem>>
    %dma_start3A_162 = tpu.memref_slice %arg2[%add3A_157] : memref<819200xi32, #tpu.memory_space<hbm>> -> memref<512xi32, #tpu.memory_space<hbm>>
    %dma_start3A_163 = arith.constant 0 : i32
    %dma_start3A_164 = tpu.memref_slice %arg5[%dma_start3A_158, %dma_start3A_163] : memref<50x512xi32, #tpu.memory_space<vmem>> -> memref<1x512xi32, #tpu.memory_space<vmem>>
    %dma_start3A_165 = tpu.memref_squeeze %dma_start3A_164 : memref<1x512xi32, #tpu.memory_space<vmem>> -> memref<512xi32, #tpu.memory_space<vmem>>
    %dma_start3A_166 = tpu.memref_slice %arg2[%add3A_157] : memref<819200xi32, #tpu.memory_space<hbm>> -> memref<512xi32, #tpu.memory_space<hbm>>
    tpu.enqueue_dma source(%dma_start3A_166 : memref<512xi32, #tpu.memory_space<hbm>>) target(%dma_start3A_165 : memref<512xi32, #tpu.memory_space<vmem>>) target_semaphore(%arg8 : memref<!tpu.dma_semaphore, #tpu.memory_space<semaphore_mem>>)
    %add3A_167 = arith.constant 245760 : i32
    %add3A_168 = arith.addi %add3A_167, %mul3A_2 : i32
    %dma_start3A_169 = arith.constant 15 : i32
    %dma_start3A_170 = arith.constant 0 : i32
    %dma_start3A_171 = tpu.memref_slice %arg5[%dma_start3A_169, %dma_start3A_170] : memref<50x512xi32, #tpu.memory_space<vmem>> -> memref<1x512xi32, #tpu.memory_space<vmem>>
    %dma_start3A_172 = tpu.memref_squeeze %dma_start3A_171 : memref<1x512xi32, #tpu.memory_space<vmem>> -> memref<512xi32, #tpu.memory_space<vmem>>
    %dma_start3A_173 = tpu.memref_slice %arg2[%add3A_168] : memref<819200xi32, #tpu.memory_space<hbm>> -> memref<512xi32, #tpu.memory_space<hbm>>
    %dma_start3A_174 = arith.constant 0 : i32
    %dma_start3A_175 = tpu.memref_slice %arg5[%dma_start3A_169, %dma_start3A_174] : memref<50x512xi32, #tpu.memory_space<vmem>> -> memref<1x512xi32, #tpu.memory_space<vmem>>
    %dma_start3A_176 = tpu.memref_squeeze %dma_start3A_175 : memref<1x512xi32, #tpu.memory_space<vmem>> -> memref<512xi32, #tpu.memory_space<vmem>>
    %dma_start3A_177 = tpu.memref_slice %arg2[%add3A_168] : memref<819200xi32, #tpu.memory_space<hbm>> -> memref<512xi32, #tpu.memory_space<hbm>>
    tpu.enqueue_dma source(%dma_start3A_177 : memref<512xi32, #tpu.memory_space<hbm>>) target(%dma_start3A_176 : memref<512xi32, #tpu.memory_space<vmem>>) target_semaphore(%arg8 : memref<!tpu.dma_semaphore, #tpu.memory_space<semaphore_mem>>)
    %add3A_178 = arith.constant 262144 : i32
    %add3A_179 = arith.addi %add3A_178, %mul3A_2 : i32
    %dma_start3A_180 = arith.constant 16 : i32
    %dma_start3A_181 = arith.constant 0 : i32
    %dma_start3A_182 = tpu.memref_slice %arg5[%dma_start3A_180, %dma_start3A_181] : memref<50x512xi32, #tpu.memory_space<vmem>> -> memref<1x512xi32, #tpu.memory_space<vmem>>
    %dma_start3A_183 = tpu.memref_squeeze %dma_start3A_182 : memref<1x512xi32, #tpu.memory_space<vmem>> -> memref<512xi32, #tpu.memory_space<vmem>>
    %dma_start3A_184 = tpu.memref_slice %arg2[%add3A_179] : memref<819200xi32, #tpu.memory_space<hbm>> -> memref<512xi32, #tpu.memory_space<hbm>>
    %dma_start3A_185 = arith.constant 0 : i32
    %dma_start3A_186 = tpu.memref_slice %arg5[%dma_start3A_180, %dma_start3A_185] : memref<50x512xi32, #tpu.memory_space<vmem>> -> memref<1x512xi32, #tpu.memory_space<vmem>>
    %dma_start3A_187 = tpu.memref_squeeze %dma_start3A_186 : memref<1x512xi32, #tpu.memory_space<vmem>> -> memref<512xi32, #tpu.memory_space<vmem>>
    %dma_start3A_188 = tpu.memref_slice %arg2[%add3A_179] : memref<819200xi32, #tpu.memory_space<hbm>> -> memref<512xi32, #tpu.memory_space<hbm>>
    tpu.enqueue_dma source(%dma_start3A_188 : memref<512xi32, #tpu.memory_space<hbm>>) target(%dma_start3A_187 : memref<512xi32, #tpu.memory_space<vmem>>) target_semaphore(%arg8 : memref<!tpu.dma_semaphore, #tpu.memory_space<semaphore_mem>>)
    %add3A_189 = arith.constant 278528 : i32
    %add3A_190 = arith.addi %add3A_189, %mul3A_2 : i32
    %dma_start3A_191 = arith.constant 17 : i32
    %dma_start3A_192 = arith.constant 0 : i32
    %dma_start3A_193 = tpu.memref_slice %arg5[%dma_start3A_191, %dma_start3A_192] : memref<50x512xi32, #tpu.memory_space<vmem>> -> memref<1x512xi32, #tpu.memory_space<vmem>>
    %dma_start3A_194 = tpu.memref_squeeze %dma_start3A_193 : memref<1x512xi32, #tpu.memory_space<vmem>> -> memref<512xi32, #tpu.memory_space<vmem>>
    %dma_start3A_195 = tpu.memref_slice %arg2[%add3A_190] : memref<819200xi32, #tpu.memory_space<hbm>> -> memref<512xi32, #tpu.memory_space<hbm>>
    %dma_start3A_196 = arith.constant 0 : i32
    %dma_start3A_197 = tpu.memref_slice %arg5[%dma_start3A_191, %dma_start3A_196] : memref<50x512xi32, #tpu.memory_space<vmem>> -> memref<1x512xi32, #tpu.memory_space<vmem>>
    %dma_start3A_198 = tpu.memref_squeeze %dma_start3A_197 : memref<1x512xi32, #tpu.memory_space<vmem>> -> memref<512xi32, #tpu.memory_space<vmem>>
    %dma_start3A_199 = tpu.memref_slice %arg2[%add3A_190] : memref<819200xi32, #tpu.memory_space<hbm>> -> memref<512xi32, #tpu.memory_space<hbm>>
    tpu.enqueue_dma source(%dma_start3A_199 : memref<512xi32, #tpu.memory_space<hbm>>) target(%dma_start3A_198 : memref<512xi32, #tpu.memory_space<vmem>>) target_semaphore(%arg8 : memref<!tpu.dma_semaphore, #tpu.memory_space<semaphore_mem>>)
    %add3A_200 = arith.constant 294912 : i32
    %add3A_201 = arith.addi %add3A_200, %mul3A_2 : i32
    %dma_start3A_202 = arith.constant 18 : i32
    %dma_start3A_203 = arith.constant 0 : i32
    %dma_start3A_204 = tpu.memref_slice %arg5[%dma_start3A_202, %dma_start3A_203] : memref<50x512xi32, #tpu.memory_space<vmem>> -> memref<1x512xi32, #tpu.memory_space<vmem>>
    %dma_start3A_205 = tpu.memref_squeeze %dma_start3A_204 : memref<1x512xi32, #tpu.memory_space<vmem>> -> memref<512xi32, #tpu.memory_space<vmem>>
    %dma_start3A_206 = tpu.memref_slice %arg2[%add3A_201] : memref<819200xi32, #tpu.memory_space<hbm>> -> memref<512xi32, #tpu.memory_space<hbm>>
    %dma_start3A_207 = arith.constant 0 : i32
    %dma_start3A_208 = tpu.memref_slice %arg5[%dma_start3A_202, %dma_start3A_207] : memref<50x512xi32, #tpu.memory_space<vmem>> -> memref<1x512xi32, #tpu.memory_space<vmem>>
    %dma_start3A_209 = tpu.memref_squeeze %dma_start3A_208 : memref<1x512xi32, #tpu.memory_space<vmem>> -> memref<512xi32, #tpu.memory_space<vmem>>
    %dma_start3A_210 = tpu.memref_slice %arg2[%add3A_201] : memref<819200xi32, #tpu.memory_space<hbm>> -> memref<512xi32, #tpu.memory_space<hbm>>
    tpu.enqueue_dma source(%dma_start3A_210 : memref<512xi32, #tpu.memory_space<hbm>>) target(%dma_start3A_209 : memref<512xi32, #tpu.memory_space<vmem>>) target_semaphore(%arg8 : memref<!tpu.dma_semaphore, #tpu.memory_space<semaphore_mem>>)
    %add3A_211 = arith.constant 311296 : i32
    %add3A_212 = arith.addi %add3A_211, %mul3A_2 : i32
    %dma_start3A_213 = arith.constant 19 : i32
    %dma_start3A_214 = arith.constant 0 : i32
    %dma_start3A_215 = tpu.memref_slice %arg5[%dma_start3A_213, %dma_start3A_214] : memref<50x512xi32, #tpu.memory_space<vmem>> -> memref<1x512xi32, #tpu.memory_space<vmem>>
    %dma_start3A_216 = tpu.memref_squeeze %dma_start3A_215 : memref<1x512xi32, #tpu.memory_space<vmem>> -> memref<512xi32, #tpu.memory_space<vmem>>
    %dma_start3A_217 = tpu.memref_slice %arg2[%add3A_212] : memref<819200xi32, #tpu.memory_space<hbm>> -> memref<512xi32, #tpu.memory_space<hbm>>
    %dma_start3A_218 = arith.constant 0 : i32
    %dma_start3A_219 = tpu.memref_slice %arg5[%dma_start3A_213, %dma_start3A_218] : memref<50x512xi32, #tpu.memory_space<vmem>> -> memref<1x512xi32, #tpu.memory_space<vmem>>
    %dma_start3A_220 = tpu.memref_squeeze %dma_start3A_219 : memref<1x512xi32, #tpu.memory_space<vmem>> -> memref<512xi32, #tpu.memory_space<vmem>>
    %dma_start3A_221 = tpu.memref_slice %arg2[%add3A_212] : memref<819200xi32, #tpu.memory_space<hbm>> -> memref<512xi32, #tpu.memory_space<hbm>>
    tpu.enqueue_dma source(%dma_start3A_221 : memref<512xi32, #tpu.memory_space<hbm>>) target(%dma_start3A_220 : memref<512xi32, #tpu.memory_space<vmem>>) target_semaphore(%arg8 : memref<!tpu.dma_semaphore, #tpu.memory_space<semaphore_mem>>)
    %add3A_222 = arith.constant 327680 : i32
    %add3A_223 = arith.addi %add3A_222, %mul3A_2 : i32
    %dma_start3A_224 = arith.constant 20 : i32
    %dma_start3A_225 = arith.constant 0 : i32
    %dma_start3A_226 = tpu.memref_slice %arg5[%dma_start3A_224, %dma_start3A_225] : memref<50x512xi32, #tpu.memory_space<vmem>> -> memref<1x512xi32, #tpu.memory_space<vmem>>
    %dma_start3A_227 = tpu.memref_squeeze %dma_start3A_226 : memref<1x512xi32, #tpu.memory_space<vmem>> -> memref<512xi32, #tpu.memory_space<vmem>>
    %dma_start3A_228 = tpu.memref_slice %arg2[%add3A_223] : memref<819200xi32, #tpu.memory_space<hbm>> -> memref<512xi32, #tpu.memory_space<hbm>>
    %dma_start3A_229 = arith.constant 0 : i32
    %dma_start3A_230 = tpu.memref_slice %arg5[%dma_start3A_224, %dma_start3A_229] : memref<50x512xi32, #tpu.memory_space<vmem>> -> memref<1x512xi32, #tpu.memory_space<vmem>>
    %dma_start3A_231 = tpu.memref_squeeze %dma_start3A_230 : memref<1x512xi32, #tpu.memory_space<vmem>> -> memref<512xi32, #tpu.memory_space<vmem>>
    %dma_start3A_232 = tpu.memref_slice %arg2[%add3A_223] : memref<819200xi32, #tpu.memory_space<hbm>> -> memref<512xi32, #tpu.memory_space<hbm>>
    tpu.enqueue_dma source(%dma_start3A_232 : memref<512xi32, #tpu.memory_space<hbm>>) target(%dma_start3A_231 : memref<512xi32, #tpu.memory_space<vmem>>) target_semaphore(%arg8 : memref<!tpu.dma_semaphore, #tpu.memory_space<semaphore_mem>>)
    %add3A_233 = arith.constant 344064 : i32
    %add3A_234 = arith.addi %add3A_233, %mul3A_2 : i32
    %dma_start3A_235 = arith.constant 21 : i32
    %dma_start3A_236 = arith.constant 0 : i32
    %dma_start3A_237 = tpu.memref_slice %arg5[%dma_start3A_235, %dma_start3A_236] : memref<50x512xi32, #tpu.memory_space<vmem>> -> memref<1x512xi32, #tpu.memory_space<vmem>>
    %dma_start3A_238 = tpu.memref_squeeze %dma_start3A_237 : memref<1x512xi32, #tpu.memory_space<vmem>> -> memref<512xi32, #tpu.memory_space<vmem>>
    %dma_start3A_239 = tpu.memref_slice %arg2[%add3A_234] : memref<819200xi32, #tpu.memory_space<hbm>> -> memref<512xi32, #tpu.memory_space<hbm>>
    %dma_start3A_240 = arith.constant 0 : i32
    %dma_start3A_241 = tpu.memref_slice %arg5[%dma_start3A_235, %dma_start3A_240] : memref<50x512xi32, #tpu.memory_space<vmem>> -> memref<1x512xi32, #tpu.memory_space<vmem>>
    %dma_start3A_242 = tpu.memref_squeeze %dma_start3A_241 : memref<1x512xi32, #tpu.memory_space<vmem>> -> memref<512xi32, #tpu.memory_space<vmem>>
    %dma_start3A_243 = tpu.memref_slice %arg2[%add3A_234] : memref<819200xi32, #tpu.memory_space<hbm>> -> memref<512xi32, #tpu.memory_space<hbm>>
    tpu.enqueue_dma source(%dma_start3A_243 : memref<512xi32, #tpu.memory_space<hbm>>) target(%dma_start3A_242 : memref<512xi32, #tpu.memory_space<vmem>>) target_semaphore(%arg8 : memref<!tpu.dma_semaphore, #tpu.memory_space<semaphore_mem>>)
    %add3A_244 = arith.constant 360448 : i32
    %add3A_245 = arith.addi %add3A_244, %mul3A_2 : i32
    %dma_start3A_246 = arith.constant 22 : i32
    %dma_start3A_247 = arith.constant 0 : i32
    %dma_start3A_248 = tpu.memref_slice %arg5[%dma_start3A_246, %dma_start3A_247] : memref<50x512xi32, #tpu.memory_space<vmem>> -> memref<1x512xi32, #tpu.memory_space<vmem>>
    %dma_start3A_249 = tpu.memref_squeeze %dma_start3A_248 : memref<1x512xi32, #tpu.memory_space<vmem>> -> memref<512xi32, #tpu.memory_space<vmem>>
    %dma_start3A_250 = tpu.memref_slice %arg2[%add3A_245] : memref<819200xi32, #tpu.memory_space<hbm>> -> memref<512xi32, #tpu.memory_space<hbm>>
    %dma_start3A_251 = arith.constant 0 : i32
    %dma_start3A_252 = tpu.memref_slice %arg5[%dma_start3A_246, %dma_start3A_251] : memref<50x512xi32, #tpu.memory_space<vmem>> -> memref<1x512xi32, #tpu.memory_space<vmem>>
    %dma_start3A_253 = tpu.memref_squeeze %dma_start3A_252 : memref<1x512xi32, #tpu.memory_space<vmem>> -> memref<512xi32, #tpu.memory_space<vmem>>
    %dma_start3A_254 = tpu.memref_slice %arg2[%add3A_245] : memref<819200xi32, #tpu.memory_space<hbm>> -> memref<512xi32, #tpu.memory_space<hbm>>
    tpu.enqueue_dma source(%dma_start3A_254 : memref<512xi32, #tpu.memory_space<hbm>>) target(%dma_start3A_253 : memref<512xi32, #tpu.memory_space<vmem>>) target_semaphore(%arg8 : memref<!tpu.dma_semaphore, #tpu.memory_space<semaphore_mem>>)
    %add3A_255 = arith.constant 376832 : i32
    %add3A_256 = arith.addi %add3A_255, %mul3A_2 : i32
    %dma_start3A_257 = arith.constant 23 : i32
    %dma_start3A_258 = arith.constant 0 : i32
    %dma_start3A_259 = tpu.memref_slice %arg5[%dma_start3A_257, %dma_start3A_258] : memref<50x512xi32, #tpu.memory_space<vmem>> -> memref<1x512xi32, #tpu.memory_space<vmem>>
    %dma_start3A_260 = tpu.memref_squeeze %dma_start3A_259 : memref<1x512xi32, #tpu.memory_space<vmem>> -> memref<512xi32, #tpu.memory_space<vmem>>
    %dma_start3A_261 = tpu.memref_slice %arg2[%add3A_256] : memref<819200xi32, #tpu.memory_space<hbm>> -> memref<512xi32, #tpu.memory_space<hbm>>
    %dma_start3A_262 = arith.constant 0 : i32
    %dma_start3A_263 = tpu.memref_slice %arg5[%dma_start3A_257, %dma_start3A_262] : memref<50x512xi32, #tpu.memory_space<vmem>> -> memref<1x512xi32, #tpu.memory_space<vmem>>
    %dma_start3A_264 = tpu.memref_squeeze %dma_start3A_263 : memref<1x512xi32, #tpu.memory_space<vmem>> -> memref<512xi32, #tpu.memory_space<vmem>>
    %dma_start3A_265 = tpu.memref_slice %arg2[%add3A_256] : memref<819200xi32, #tpu.memory_space<hbm>> -> memref<512xi32, #tpu.memory_space<hbm>>
    tpu.enqueue_dma source(%dma_start3A_265 : memref<512xi32, #tpu.memory_space<hbm>>) target(%dma_start3A_264 : memref<512xi32, #tpu.memory_space<vmem>>) target_semaphore(%arg8 : memref<!tpu.dma_semaphore, #tpu.memory_space<semaphore_mem>>)
    %add3A_266 = arith.constant 393216 : i32
    %add3A_267 = arith.addi %add3A_266, %mul3A_2 : i32
    %dma_start3A_268 = arith.constant 24 : i32
    %dma_start3A_269 = arith.constant 0 : i32
    %dma_start3A_270 = tpu.memref_slice %arg5[%dma_start3A_268, %dma_start3A_269] : memref<50x512xi32, #tpu.memory_space<vmem>> -> memref<1x512xi32, #tpu.memory_space<vmem>>
    %dma_start3A_271 = tpu.memref_squeeze %dma_start3A_270 : memref<1x512xi32, #tpu.memory_space<vmem>> -> memref<512xi32, #tpu.memory_space<vmem>>
    %dma_start3A_272 = tpu.memref_slice %arg2[%add3A_267] : memref<819200xi32, #tpu.memory_space<hbm>> -> memref<512xi32, #tpu.memory_space<hbm>>
    %dma_start3A_273 = arith.constant 0 : i32
    %dma_start3A_274 = tpu.memref_slice %arg5[%dma_start3A_268, %dma_start3A_273] : memref<50x512xi32, #tpu.memory_space<vmem>> -> memref<1x512xi32, #tpu.memory_space<vmem>>
    %dma_start3A_275 = tpu.memref_squeeze %dma_start3A_274 : memref<1x512xi32, #tpu.memory_space<vmem>> -> memref<512xi32, #tpu.memory_space<vmem>>
    %dma_start3A_276 = tpu.memref_slice %arg2[%add3A_267] : memref<819200xi32, #tpu.memory_space<hbm>> -> memref<512xi32, #tpu.memory_space<hbm>>
    tpu.enqueue_dma source(%dma_start3A_276 : memref<512xi32, #tpu.memory_space<hbm>>) target(%dma_start3A_275 : memref<512xi32, #tpu.memory_space<vmem>>) target_semaphore(%arg8 : memref<!tpu.dma_semaphore, #tpu.memory_space<semaphore_mem>>)
    %add3A_277 = arith.constant 409600 : i32
    %add3A_278 = arith.addi %add3A_277, %mul3A_2 : i32
    %dma_start3A_279 = arith.constant 25 : i32
    %dma_start3A_280 = arith.constant 0 : i32
    %dma_start3A_281 = tpu.memref_slice %arg5[%dma_start3A_279, %dma_start3A_280] : memref<50x512xi32, #tpu.memory_space<vmem>> -> memref<1x512xi32, #tpu.memory_space<vmem>>
    %dma_start3A_282 = tpu.memref_squeeze %dma_start3A_281 : memref<1x512xi32, #tpu.memory_space<vmem>> -> memref<512xi32, #tpu.memory_space<vmem>>
    %dma_start3A_283 = tpu.memref_slice %arg2[%add3A_278] : memref<819200xi32, #tpu.memory_space<hbm>> -> memref<512xi32, #tpu.memory_space<hbm>>
    %dma_start3A_284 = arith.constant 0 : i32
    %dma_start3A_285 = tpu.memref_slice %arg5[%dma_start3A_279, %dma_start3A_284] : memref<50x512xi32, #tpu.memory_space<vmem>> -> memref<1x512xi32, #tpu.memory_space<vmem>>
    %dma_start3A_286 = tpu.memref_squeeze %dma_start3A_285 : memref<1x512xi32, #tpu.memory_space<vmem>> -> memref<512xi32, #tpu.memory_space<vmem>>
    %dma_start3A_287 = tpu.memref_slice %arg2[%add3A_278] : memref<819200xi32, #tpu.memory_space<hbm>> -> memref<512xi32, #tpu.memory_space<hbm>>
    tpu.enqueue_dma source(%dma_start3A_287 : memref<512xi32, #tpu.memory_space<hbm>>) target(%dma_start3A_286 : memref<512xi32, #tpu.memory_space<vmem>>) target_semaphore(%arg8 : memref<!tpu.dma_semaphore, #tpu.memory_space<semaphore_mem>>)
    %add3A_288 = arith.constant 425984 : i32
    %add3A_289 = arith.addi %add3A_288, %mul3A_2 : i32
    %dma_start3A_290 = arith.constant 26 : i32
    %dma_start3A_291 = arith.constant 0 : i32
    %dma_start3A_292 = tpu.memref_slice %arg5[%dma_start3A_290, %dma_start3A_291] : memref<50x512xi32, #tpu.memory_space<vmem>> -> memref<1x512xi32, #tpu.memory_space<vmem>>
    %dma_start3A_293 = tpu.memref_squeeze %dma_start3A_292 : memref<1x512xi32, #tpu.memory_space<vmem>> -> memref<512xi32, #tpu.memory_space<vmem>>
    %dma_start3A_294 = tpu.memref_slice %arg2[%add3A_289] : memref<819200xi32, #tpu.memory_space<hbm>> -> memref<512xi32, #tpu.memory_space<hbm>>
    %dma_start3A_295 = arith.constant 0 : i32
    %dma_start3A_296 = tpu.memref_slice %arg5[%dma_start3A_290, %dma_start3A_295] : memref<50x512xi32, #tpu.memory_space<vmem>> -> memref<1x512xi32, #tpu.memory_space<vmem>>
    %dma_start3A_297 = tpu.memref_squeeze %dma_start3A_296 : memref<1x512xi32, #tpu.memory_space<vmem>> -> memref<512xi32, #tpu.memory_space<vmem>>
    %dma_start3A_298 = tpu.memref_slice %arg2[%add3A_289] : memref<819200xi32, #tpu.memory_space<hbm>> -> memref<512xi32, #tpu.memory_space<hbm>>
    tpu.enqueue_dma source(%dma_start3A_298 : memref<512xi32, #tpu.memory_space<hbm>>) target(%dma_start3A_297 : memref<512xi32, #tpu.memory_space<vmem>>) target_semaphore(%arg8 : memref<!tpu.dma_semaphore, #tpu.memory_space<semaphore_mem>>)
    %add3A_299 = arith.constant 442368 : i32
    %add3A_300 = arith.addi %add3A_299, %mul3A_2 : i32
    %dma_start3A_301 = arith.constant 27 : i32
    %dma_start3A_302 = arith.constant 0 : i32
    %dma_start3A_303 = tpu.memref_slice %arg5[%dma_start3A_301, %dma_start3A_302] : memref<50x512xi32, #tpu.memory_space<vmem>> -> memref<1x512xi32, #tpu.memory_space<vmem>>
    %dma_start3A_304 = tpu.memref_squeeze %dma_start3A_303 : memref<1x512xi32, #tpu.memory_space<vmem>> -> memref<512xi32, #tpu.memory_space<vmem>>
    %dma_start3A_305 = tpu.memref_slice %arg2[%add3A_300] : memref<819200xi32, #tpu.memory_space<hbm>> -> memref<512xi32, #tpu.memory_space<hbm>>
    %dma_start3A_306 = arith.constant 0 : i32
    %dma_start3A_307 = tpu.memref_slice %arg5[%dma_start3A_301, %dma_start3A_306] : memref<50x512xi32, #tpu.memory_space<vmem>> -> memref<1x512xi32, #tpu.memory_space<vmem>>
    %dma_start3A_308 = tpu.memref_squeeze %dma_start3A_307 : memref<1x512xi32, #tpu.memory_space<vmem>> -> memref<512xi32, #tpu.memory_space<vmem>>
    %dma_start3A_309 = tpu.memref_slice %arg2[%add3A_300] : memref<819200xi32, #tpu.memory_space<hbm>> -> memref<512xi32, #tpu.memory_space<hbm>>
    tpu.enqueue_dma source(%dma_start3A_309 : memref<512xi32, #tpu.memory_space<hbm>>) target(%dma_start3A_308 : memref<512xi32, #tpu.memory_space<vmem>>) target_semaphore(%arg8 : memref<!tpu.dma_semaphore, #tpu.memory_space<semaphore_mem>>)
    %add3A_310 = arith.constant 458752 : i32
    %add3A_311 = arith.addi %add3A_310, %mul3A_2 : i32
    %dma_start3A_312 = arith.constant 28 : i32
    %dma_start3A_313 = arith.constant 0 : i32
    %dma_start3A_314 = tpu.memref_slice %arg5[%dma_start3A_312, %dma_start3A_313] : memref<50x512xi32, #tpu.memory_space<vmem>> -> memref<1x512xi32, #tpu.memory_space<vmem>>
    %dma_start3A_315 = tpu.memref_squeeze %dma_start3A_314 : memref<1x512xi32, #tpu.memory_space<vmem>> -> memref<512xi32, #tpu.memory_space<vmem>>
    %dma_start3A_316 = tpu.memref_slice %arg2[%add3A_311] : memref<819200xi32, #tpu.memory_space<hbm>> -> memref<512xi32, #tpu.memory_space<hbm>>
    %dma_start3A_317 = arith.constant 0 : i32
    %dma_start3A_318 = tpu.memref_slice %arg5[%dma_start3A_312, %dma_start3A_317] : memref<50x512xi32, #tpu.memory_space<vmem>> -> memref<1x512xi32, #tpu.memory_space<vmem>>
    %dma_start3A_319 = tpu.memref_squeeze %dma_start3A_318 : memref<1x512xi32, #tpu.memory_space<vmem>> -> memref<512xi32, #tpu.memory_space<vmem>>
    %dma_start3A_320 = tpu.memref_slice %arg2[%add3A_311] : memref<819200xi32, #tpu.memory_space<hbm>> -> memref<512xi32, #tpu.memory_space<hbm>>
    tpu.enqueue_dma source(%dma_start3A_320 : memref<512xi32, #tpu.memory_space<hbm>>) target(%dma_start3A_319 : memref<512xi32, #tpu.memory_space<vmem>>) target_semaphore(%arg8 : memref<!tpu.dma_semaphore, #tpu.memory_space<semaphore_mem>>)
    %add3A_321 = arith.constant 475136 : i32
    %add3A_322 = arith.addi %add3A_321, %mul3A_2 : i32
    %dma_start3A_323 = arith.constant 29 : i32
    %dma_start3A_324 = arith.constant 0 : i32
    %dma_start3A_325 = tpu.memref_slice %arg5[%dma_start3A_323, %dma_start3A_324] : memref<50x512xi32, #tpu.memory_space<vmem>> -> memref<1x512xi32, #tpu.memory_space<vmem>>
    %dma_start3A_326 = tpu.memref_squeeze %dma_start3A_325 : memref<1x512xi32, #tpu.memory_space<vmem>> -> memref<512xi32, #tpu.memory_space<vmem>>
    %dma_start3A_327 = tpu.memref_slice %arg2[%add3A_322] : memref<819200xi32, #tpu.memory_space<hbm>> -> memref<512xi32, #tpu.memory_space<hbm>>
    %dma_start3A_328 = arith.constant 0 : i32
    %dma_start3A_329 = tpu.memref_slice %arg5[%dma_start3A_323, %dma_start3A_328] : memref<50x512xi32, #tpu.memory_space<vmem>> -> memref<1x512xi32, #tpu.memory_space<vmem>>
    %dma_start3A_330 = tpu.memref_squeeze %dma_start3A_329 : memref<1x512xi32, #tpu.memory_space<vmem>> -> memref<512xi32, #tpu.memory_space<vmem>>
    %dma_start3A_331 = tpu.memref_slice %arg2[%add3A_322] : memref<819200xi32, #tpu.memory_space<hbm>> -> memref<512xi32, #tpu.memory_space<hbm>>
    tpu.enqueue_dma source(%dma_start3A_331 : memref<512xi32, #tpu.memory_space<hbm>>) target(%dma_start3A_330 : memref<512xi32, #tpu.memory_space<vmem>>) target_semaphore(%arg8 : memref<!tpu.dma_semaphore, #tpu.memory_space<semaphore_mem>>)
    %add3A_332 = arith.constant 491520 : i32
    %add3A_333 = arith.addi %add3A_332, %mul3A_2 : i32
    %dma_start3A_334 = arith.constant 30 : i32
    %dma_start3A_335 = arith.constant 0 : i32
    %dma_start3A_336 = tpu.memref_slice %arg5[%dma_start3A_334, %dma_start3A_335] : memref<50x512xi32, #tpu.memory_space<vmem>> -> memref<1x512xi32, #tpu.memory_space<vmem>>
    %dma_start3A_337 = tpu.memref_squeeze %dma_start3A_336 : memref<1x512xi32, #tpu.memory_space<vmem>> -> memref<512xi32, #tpu.memory_space<vmem>>
    %dma_start3A_338 = tpu.memref_slice %arg2[%add3A_333] : memref<819200xi32, #tpu.memory_space<hbm>> -> memref<512xi32, #tpu.memory_space<hbm>>
    %dma_start3A_339 = arith.constant 0 : i32
    %dma_start3A_340 = tpu.memref_slice %arg5[%dma_start3A_334, %dma_start3A_339] : memref<50x512xi32, #tpu.memory_space<vmem>> -> memref<1x512xi32, #tpu.memory_space<vmem>>
    %dma_start3A_341 = tpu.memref_squeeze %dma_start3A_340 : memref<1x512xi32, #tpu.memory_space<vmem>> -> memref<512xi32, #tpu.memory_space<vmem>>
    %dma_start3A_342 = tpu.memref_slice %arg2[%add3A_333] : memref<819200xi32, #tpu.memory_space<hbm>> -> memref<512xi32, #tpu.memory_space<hbm>>
    tpu.enqueue_dma source(%dma_start3A_342 : memref<512xi32, #tpu.memory_space<hbm>>) target(%dma_start3A_341 : memref<512xi32, #tpu.memory_space<vmem>>) target_semaphore(%arg8 : memref<!tpu.dma_semaphore, #tpu.memory_space<semaphore_mem>>)
    %add3A_343 = arith.constant 507904 : i32
    %add3A_344 = arith.addi %add3A_343, %mul3A_2 : i32
    %dma_start3A_345 = arith.constant 31 : i32
    %dma_start3A_346 = arith.constant 0 : i32
    %dma_start3A_347 = tpu.memref_slice %arg5[%dma_start3A_345, %dma_start3A_346] : memref<50x512xi32, #tpu.memory_space<vmem>> -> memref<1x512xi32, #tpu.memory_space<vmem>>
    %dma_start3A_348 = tpu.memref_squeeze %dma_start3A_347 : memref<1x512xi32, #tpu.memory_space<vmem>> -> memref<512xi32, #tpu.memory_space<vmem>>
    %dma_start3A_349 = tpu.memref_slice %arg2[%add3A_344] : memref<819200xi32, #tpu.memory_space<hbm>> -> memref<512xi32, #tpu.memory_space<hbm>>
    %dma_start3A_350 = arith.constant 0 : i32
    %dma_start3A_351 = tpu.memref_slice %arg5[%dma_start3A_345, %dma_start3A_350] : memref<50x512xi32, #tpu.memory_space<vmem>> -> memref<1x512xi32, #tpu.memory_space<vmem>>
    %dma_start3A_352 = tpu.memref_squeeze %dma_start3A_351 : memref<1x512xi32, #tpu.memory_space<vmem>> -> memref<512xi32, #tpu.memory_space<vmem>>
    %dma_start3A_353 = tpu.memref_slice %arg2[%add3A_344] : memref<819200xi32, #tpu.memory_space<hbm>> -> memref<512xi32, #tpu.memory_space<hbm>>
    tpu.enqueue_dma source(%dma_start3A_353 : memref<512xi32, #tpu.memory_space<hbm>>) target(%dma_start3A_352 : memref<512xi32, #tpu.memory_space<vmem>>) target_semaphore(%arg8 : memref<!tpu.dma_semaphore, #tpu.memory_space<semaphore_mem>>)
    %add3A_354 = arith.constant 524288 : i32
    %add3A_355 = arith.addi %add3A_354, %mul3A_2 : i32
    %dma_start3A_356 = arith.constant 32 : i32
    %dma_start3A_357 = arith.constant 0 : i32
    %dma_start3A_358 = tpu.memref_slice %arg5[%dma_start3A_356, %dma_start3A_357] : memref<50x512xi32, #tpu.memory_space<vmem>> -> memref<1x512xi32, #tpu.memory_space<vmem>>
    %dma_start3A_359 = tpu.memref_squeeze %dma_start3A_358 : memref<1x512xi32, #tpu.memory_space<vmem>> -> memref<512xi32, #tpu.memory_space<vmem>>
    %dma_start3A_360 = tpu.memref_slice %arg2[%add3A_355] : memref<819200xi32, #tpu.memory_space<hbm>> -> memref<512xi32, #tpu.memory_space<hbm>>
    %dma_start3A_361 = arith.constant 0 : i32
    %dma_start3A_362 = tpu.memref_slice %arg5[%dma_start3A_356, %dma_start3A_361] : memref<50x512xi32, #tpu.memory_space<vmem>> -> memref<1x512xi32, #tpu.memory_space<vmem>>
    %dma_start3A_363 = tpu.memref_squeeze %dma_start3A_362 : memref<1x512xi32, #tpu.memory_space<vmem>> -> memref<512xi32, #tpu.memory_space<vmem>>
    %dma_start3A_364 = tpu.memref_slice %arg2[%add3A_355] : memref<819200xi32, #tpu.memory_space<hbm>> -> memref<512xi32, #tpu.memory_space<hbm>>
    tpu.enqueue_dma source(%dma_start3A_364 : memref<512xi32, #tpu.memory_space<hbm>>) target(%dma_start3A_363 : memref<512xi32, #tpu.memory_space<vmem>>) target_semaphore(%arg8 : memref<!tpu.dma_semaphore, #tpu.memory_space<semaphore_mem>>)
    %add3A_365 = arith.constant 540672 : i32
    %add3A_366 = arith.addi %add3A_365, %mul3A_2 : i32
    %dma_start3A_367 = arith.constant 33 : i32
    %dma_start3A_368 = arith.constant 0 : i32
    %dma_start3A_369 = tpu.memref_slice %arg5[%dma_start3A_367, %dma_start3A_368] : memref<50x512xi32, #tpu.memory_space<vmem>> -> memref<1x512xi32, #tpu.memory_space<vmem>>
    %dma_start3A_370 = tpu.memref_squeeze %dma_start3A_369 : memref<1x512xi32, #tpu.memory_space<vmem>> -> memref<512xi32, #tpu.memory_space<vmem>>
    %dma_start3A_371 = tpu.memref_slice %arg2[%add3A_366] : memref<819200xi32, #tpu.memory_space<hbm>> -> memref<512xi32, #tpu.memory_space<hbm>>
    %dma_start3A_372 = arith.constant 0 : i32
    %dma_start3A_373 = tpu.memref_slice %arg5[%dma_start3A_367, %dma_start3A_372] : memref<50x512xi32, #tpu.memory_space<vmem>> -> memref<1x512xi32, #tpu.memory_space<vmem>>
    %dma_start3A_374 = tpu.memref_squeeze %dma_start3A_373 : memref<1x512xi32, #tpu.memory_space<vmem>> -> memref<512xi32, #tpu.memory_space<vmem>>
    %dma_start3A_375 = tpu.memref_slice %arg2[%add3A_366] : memref<819200xi32, #tpu.memory_space<hbm>> -> memref<512xi32, #tpu.memory_space<hbm>>
    tpu.enqueue_dma source(%dma_start3A_375 : memref<512xi32, #tpu.memory_space<hbm>>) target(%dma_start3A_374 : memref<512xi32, #tpu.memory_space<vmem>>) target_semaphore(%arg8 : memref<!tpu.dma_semaphore, #tpu.memory_space<semaphore_mem>>)
    %add3A_376 = arith.constant 557056 : i32
    %add3A_377 = arith.addi %add3A_376, %mul3A_2 : i32
    %dma_start3A_378 = arith.constant 34 : i32
    %dma_start3A_379 = arith.constant 0 : i32
    %dma_start3A_380 = tpu.memref_slice %arg5[%dma_start3A_378, %dma_start3A_379] : memref<50x512xi32, #tpu.memory_space<vmem>> -> memref<1x512xi32, #tpu.memory_space<vmem>>
    %dma_start3A_381 = tpu.memref_squeeze %dma_start3A_380 : memref<1x512xi32, #tpu.memory_space<vmem>> -> memref<512xi32, #tpu.memory_space<vmem>>
    %dma_start3A_382 = tpu.memref_slice %arg2[%add3A_377] : memref<819200xi32, #tpu.memory_space<hbm>> -> memref<512xi32, #tpu.memory_space<hbm>>
    %dma_start3A_383 = arith.constant 0 : i32
    %dma_start3A_384 = tpu.memref_slice %arg5[%dma_start3A_378, %dma_start3A_383] : memref<50x512xi32, #tpu.memory_space<vmem>> -> memref<1x512xi32, #tpu.memory_space<vmem>>
    %dma_start3A_385 = tpu.memref_squeeze %dma_start3A_384 : memref<1x512xi32, #tpu.memory_space<vmem>> -> memref<512xi32, #tpu.memory_space<vmem>>
    %dma_start3A_386 = tpu.memref_slice %arg2[%add3A_377] : memref<819200xi32, #tpu.memory_space<hbm>> -> memref<512xi32, #tpu.memory_space<hbm>>
    tpu.enqueue_dma source(%dma_start3A_386 : memref<512xi32, #tpu.memory_space<hbm>>) target(%dma_start3A_385 : memref<512xi32, #tpu.memory_space<vmem>>) target_semaphore(%arg8 : memref<!tpu.dma_semaphore, #tpu.memory_space<semaphore_mem>>)
    %add3A_387 = arith.constant 573440 : i32
    %add3A_388 = arith.addi %add3A_387, %mul3A_2 : i32
    %dma_start3A_389 = arith.constant 35 : i32
    %dma_start3A_390 = arith.constant 0 : i32
    %dma_start3A_391 = tpu.memref_slice %arg5[%dma_start3A_389, %dma_start3A_390] : memref<50x512xi32, #tpu.memory_space<vmem>> -> memref<1x512xi32, #tpu.memory_space<vmem>>
    %dma_start3A_392 = tpu.memref_squeeze %dma_start3A_391 : memref<1x512xi32, #tpu.memory_space<vmem>> -> memref<512xi32, #tpu.memory_space<vmem>>
    %dma_start3A_393 = tpu.memref_slice %arg2[%add3A_388] : memref<819200xi32, #tpu.memory_space<hbm>> -> memref<512xi32, #tpu.memory_space<hbm>>
    %dma_start3A_394 = arith.constant 0 : i32
    %dma_start3A_395 = tpu.memref_slice %arg5[%dma_start3A_389, %dma_start3A_394] : memref<50x512xi32, #tpu.memory_space<vmem>> -> memref<1x512xi32, #tpu.memory_space<vmem>>
    %dma_start3A_396 = tpu.memref_squeeze %dma_start3A_395 : memref<1x512xi32, #tpu.memory_space<vmem>> -> memref<512xi32, #tpu.memory_space<vmem>>
    %dma_start3A_397 = tpu.memref_slice %arg2[%add3A_388] : memref<819200xi32, #tpu.memory_space<hbm>> -> memref<512xi32, #tpu.memory_space<hbm>>
    tpu.enqueue_dma source(%dma_start3A_397 : memref<512xi32, #tpu.memory_space<hbm>>) target(%dma_start3A_396 : memref<512xi32, #tpu.memory_space<vmem>>) target_semaphore(%arg8 : memref<!tpu.dma_semaphore, #tpu.memory_space<semaphore_mem>>)
    %add3A_398 = arith.constant 589824 : i32
    %add3A_399 = arith.addi %add3A_398, %mul3A_2 : i32
    %dma_start3A_400 = arith.constant 36 : i32
    %dma_start3A_401 = arith.constant 0 : i32
    %dma_start3A_402 = tpu.memref_slice %arg5[%dma_start3A_400, %dma_start3A_401] : memref<50x512xi32, #tpu.memory_space<vmem>> -> memref<1x512xi32, #tpu.memory_space<vmem>>
    %dma_start3A_403 = tpu.memref_squeeze %dma_start3A_402 : memref<1x512xi32, #tpu.memory_space<vmem>> -> memref<512xi32, #tpu.memory_space<vmem>>
    %dma_start3A_404 = tpu.memref_slice %arg2[%add3A_399] : memref<819200xi32, #tpu.memory_space<hbm>> -> memref<512xi32, #tpu.memory_space<hbm>>
    %dma_start3A_405 = arith.constant 0 : i32
    %dma_start3A_406 = tpu.memref_slice %arg5[%dma_start3A_400, %dma_start3A_405] : memref<50x512xi32, #tpu.memory_space<vmem>> -> memref<1x512xi32, #tpu.memory_space<vmem>>
    %dma_start3A_407 = tpu.memref_squeeze %dma_start3A_406 : memref<1x512xi32, #tpu.memory_space<vmem>> -> memref<512xi32, #tpu.memory_space<vmem>>
    %dma_start3A_408 = tpu.memref_slice %arg2[%add3A_399] : memref<819200xi32, #tpu.memory_space<hbm>> -> memref<512xi32, #tpu.memory_space<hbm>>
    tpu.enqueue_dma source(%dma_start3A_408 : memref<512xi32, #tpu.memory_space<hbm>>) target(%dma_start3A_407 : memref<512xi32, #tpu.memory_space<vmem>>) target_semaphore(%arg8 : memref<!tpu.dma_semaphore, #tpu.memory_space<semaphore_mem>>)
    %add3A_409 = arith.constant 606208 : i32
    %add3A_410 = arith.addi %add3A_409, %mul3A_2 : i32
    %dma_start3A_411 = arith.constant 37 : i32
    %dma_start3A_412 = arith.constant 0 : i32
    %dma_start3A_413 = tpu.memref_slice %arg5[%dma_start3A_411, %dma_start3A_412] : memref<50x512xi32, #tpu.memory_space<vmem>> -> memref<1x512xi32, #tpu.memory_space<vmem>>
    %dma_start3A_414 = tpu.memref_squeeze %dma_start3A_413 : memref<1x512xi32, #tpu.memory_space<vmem>> -> memref<512xi32, #tpu.memory_space<vmem>>
    %dma_start3A_415 = tpu.memref_slice %arg2[%add3A_410] : memref<819200xi32, #tpu.memory_space<hbm>> -> memref<512xi32, #tpu.memory_space<hbm>>
    %dma_start3A_416 = arith.constant 0 : i32
    %dma_start3A_417 = tpu.memref_slice %arg5[%dma_start3A_411, %dma_start3A_416] : memref<50x512xi32, #tpu.memory_space<vmem>> -> memref<1x512xi32, #tpu.memory_space<vmem>>
    %dma_start3A_418 = tpu.memref_squeeze %dma_start3A_417 : memref<1x512xi32, #tpu.memory_space<vmem>> -> memref<512xi32, #tpu.memory_space<vmem>>
    %dma_start3A_419 = tpu.memref_slice %arg2[%add3A_410] : memref<819200xi32, #tpu.memory_space<hbm>> -> memref<512xi32, #tpu.memory_space<hbm>>
    tpu.enqueue_dma source(%dma_start3A_419 : memref<512xi32, #tpu.memory_space<hbm>>) target(%dma_start3A_418 : memref<512xi32, #tpu.memory_space<vmem>>) target_semaphore(%arg8 : memref<!tpu.dma_semaphore, #tpu.memory_space<semaphore_mem>>)
    %add3A_420 = arith.constant 622592 : i32
    %add3A_421 = arith.addi %add3A_420, %mul3A_2 : i32
    %dma_start3A_422 = arith.constant 38 : i32
    %dma_start3A_423 = arith.constant 0 : i32
    %dma_start3A_424 = tpu.memref_slice %arg5[%dma_start3A_422, %dma_start3A_423] : memref<50x512xi32, #tpu.memory_space<vmem>> -> memref<1x512xi32, #tpu.memory_space<vmem>>
    %dma_start3A_425 = tpu.memref_squeeze %dma_start3A_424 : memref<1x512xi32, #tpu.memory_space<vmem>> -> memref<512xi32, #tpu.memory_space<vmem>>
    %dma_start3A_426 = tpu.memref_slice %arg2[%add3A_421] : memref<819200xi32, #tpu.memory_space<hbm>> -> memref<512xi32, #tpu.memory_space<hbm>>
    %dma_start3A_427 = arith.constant 0 : i32
    %dma_start3A_428 = tpu.memref_slice %arg5[%dma_start3A_422, %dma_start3A_427] : memref<50x512xi32, #tpu.memory_space<vmem>> -> memref<1x512xi32, #tpu.memory_space<vmem>>
    %dma_start3A_429 = tpu.memref_squeeze %dma_start3A_428 : memref<1x512xi32, #tpu.memory_space<vmem>> -> memref<512xi32, #tpu.memory_space<vmem>>
    %dma_start3A_430 = tpu.memref_slice %arg2[%add3A_421] : memref<819200xi32, #tpu.memory_space<hbm>> -> memref<512xi32, #tpu.memory_space<hbm>>
    tpu.enqueue_dma source(%dma_start3A_430 : memref<512xi32, #tpu.memory_space<hbm>>) target(%dma_start3A_429 : memref<512xi32, #tpu.memory_space<vmem>>) target_semaphore(%arg8 : memref<!tpu.dma_semaphore, #tpu.memory_space<semaphore_mem>>)
    %add3A_431 = arith.constant 638976 : i32
    %add3A_432 = arith.addi %add3A_431, %mul3A_2 : i32
    %dma_start3A_433 = arith.constant 39 : i32
    %dma_start3A_434 = arith.constant 0 : i32
    %dma_start3A_435 = tpu.memref_slice %arg5[%dma_start3A_433, %dma_start3A_434] : memref<50x512xi32, #tpu.memory_space<vmem>> -> memref<1x512xi32, #tpu.memory_space<vmem>>
    %dma_start3A_436 = tpu.memref_squeeze %dma_start3A_435 : memref<1x512xi32, #tpu.memory_space<vmem>> -> memref<512xi32, #tpu.memory_space<vmem>>
    %dma_start3A_437 = tpu.memref_slice %arg2[%add3A_432] : memref<819200xi32, #tpu.memory_space<hbm>> -> memref<512xi32, #tpu.memory_space<hbm>>
    %dma_start3A_438 = arith.constant 0 : i32
    %dma_start3A_439 = tpu.memref_slice %arg5[%dma_start3A_433, %dma_start3A_438] : memref<50x512xi32, #tpu.memory_space<vmem>> -> memref<1x512xi32, #tpu.memory_space<vmem>>
    %dma_start3A_440 = tpu.memref_squeeze %dma_start3A_439 : memref<1x512xi32, #tpu.memory_space<vmem>> -> memref<512xi32, #tpu.memory_space<vmem>>
    %dma_start3A_441 = tpu.memref_slice %arg2[%add3A_432] : memref<819200xi32, #tpu.memory_space<hbm>> -> memref<512xi32, #tpu.memory_space<hbm>>
    tpu.enqueue_dma source(%dma_start3A_441 : memref<512xi32, #tpu.memory_space<hbm>>) target(%dma_start3A_440 : memref<512xi32, #tpu.memory_space<vmem>>) target_semaphore(%arg8 : memref<!tpu.dma_semaphore, #tpu.memory_space<semaphore_mem>>)
    %add3A_442 = arith.constant 655360 : i32
    %add3A_443 = arith.addi %add3A_442, %mul3A_2 : i32
    %dma_start3A_444 = arith.constant 40 : i32
    %dma_start3A_445 = arith.constant 0 : i32
    %dma_start3A_446 = tpu.memref_slice %arg5[%dma_start3A_444, %dma_start3A_445] : memref<50x512xi32, #tpu.memory_space<vmem>> -> memref<1x512xi32, #tpu.memory_space<vmem>>
    %dma_start3A_447 = tpu.memref_squeeze %dma_start3A_446 : memref<1x512xi32, #tpu.memory_space<vmem>> -> memref<512xi32, #tpu.memory_space<vmem>>
    %dma_start3A_448 = tpu.memref_slice %arg2[%add3A_443] : memref<819200xi32, #tpu.memory_space<hbm>> -> memref<512xi32, #tpu.memory_space<hbm>>
    %dma_start3A_449 = arith.constant 0 : i32
    %dma_start3A_450 = tpu.memref_slice %arg5[%dma_start3A_444, %dma_start3A_449] : memref<50x512xi32, #tpu.memory_space<vmem>> -> memref<1x512xi32, #tpu.memory_space<vmem>>
    %dma_start3A_451 = tpu.memref_squeeze %dma_start3A_450 : memref<1x512xi32, #tpu.memory_space<vmem>> -> memref<512xi32, #tpu.memory_space<vmem>>
    %dma_start3A_452 = tpu.memref_slice %arg2[%add3A_443] : memref<819200xi32, #tpu.memory_space<hbm>> -> memref<512xi32, #tpu.memory_space<hbm>>
    tpu.enqueue_dma source(%dma_start3A_452 : memref<512xi32, #tpu.memory_space<hbm>>) target(%dma_start3A_451 : memref<512xi32, #tpu.memory_space<vmem>>) target_semaphore(%arg8 : memref<!tpu.dma_semaphore, #tpu.memory_space<semaphore_mem>>)
    %add3A_453 = arith.constant 671744 : i32
    %add3A_454 = arith.addi %add3A_453, %mul3A_2 : i32
    %dma_start3A_455 = arith.constant 41 : i32
    %dma_start3A_456 = arith.constant 0 : i32
    %dma_start3A_457 = tpu.memref_slice %arg5[%dma_start3A_455, %dma_start3A_456] : memref<50x512xi32, #tpu.memory_space<vmem>> -> memref<1x512xi32, #tpu.memory_space<vmem>>
    %dma_start3A_458 = tpu.memref_squeeze %dma_start3A_457 : memref<1x512xi32, #tpu.memory_space<vmem>> -> memref<512xi32, #tpu.memory_space<vmem>>
    %dma_start3A_459 = tpu.memref_slice %arg2[%add3A_454] : memref<819200xi32, #tpu.memory_space<hbm>> -> memref<512xi32, #tpu.memory_space<hbm>>
    %dma_start3A_460 = arith.constant 0 : i32
    %dma_start3A_461 = tpu.memref_slice %arg5[%dma_start3A_455, %dma_start3A_460] : memref<50x512xi32, #tpu.memory_space<vmem>> -> memref<1x512xi32, #tpu.memory_space<vmem>>
    %dma_start3A_462 = tpu.memref_squeeze %dma_start3A_461 : memref<1x512xi32, #tpu.memory_space<vmem>> -> memref<512xi32, #tpu.memory_space<vmem>>
    %dma_start3A_463 = tpu.memref_slice %arg2[%add3A_454] : memref<819200xi32, #tpu.memory_space<hbm>> -> memref<512xi32, #tpu.memory_space<hbm>>
    tpu.enqueue_dma source(%dma_start3A_463 : memref<512xi32, #tpu.memory_space<hbm>>) target(%dma_start3A_462 : memref<512xi32, #tpu.memory_space<vmem>>) target_semaphore(%arg8 : memref<!tpu.dma_semaphore, #tpu.memory_space<semaphore_mem>>)
    %add3A_464 = arith.constant 688128 : i32
    %add3A_465 = arith.addi %add3A_464, %mul3A_2 : i32
    %dma_start3A_466 = arith.constant 42 : i32
    %dma_start3A_467 = arith.constant 0 : i32
    %dma_start3A_468 = tpu.memref_slice %arg5[%dma_start3A_466, %dma_start3A_467] : memref<50x512xi32, #tpu.memory_space<vmem>> -> memref<1x512xi32, #tpu.memory_space<vmem>>
    %dma_start3A_469 = tpu.memref_squeeze %dma_start3A_468 : memref<1x512xi32, #tpu.memory_space<vmem>> -> memref<512xi32, #tpu.memory_space<vmem>>
    %dma_start3A_470 = tpu.memref_slice %arg2[%add3A_465] : memref<819200xi32, #tpu.memory_space<hbm>> -> memref<512xi32, #tpu.memory_space<hbm>>
    %dma_start3A_471 = arith.constant 0 : i32
    %dma_start3A_472 = tpu.memref_slice %arg5[%dma_start3A_466, %dma_start3A_471] : memref<50x512xi32, #tpu.memory_space<vmem>> -> memref<1x512xi32, #tpu.memory_space<vmem>>
    %dma_start3A_473 = tpu.memref_squeeze %dma_start3A_472 : memref<1x512xi32, #tpu.memory_space<vmem>> -> memref<512xi32, #tpu.memory_space<vmem>>
    %dma_start3A_474 = tpu.memref_slice %arg2[%add3A_465] : memref<819200xi32, #tpu.memory_space<hbm>> -> memref<512xi32, #tpu.memory_space<hbm>>
    tpu.enqueue_dma source(%dma_start3A_474 : memref<512xi32, #tpu.memory_space<hbm>>) target(%dma_start3A_473 : memref<512xi32, #tpu.memory_space<vmem>>) target_semaphore(%arg8 : memref<!tpu.dma_semaphore, #tpu.memory_space<semaphore_mem>>)
    %add3A_475 = arith.constant 704512 : i32
    %add3A_476 = arith.addi %add3A_475, %mul3A_2 : i32
    %dma_start3A_477 = arith.constant 43 : i32
    %dma_start3A_478 = arith.constant 0 : i32
    %dma_start3A_479 = tpu.memref_slice %arg5[%dma_start3A_477, %dma_start3A_478] : memref<50x512xi32, #tpu.memory_space<vmem>> -> memref<1x512xi32, #tpu.memory_space<vmem>>
    %dma_start3A_480 = tpu.memref_squeeze %dma_start3A_479 : memref<1x512xi32, #tpu.memory_space<vmem>> -> memref<512xi32, #tpu.memory_space<vmem>>
    %dma_start3A_481 = tpu.memref_slice %arg2[%add3A_476] : memref<819200xi32, #tpu.memory_space<hbm>> -> memref<512xi32, #tpu.memory_space<hbm>>
    %dma_start3A_482 = arith.constant 0 : i32
    %dma_start3A_483 = tpu.memref_slice %arg5[%dma_start3A_477, %dma_start3A_482] : memref<50x512xi32, #tpu.memory_space<vmem>> -> memref<1x512xi32, #tpu.memory_space<vmem>>
    %dma_start3A_484 = tpu.memref_squeeze %dma_start3A_483 : memref<1x512xi32, #tpu.memory_space<vmem>> -> memref<512xi32, #tpu.memory_space<vmem>>
    %dma_start3A_485 = tpu.memref_slice %arg2[%add3A_476] : memref<819200xi32, #tpu.memory_space<hbm>> -> memref<512xi32, #tpu.memory_space<hbm>>
    tpu.enqueue_dma source(%dma_start3A_485 : memref<512xi32, #tpu.memory_space<hbm>>) target(%dma_start3A_484 : memref<512xi32, #tpu.memory_space<vmem>>) target_semaphore(%arg8 : memref<!tpu.dma_semaphore, #tpu.memory_space<semaphore_mem>>)
    %add3A_486 = arith.constant 720896 : i32
    %add3A_487 = arith.addi %add3A_486, %mul3A_2 : i32
    %dma_start3A_488 = arith.constant 44 : i32
    %dma_start3A_489 = arith.constant 0 : i32
    %dma_start3A_490 = tpu.memref_slice %arg5[%dma_start3A_488, %dma_start3A_489] : memref<50x512xi32, #tpu.memory_space<vmem>> -> memref<1x512xi32, #tpu.memory_space<vmem>>
    %dma_start3A_491 = tpu.memref_squeeze %dma_start3A_490 : memref<1x512xi32, #tpu.memory_space<vmem>> -> memref<512xi32, #tpu.memory_space<vmem>>
    %dma_start3A_492 = tpu.memref_slice %arg2[%add3A_487] : memref<819200xi32, #tpu.memory_space<hbm>> -> memref<512xi32, #tpu.memory_space<hbm>>
    %dma_start3A_493 = arith.constant 0 : i32
    %dma_start3A_494 = tpu.memref_slice %arg5[%dma_start3A_488, %dma_start3A_493] : memref<50x512xi32, #tpu.memory_space<vmem>> -> memref<1x512xi32, #tpu.memory_space<vmem>>
    %dma_start3A_495 = tpu.memref_squeeze %dma_start3A_494 : memref<1x512xi32, #tpu.memory_space<vmem>> -> memref<512xi32, #tpu.memory_space<vmem>>
    %dma_start3A_496 = tpu.memref_slice %arg2[%add3A_487] : memref<819200xi32, #tpu.memory_space<hbm>> -> memref<512xi32, #tpu.memory_space<hbm>>
    tpu.enqueue_dma source(%dma_start3A_496 : memref<512xi32, #tpu.memory_space<hbm>>) target(%dma_start3A_495 : memref<512xi32, #tpu.memory_space<vmem>>) target_semaphore(%arg8 : memref<!tpu.dma_semaphore, #tpu.memory_space<semaphore_mem>>)
    %add3A_497 = arith.constant 737280 : i32
    %add3A_498 = arith.addi %add3A_497, %mul3A_2 : i32
    %dma_start3A_499 = arith.constant 45 : i32
    %dma_start3A_500 = arith.constant 0 : i32
    %dma_start3A_501 = tpu.memref_slice %arg5[%dma_start3A_499, %dma_start3A_500] : memref<50x512xi32, #tpu.memory_space<vmem>> -> memref<1x512xi32, #tpu.memory_space<vmem>>
    %dma_start3A_502 = tpu.memref_squeeze %dma_start3A_501 : memref<1x512xi32, #tpu.memory_space<vmem>> -> memref<512xi32, #tpu.memory_space<vmem>>
    %dma_start3A_503 = tpu.memref_slice %arg2[%add3A_498] : memref<819200xi32, #tpu.memory_space<hbm>> -> memref<512xi32, #tpu.memory_space<hbm>>
    %dma_start3A_504 = arith.constant 0 : i32
    %dma_start3A_505 = tpu.memref_slice %arg5[%dma_start3A_499, %dma_start3A_504] : memref<50x512xi32, #tpu.memory_space<vmem>> -> memref<1x512xi32, #tpu.memory_space<vmem>>
    %dma_start3A_506 = tpu.memref_squeeze %dma_start3A_505 : memref<1x512xi32, #tpu.memory_space<vmem>> -> memref<512xi32, #tpu.memory_space<vmem>>
    %dma_start3A_507 = tpu.memref_slice %arg2[%add3A_498] : memref<819200xi32, #tpu.memory_space<hbm>> -> memref<512xi32, #tpu.memory_space<hbm>>
    tpu.enqueue_dma source(%dma_start3A_507 : memref<512xi32, #tpu.memory_space<hbm>>) target(%dma_start3A_506 : memref<512xi32, #tpu.memory_space<vmem>>) target_semaphore(%arg8 : memref<!tpu.dma_semaphore, #tpu.memory_space<semaphore_mem>>)
    %add3A_508 = arith.constant 753664 : i32
    %add3A_509 = arith.addi %add3A_508, %mul3A_2 : i32
    %dma_start3A_510 = arith.constant 46 : i32
    %dma_start3A_511 = arith.constant 0 : i32
    %dma_start3A_512 = tpu.memref_slice %arg5[%dma_start3A_510, %dma_start3A_511] : memref<50x512xi32, #tpu.memory_space<vmem>> -> memref<1x512xi32, #tpu.memory_space<vmem>>
    %dma_start3A_513 = tpu.memref_squeeze %dma_start3A_512 : memref<1x512xi32, #tpu.memory_space<vmem>> -> memref<512xi32, #tpu.memory_space<vmem>>
    %dma_start3A_514 = tpu.memref_slice %arg2[%add3A_509] : memref<819200xi32, #tpu.memory_space<hbm>> -> memref<512xi32, #tpu.memory_space<hbm>>
    %dma_start3A_515 = arith.constant 0 : i32
    %dma_start3A_516 = tpu.memref_slice %arg5[%dma_start3A_510, %dma_start3A_515] : memref<50x512xi32, #tpu.memory_space<vmem>> -> memref<1x512xi32, #tpu.memory_space<vmem>>
    %dma_start3A_517 = tpu.memref_squeeze %dma_start3A_516 : memref<1x512xi32, #tpu.memory_space<vmem>> -> memref<512xi32, #tpu.memory_space<vmem>>
    %dma_start3A_518 = tpu.memref_slice %arg2[%add3A_509] : memref<819200xi32, #tpu.memory_space<hbm>> -> memref<512xi32, #tpu.memory_space<hbm>>
    tpu.enqueue_dma source(%dma_start3A_518 : memref<512xi32, #tpu.memory_space<hbm>>) target(%dma_start3A_517 : memref<512xi32, #tpu.memory_space<vmem>>) target_semaphore(%arg8 : memref<!tpu.dma_semaphore, #tpu.memory_space<semaphore_mem>>)
    %add3A_519 = arith.constant 770048 : i32
    %add3A_520 = arith.addi %add3A_519, %mul3A_2 : i32
    %dma_start3A_521 = arith.constant 47 : i32
    %dma_start3A_522 = arith.constant 0 : i32
    %dma_start3A_523 = tpu.memref_slice %arg5[%dma_start3A_521, %dma_start3A_522] : memref<50x512xi32, #tpu.memory_space<vmem>> -> memref<1x512xi32, #tpu.memory_space<vmem>>
    %dma_start3A_524 = tpu.memref_squeeze %dma_start3A_523 : memref<1x512xi32, #tpu.memory_space<vmem>> -> memref<512xi32, #tpu.memory_space<vmem>>
    %dma_start3A_525 = tpu.memref_slice %arg2[%add3A_520] : memref<819200xi32, #tpu.memory_space<hbm>> -> memref<512xi32, #tpu.memory_space<hbm>>
    %dma_start3A_526 = arith.constant 0 : i32
    %dma_start3A_527 = tpu.memref_slice %arg5[%dma_start3A_521, %dma_start3A_526] : memref<50x512xi32, #tpu.memory_space<vmem>> -> memref<1x512xi32, #tpu.memory_space<vmem>>
    %dma_start3A_528 = tpu.memref_squeeze %dma_start3A_527 : memref<1x512xi32, #tpu.memory_space<vmem>> -> memref<512xi32, #tpu.memory_space<vmem>>
    %dma_start3A_529 = tpu.memref_slice %arg2[%add3A_520] : memref<819200xi32, #tpu.memory_space<hbm>> -> memref<512xi32, #tpu.memory_space<hbm>>
    tpu.enqueue_dma source(%dma_start3A_529 : memref<512xi32, #tpu.memory_space<hbm>>) target(%dma_start3A_528 : memref<512xi32, #tpu.memory_space<vmem>>) target_semaphore(%arg8 : memref<!tpu.dma_semaphore, #tpu.memory_space<semaphore_mem>>)
    %add3A_530 = arith.constant 786432 : i32
    %add3A_531 = arith.addi %add3A_530, %mul3A_2 : i32
    %dma_start3A_532 = arith.constant 48 : i32
    %dma_start3A_533 = arith.constant 0 : i32
    %dma_start3A_534 = tpu.memref_slice %arg5[%dma_start3A_532, %dma_start3A_533] : memref<50x512xi32, #tpu.memory_space<vmem>> -> memref<1x512xi32, #tpu.memory_space<vmem>>
    %dma_start3A_535 = tpu.memref_squeeze %dma_start3A_534 : memref<1x512xi32, #tpu.memory_space<vmem>> -> memref<512xi32, #tpu.memory_space<vmem>>
    %dma_start3A_536 = tpu.memref_slice %arg2[%add3A_531] : memref<819200xi32, #tpu.memory_space<hbm>> -> memref<512xi32, #tpu.memory_space<hbm>>
    %dma_start3A_537 = arith.constant 0 : i32
    %dma_start3A_538 = tpu.memref_slice %arg5[%dma_start3A_532, %dma_start3A_537] : memref<50x512xi32, #tpu.memory_space<vmem>> -> memref<1x512xi32, #tpu.memory_space<vmem>>
    %dma_start3A_539 = tpu.memref_squeeze %dma_start3A_538 : memref<1x512xi32, #tpu.memory_space<vmem>> -> memref<512xi32, #tpu.memory_space<vmem>>
    %dma_start3A_540 = tpu.memref_slice %arg2[%add3A_531] : memref<819200xi32, #tpu.memory_space<hbm>> -> memref<512xi32, #tpu.memory_space<hbm>>
    tpu.enqueue_dma source(%dma_start3A_540 : memref<512xi32, #tpu.memory_space<hbm>>) target(%dma_start3A_539 : memref<512xi32, #tpu.memory_space<vmem>>) target_semaphore(%arg8 : memref<!tpu.dma_semaphore, #tpu.memory_space<semaphore_mem>>)
    %add3A_541 = arith.constant 802816 : i32
    %add3A_542 = arith.addi %add3A_541, %mul3A_2 : i32
    %dma_start3A_543 = arith.constant 49 : i32
    %dma_start3A_544 = arith.constant 0 : i32
    %dma_start3A_545 = tpu.memref_slice %arg5[%dma_start3A_543, %dma_start3A_544] : memref<50x512xi32, #tpu.memory_space<vmem>> -> memref<1x512xi32, #tpu.memory_space<vmem>>
    %dma_start3A_546 = tpu.memref_squeeze %dma_start3A_545 : memref<1x512xi32, #tpu.memory_space<vmem>> -> memref<512xi32, #tpu.memory_space<vmem>>
    %dma_start3A_547 = tpu.memref_slice %arg2[%add3A_542] : memref<819200xi32, #tpu.memory_space<hbm>> -> memref<512xi32, #tpu.memory_space<hbm>>
    %dma_start3A_548 = arith.constant 0 : i32
    %dma_start3A_549 = tpu.memref_slice %arg5[%dma_start3A_543, %dma_start3A_548] : memref<50x512xi32, #tpu.memory_space<vmem>> -> memref<1x512xi32, #tpu.memory_space<vmem>>
    %dma_start3A_550 = tpu.memref_squeeze %dma_start3A_549 : memref<1x512xi32, #tpu.memory_space<vmem>> -> memref<512xi32, #tpu.memory_space<vmem>>
    %dma_start3A_551 = tpu.memref_slice %arg2[%add3A_542] : memref<819200xi32, #tpu.memory_space<hbm>> -> memref<512xi32, #tpu.memory_space<hbm>>
    tpu.enqueue_dma source(%dma_start3A_551 : memref<512xi32, #tpu.memory_space<hbm>>) target(%dma_start3A_550 : memref<512xi32, #tpu.memory_space<vmem>>) target_semaphore(%arg8 : memref<!tpu.dma_semaphore, #tpu.memory_space<semaphore_mem>>)
    %dma_wait3A = arith.constant 0 : i32
    %dma_wait3A_552 = arith.constant 0 : i32
    %dma_wait3A_553 = tpu.memref_slice %arg5[%dma_wait3A, %dma_wait3A_552] : memref<50x512xi32, #tpu.memory_space<vmem>> -> memref<1x512xi32, #tpu.memory_space<vmem>>
    %dma_wait3A_554 = tpu.memref_squeeze %dma_wait3A_553 : memref<1x512xi32, #tpu.memory_space<vmem>> -> memref<512xi32, #tpu.memory_space<vmem>>
    %dma_wait3A_555 = tpu.memref_slice %arg2[%add3A_4] : memref<819200xi32, #tpu.memory_space<hbm>> -> memref<512xi32, #tpu.memory_space<hbm>>
    %dma_wait3A_556 = arith.constant 0 : i32
    %dma_wait3A_557 = tpu.memref_slice %arg5[%dma_wait3A, %dma_wait3A_556] : memref<50x512xi32, #tpu.memory_space<vmem>> -> memref<1x512xi32, #tpu.memory_space<vmem>>
    %dma_wait3A_558 = tpu.memref_squeeze %dma_wait3A_557 : memref<1x512xi32, #tpu.memory_space<vmem>> -> memref<512xi32, #tpu.memory_space<vmem>>
    %dma_wait3A_559 = tpu.memref_slice %arg2[%add3A_4] : memref<819200xi32, #tpu.memory_space<hbm>> -> memref<512xi32, #tpu.memory_space<hbm>>
    tpu.wait_dma2 semaphore(%arg8 : memref<!tpu.dma_semaphore, #tpu.memory_space<semaphore_mem>>) src(%dma_wait3A_559 : memref<512xi32, #tpu.memory_space<hbm>>) dst(%dma_wait3A_558 : memref<512xi32, #tpu.memory_space<vmem>>)
    %dma_wait3A_560 = arith.constant 1 : i32
    %dma_wait3A_561 = arith.constant 0 : i32
    %dma_wait3A_562 = tpu.memref_slice %arg5[%dma_wait3A_560, %dma_wait3A_561] : memref<50x512xi32, #tpu.memory_space<vmem>> -> memref<1x512xi32, #tpu.memory_space<vmem>>
    %dma_wait3A_563 = tpu.memref_squeeze %dma_wait3A_562 : memref<1x512xi32, #tpu.memory_space<vmem>> -> memref<512xi32, #tpu.memory_space<vmem>>
    %dma_wait3A_564 = tpu.memref_slice %arg2[%add3A_14] : memref<819200xi32, #tpu.memory_space<hbm>> -> memref<512xi32, #tpu.memory_space<hbm>>
    %dma_wait3A_565 = arith.constant 0 : i32
    %dma_wait3A_566 = tpu.memref_slice %arg5[%dma_wait3A_560, %dma_wait3A_565] : memref<50x512xi32, #tpu.memory_space<vmem>> -> memref<1x512xi32, #tpu.memory_space<vmem>>
    %dma_wait3A_567 = tpu.memref_squeeze %dma_wait3A_566 : memref<1x512xi32, #tpu.memory_space<vmem>> -> memref<512xi32, #tpu.memory_space<vmem>>
    %dma_wait3A_568 = tpu.memref_slice %arg2[%add3A_14] : memref<819200xi32, #tpu.memory_space<hbm>> -> memref<512xi32, #tpu.memory_space<hbm>>
    tpu.wait_dma2 semaphore(%arg8 : memref<!tpu.dma_semaphore, #tpu.memory_space<semaphore_mem>>) src(%dma_wait3A_568 : memref<512xi32, #tpu.memory_space<hbm>>) dst(%dma_wait3A_567 : memref<512xi32, #tpu.memory_space<vmem>>)
    %dma_wait3A_569 = arith.constant 2 : i32
    %dma_wait3A_570 = arith.constant 0 : i32
    %dma_wait3A_571 = tpu.memref_slice %arg5[%dma_wait3A_569, %dma_wait3A_570] : memref<50x512xi32, #tpu.memory_space<vmem>> -> memref<1x512xi32, #tpu.memory_space<vmem>>
    %dma_wait3A_572 = tpu.memref_squeeze %dma_wait3A_571 : memref<1x512xi32, #tpu.memory_space<vmem>> -> memref<512xi32, #tpu.memory_space<vmem>>
    %dma_wait3A_573 = tpu.memref_slice %arg2[%add3A_25] : memref<819200xi32, #tpu.memory_space<hbm>> -> memref<512xi32, #tpu.memory_space<hbm>>
    %dma_wait3A_574 = arith.constant 0 : i32
    %dma_wait3A_575 = tpu.memref_slice %arg5[%dma_wait3A_569, %dma_wait3A_574] : memref<50x512xi32, #tpu.memory_space<vmem>> -> memref<1x512xi32, #tpu.memory_space<vmem>>
    %dma_wait3A_576 = tpu.memref_squeeze %dma_wait3A_575 : memref<1x512xi32, #tpu.memory_space<vmem>> -> memref<512xi32, #tpu.memory_space<vmem>>
    %dma_wait3A_577 = tpu.memref_slice %arg2[%add3A_25] : memref<819200xi32, #tpu.memory_space<hbm>> -> memref<512xi32, #tpu.memory_space<hbm>>
    tpu.wait_dma2 semaphore(%arg8 : memref<!tpu.dma_semaphore, #tpu.memory_space<semaphore_mem>>) src(%dma_wait3A_577 : memref<512xi32, #tpu.memory_space<hbm>>) dst(%dma_wait3A_576 : memref<512xi32, #tpu.memory_space<vmem>>)
    %dma_wait3A_578 = arith.constant 3 : i32
    %dma_wait3A_579 = arith.constant 0 : i32
    %dma_wait3A_580 = tpu.memref_slice %arg5[%dma_wait3A_578, %dma_wait3A_579] : memref<50x512xi32, #tpu.memory_space<vmem>> -> memref<1x512xi32, #tpu.memory_space<vmem>>
    %dma_wait3A_581 = tpu.memref_squeeze %dma_wait3A_580 : memref<1x512xi32, #tpu.memory_space<vmem>> -> memref<512xi32, #tpu.memory_space<vmem>>
    %dma_wait3A_582 = tpu.memref_slice %arg2[%add3A_36] : memref<819200xi32, #tpu.memory_space<hbm>> -> memref<512xi32, #tpu.memory_space<hbm>>
    %dma_wait3A_583 = arith.constant 0 : i32
    %dma_wait3A_584 = tpu.memref_slice %arg5[%dma_wait3A_578, %dma_wait3A_583] : memref<50x512xi32, #tpu.memory_space<vmem>> -> memref<1x512xi32, #tpu.memory_space<vmem>>
    %dma_wait3A_585 = tpu.memref_squeeze %dma_wait3A_584 : memref<1x512xi32, #tpu.memory_space<vmem>> -> memref<512xi32, #tpu.memory_space<vmem>>
    %dma_wait3A_586 = tpu.memref_slice %arg2[%add3A_36] : memref<819200xi32, #tpu.memory_space<hbm>> -> memref<512xi32, #tpu.memory_space<hbm>>
    tpu.wait_dma2 semaphore(%arg8 : memref<!tpu.dma_semaphore, #tpu.memory_space<semaphore_mem>>) src(%dma_wait3A_586 : memref<512xi32, #tpu.memory_space<hbm>>) dst(%dma_wait3A_585 : memref<512xi32, #tpu.memory_space<vmem>>)
    %dma_wait3A_587 = arith.constant 4 : i32
    %dma_wait3A_588 = arith.constant 0 : i32
    %dma_wait3A_589 = tpu.memref_slice %arg5[%dma_wait3A_587, %dma_wait3A_588] : memref<50x512xi32, #tpu.memory_space<vmem>> -> memref<1x512xi32, #tpu.memory_space<vmem>>
    %dma_wait3A_590 = tpu.memref_squeeze %dma_wait3A_589 : memref<1x512xi32, #tpu.memory_space<vmem>> -> memref<512xi32, #tpu.memory_space<vmem>>
    %dma_wait3A_591 = tpu.memref_slice %arg2[%add3A_47] : memref<819200xi32, #tpu.memory_space<hbm>> -> memref<512xi32, #tpu.memory_space<hbm>>
    %dma_wait3A_592 = arith.constant 0 : i32
    %dma_wait3A_593 = tpu.memref_slice %arg5[%dma_wait3A_587, %dma_wait3A_592] : memref<50x512xi32, #tpu.memory_space<vmem>> -> memref<1x512xi32, #tpu.memory_space<vmem>>
    %dma_wait3A_594 = tpu.memref_squeeze %dma_wait3A_593 : memref<1x512xi32, #tpu.memory_space<vmem>> -> memref<512xi32, #tpu.memory_space<vmem>>
    %dma_wait3A_595 = tpu.memref_slice %arg2[%add3A_47] : memref<819200xi32, #tpu.memory_space<hbm>> -> memref<512xi32, #tpu.memory_space<hbm>>
    tpu.wait_dma2 semaphore(%arg8 : memref<!tpu.dma_semaphore, #tpu.memory_space<semaphore_mem>>) src(%dma_wait3A_595 : memref<512xi32, #tpu.memory_space<hbm>>) dst(%dma_wait3A_594 : memref<512xi32, #tpu.memory_space<vmem>>)
    %dma_wait3A_596 = arith.constant 5 : i32
    %dma_wait3A_597 = arith.constant 0 : i32
    %dma_wait3A_598 = tpu.memref_slice %arg5[%dma_wait3A_596, %dma_wait3A_597] : memref<50x512xi32, #tpu.memory_space<vmem>> -> memref<1x512xi32, #tpu.memory_space<vmem>>
    %dma_wait3A_599 = tpu.memref_squeeze %dma_wait3A_598 : memref<1x512xi32, #tpu.memory_space<vmem>> -> memref<512xi32, #tpu.memory_space<vmem>>
    %dma_wait3A_600 = tpu.memref_slice %arg2[%add3A_58] : memref<819200xi32, #tpu.memory_space<hbm>> -> memref<512xi32, #tpu.memory_space<hbm>>
    %dma_wait3A_601 = arith.constant 0 : i32
    %dma_wait3A_602 = tpu.memref_slice %arg5[%dma_wait3A_596, %dma_wait3A_601] : memref<50x512xi32, #tpu.memory_space<vmem>> -> memref<1x512xi32, #tpu.memory_space<vmem>>
    %dma_wait3A_603 = tpu.memref_squeeze %dma_wait3A_602 : memref<1x512xi32, #tpu.memory_space<vmem>> -> memref<512xi32, #tpu.memory_space<vmem>>
    %dma_wait3A_604 = tpu.memref_slice %arg2[%add3A_58] : memref<819200xi32, #tpu.memory_space<hbm>> -> memref<512xi32, #tpu.memory_space<hbm>>
    tpu.wait_dma2 semaphore(%arg8 : memref<!tpu.dma_semaphore, #tpu.memory_space<semaphore_mem>>) src(%dma_wait3A_604 : memref<512xi32, #tpu.memory_space<hbm>>) dst(%dma_wait3A_603 : memref<512xi32, #tpu.memory_space<vmem>>)
    %dma_wait3A_605 = arith.constant 6 : i32
    %dma_wait3A_606 = arith.constant 0 : i32
    %dma_wait3A_607 = tpu.memref_slice %arg5[%dma_wait3A_605, %dma_wait3A_606] : memref<50x512xi32, #tpu.memory_space<vmem>> -> memref<1x512xi32, #tpu.memory_space<vmem>>
    %dma_wait3A_608 = tpu.memref_squeeze %dma_wait3A_607 : memref<1x512xi32, #tpu.memory_space<vmem>> -> memref<512xi32, #tpu.memory_space<vmem>>
    %dma_wait3A_609 = tpu.memref_slice %arg2[%add3A_69] : memref<819200xi32, #tpu.memory_space<hbm>> -> memref<512xi32, #tpu.memory_space<hbm>>
    %dma_wait3A_610 = arith.constant 0 : i32
    %dma_wait3A_611 = tpu.memref_slice %arg5[%dma_wait3A_605, %dma_wait3A_610] : memref<50x512xi32, #tpu.memory_space<vmem>> -> memref<1x512xi32, #tpu.memory_space<vmem>>
    %dma_wait3A_612 = tpu.memref_squeeze %dma_wait3A_611 : memref<1x512xi32, #tpu.memory_space<vmem>> -> memref<512xi32, #tpu.memory_space<vmem>>
    %dma_wait3A_613 = tpu.memref_slice %arg2[%add3A_69] : memref<819200xi32, #tpu.memory_space<hbm>> -> memref<512xi32, #tpu.memory_space<hbm>>
    tpu.wait_dma2 semaphore(%arg8 : memref<!tpu.dma_semaphore, #tpu.memory_space<semaphore_mem>>) src(%dma_wait3A_613 : memref<512xi32, #tpu.memory_space<hbm>>) dst(%dma_wait3A_612 : memref<512xi32, #tpu.memory_space<vmem>>)
    %dma_wait3A_614 = arith.constant 7 : i32
    %dma_wait3A_615 = arith.constant 0 : i32
    %dma_wait3A_616 = tpu.memref_slice %arg5[%dma_wait3A_614, %dma_wait3A_615] : memref<50x512xi32, #tpu.memory_space<vmem>> -> memref<1x512xi32, #tpu.memory_space<vmem>>
    %dma_wait3A_617 = tpu.memref_squeeze %dma_wait3A_616 : memref<1x512xi32, #tpu.memory_space<vmem>> -> memref<512xi32, #tpu.memory_space<vmem>>
    %dma_wait3A_618 = tpu.memref_slice %arg2[%add3A_80] : memref<819200xi32, #tpu.memory_space<hbm>> -> memref<512xi32, #tpu.memory_space<hbm>>
    %dma_wait3A_619 = arith.constant 0 : i32
    %dma_wait3A_620 = tpu.memref_slice %arg5[%dma_wait3A_614, %dma_wait3A_619] : memref<50x512xi32, #tpu.memory_space<vmem>> -> memref<1x512xi32, #tpu.memory_space<vmem>>
    %dma_wait3A_621 = tpu.memref_squeeze %dma_wait3A_620 : memref<1x512xi32, #tpu.memory_space<vmem>> -> memref<512xi32, #tpu.memory_space<vmem>>
    %dma_wait3A_622 = tpu.memref_slice %arg2[%add3A_80] : memref<819200xi32, #tpu.memory_space<hbm>> -> memref<512xi32, #tpu.memory_space<hbm>>
    tpu.wait_dma2 semaphore(%arg8 : memref<!tpu.dma_semaphore, #tpu.memory_space<semaphore_mem>>) src(%dma_wait3A_622 : memref<512xi32, #tpu.memory_space<hbm>>) dst(%dma_wait3A_621 : memref<512xi32, #tpu.memory_space<vmem>>)
    %dma_wait3A_623 = arith.constant 8 : i32
    %dma_wait3A_624 = arith.constant 0 : i32
    %dma_wait3A_625 = tpu.memref_slice %arg5[%dma_wait3A_623, %dma_wait3A_624] : memref<50x512xi32, #tpu.memory_space<vmem>> -> memref<1x512xi32, #tpu.memory_space<vmem>>
    %dma_wait3A_626 = tpu.memref_squeeze %dma_wait3A_625 : memref<1x512xi32, #tpu.memory_space<vmem>> -> memref<512xi32, #tpu.memory_space<vmem>>
    %dma_wait3A_627 = tpu.memref_slice %arg2[%add3A_91] : memref<819200xi32, #tpu.memory_space<hbm>> -> memref<512xi32, #tpu.memory_space<hbm>>
    %dma_wait3A_628 = arith.constant 0 : i32
    %dma_wait3A_629 = tpu.memref_slice %arg5[%dma_wait3A_623, %dma_wait3A_628] : memref<50x512xi32, #tpu.memory_space<vmem>> -> memref<1x512xi32, #tpu.memory_space<vmem>>
    %dma_wait3A_630 = tpu.memref_squeeze %dma_wait3A_629 : memref<1x512xi32, #tpu.memory_space<vmem>> -> memref<512xi32, #tpu.memory_space<vmem>>
    %dma_wait3A_631 = tpu.memref_slice %arg2[%add3A_91] : memref<819200xi32, #tpu.memory_space<hbm>> -> memref<512xi32, #tpu.memory_space<hbm>>
    tpu.wait_dma2 semaphore(%arg8 : memref<!tpu.dma_semaphore, #tpu.memory_space<semaphore_mem>>) src(%dma_wait3A_631 : memref<512xi32, #tpu.memory_space<hbm>>) dst(%dma_wait3A_630 : memref<512xi32, #tpu.memory_space<vmem>>)
    %dma_wait3A_632 = arith.constant 9 : i32
    %dma_wait3A_633 = arith.constant 0 : i32
    %dma_wait3A_634 = tpu.memref_slice %arg5[%dma_wait3A_632, %dma_wait3A_633] : memref<50x512xi32, #tpu.memory_space<vmem>> -> memref<1x512xi32, #tpu.memory_space<vmem>>
    %dma_wait3A_635 = tpu.memref_squeeze %dma_wait3A_634 : memref<1x512xi32, #tpu.memory_space<vmem>> -> memref<512xi32, #tpu.memory_space<vmem>>
    %dma_wait3A_636 = tpu.memref_slice %arg2[%add3A_102] : memref<819200xi32, #tpu.memory_space<hbm>> -> memref<512xi32, #tpu.memory_space<hbm>>
    %dma_wait3A_637 = arith.constant 0 : i32
    %dma_wait3A_638 = tpu.memref_slice %arg5[%dma_wait3A_632, %dma_wait3A_637] : memref<50x512xi32, #tpu.memory_space<vmem>> -> memref<1x512xi32, #tpu.memory_space<vmem>>
    %dma_wait3A_639 = tpu.memref_squeeze %dma_wait3A_638 : memref<1x512xi32, #tpu.memory_space<vmem>> -> memref<512xi32, #tpu.memory_space<vmem>>
    %dma_wait3A_640 = tpu.memref_slice %arg2[%add3A_102] : memref<819200xi32, #tpu.memory_space<hbm>> -> memref<512xi32, #tpu.memory_space<hbm>>
    tpu.wait_dma2 semaphore(%arg8 : memref<!tpu.dma_semaphore, #tpu.memory_space<semaphore_mem>>) src(%dma_wait3A_640 : memref<512xi32, #tpu.memory_space<hbm>>) dst(%dma_wait3A_639 : memref<512xi32, #tpu.memory_space<vmem>>)
    %dma_wait3A_641 = arith.constant 10 : i32
    %dma_wait3A_642 = arith.constant 0 : i32
    %dma_wait3A_643 = tpu.memref_slice %arg5[%dma_wait3A_641, %dma_wait3A_642] : memref<50x512xi32, #tpu.memory_space<vmem>> -> memref<1x512xi32, #tpu.memory_space<vmem>>
    %dma_wait3A_644 = tpu.memref_squeeze %dma_wait3A_643 : memref<1x512xi32, #tpu.memory_space<vmem>> -> memref<512xi32, #tpu.memory_space<vmem>>
    %dma_wait3A_645 = tpu.memref_slice %arg2[%add3A_113] : memref<819200xi32, #tpu.memory_space<hbm>> -> memref<512xi32, #tpu.memory_space<hbm>>
    %dma_wait3A_646 = arith.constant 0 : i32
    %dma_wait3A_647 = tpu.memref_slice %arg5[%dma_wait3A_641, %dma_wait3A_646] : memref<50x512xi32, #tpu.memory_space<vmem>> -> memref<1x512xi32, #tpu.memory_space<vmem>>
    %dma_wait3A_648 = tpu.memref_squeeze %dma_wait3A_647 : memref<1x512xi32, #tpu.memory_space<vmem>> -> memref<512xi32, #tpu.memory_space<vmem>>
    %dma_wait3A_649 = tpu.memref_slice %arg2[%add3A_113] : memref<819200xi32, #tpu.memory_space<hbm>> -> memref<512xi32, #tpu.memory_space<hbm>>
    tpu.wait_dma2 semaphore(%arg8 : memref<!tpu.dma_semaphore, #tpu.memory_space<semaphore_mem>>) src(%dma_wait3A_649 : memref<512xi32, #tpu.memory_space<hbm>>) dst(%dma_wait3A_648 : memref<512xi32, #tpu.memory_space<vmem>>)
    %dma_wait3A_650 = arith.constant 11 : i32
    %dma_wait3A_651 = arith.constant 0 : i32
    %dma_wait3A_652 = tpu.memref_slice %arg5[%dma_wait3A_650, %dma_wait3A_651] : memref<50x512xi32, #tpu.memory_space<vmem>> -> memref<1x512xi32, #tpu.memory_space<vmem>>
    %dma_wait3A_653 = tpu.memref_squeeze %dma_wait3A_652 : memref<1x512xi32, #tpu.memory_space<vmem>> -> memref<512xi32, #tpu.memory_space<vmem>>
    %dma_wait3A_654 = tpu.memref_slice %arg2[%add3A_124] : memref<819200xi32, #tpu.memory_space<hbm>> -> memref<512xi32, #tpu.memory_space<hbm>>
    %dma_wait3A_655 = arith.constant 0 : i32
    %dma_wait3A_656 = tpu.memref_slice %arg5[%dma_wait3A_650, %dma_wait3A_655] : memref<50x512xi32, #tpu.memory_space<vmem>> -> memref<1x512xi32, #tpu.memory_space<vmem>>
    %dma_wait3A_657 = tpu.memref_squeeze %dma_wait3A_656 : memref<1x512xi32, #tpu.memory_space<vmem>> -> memref<512xi32, #tpu.memory_space<vmem>>
    %dma_wait3A_658 = tpu.memref_slice %arg2[%add3A_124] : memref<819200xi32, #tpu.memory_space<hbm>> -> memref<512xi32, #tpu.memory_space<hbm>>
    tpu.wait_dma2 semaphore(%arg8 : memref<!tpu.dma_semaphore, #tpu.memory_space<semaphore_mem>>) src(%dma_wait3A_658 : memref<512xi32, #tpu.memory_space<hbm>>) dst(%dma_wait3A_657 : memref<512xi32, #tpu.memory_space<vmem>>)
    %dma_wait3A_659 = arith.constant 12 : i32
    %dma_wait3A_660 = arith.constant 0 : i32
    %dma_wait3A_661 = tpu.memref_slice %arg5[%dma_wait3A_659, %dma_wait3A_660] : memref<50x512xi32, #tpu.memory_space<vmem>> -> memref<1x512xi32, #tpu.memory_space<vmem>>
    %dma_wait3A_662 = tpu.memref_squeeze %dma_wait3A_661 : memref<1x512xi32, #tpu.memory_space<vmem>> -> memref<512xi32, #tpu.memory_space<vmem>>
    %dma_wait3A_663 = tpu.memref_slice %arg2[%add3A_135] : memref<819200xi32, #tpu.memory_space<hbm>> -> memref<512xi32, #tpu.memory_space<hbm>>
    %dma_wait3A_664 = arith.constant 0 : i32
    %dma_wait3A_665 = tpu.memref_slice %arg5[%dma_wait3A_659, %dma_wait3A_664] : memref<50x512xi32, #tpu.memory_space<vmem>> -> memref<1x512xi32, #tpu.memory_space<vmem>>
    %dma_wait3A_666 = tpu.memref_squeeze %dma_wait3A_665 : memref<1x512xi32, #tpu.memory_space<vmem>> -> memref<512xi32, #tpu.memory_space<vmem>>
    %dma_wait3A_667 = tpu.memref_slice %arg2[%add3A_135] : memref<819200xi32, #tpu.memory_space<hbm>> -> memref<512xi32, #tpu.memory_space<hbm>>
    tpu.wait_dma2 semaphore(%arg8 : memref<!tpu.dma_semaphore, #tpu.memory_space<semaphore_mem>>) src(%dma_wait3A_667 : memref<512xi32, #tpu.memory_space<hbm>>) dst(%dma_wait3A_666 : memref<512xi32, #tpu.memory_space<vmem>>)
    %dma_wait3A_668 = arith.constant 13 : i32
    %dma_wait3A_669 = arith.constant 0 : i32
    %dma_wait3A_670 = tpu.memref_slice %arg5[%dma_wait3A_668, %dma_wait3A_669] : memref<50x512xi32, #tpu.memory_space<vmem>> -> memref<1x512xi32, #tpu.memory_space<vmem>>
    %dma_wait3A_671 = tpu.memref_squeeze %dma_wait3A_670 : memref<1x512xi32, #tpu.memory_space<vmem>> -> memref<512xi32, #tpu.memory_space<vmem>>
    %dma_wait3A_672 = tpu.memref_slice %arg2[%add3A_146] : memref<819200xi32, #tpu.memory_space<hbm>> -> memref<512xi32, #tpu.memory_space<hbm>>
    %dma_wait3A_673 = arith.constant 0 : i32
    %dma_wait3A_674 = tpu.memref_slice %arg5[%dma_wait3A_668, %dma_wait3A_673] : memref<50x512xi32, #tpu.memory_space<vmem>> -> memref<1x512xi32, #tpu.memory_space<vmem>>
    %dma_wait3A_675 = tpu.memref_squeeze %dma_wait3A_674 : memref<1x512xi32, #tpu.memory_space<vmem>> -> memref<512xi32, #tpu.memory_space<vmem>>
    %dma_wait3A_676 = tpu.memref_slice %arg2[%add3A_146] : memref<819200xi32, #tpu.memory_space<hbm>> -> memref<512xi32, #tpu.memory_space<hbm>>
    tpu.wait_dma2 semaphore(%arg8 : memref<!tpu.dma_semaphore, #tpu.memory_space<semaphore_mem>>) src(%dma_wait3A_676 : memref<512xi32, #tpu.memory_space<hbm>>) dst(%dma_wait3A_675 : memref<512xi32, #tpu.memory_space<vmem>>)
    %dma_wait3A_677 = arith.constant 14 : i32
    %dma_wait3A_678 = arith.constant 0 : i32
    %dma_wait3A_679 = tpu.memref_slice %arg5[%dma_wait3A_677, %dma_wait3A_678] : memref<50x512xi32, #tpu.memory_space<vmem>> -> memref<1x512xi32, #tpu.memory_space<vmem>>
    %dma_wait3A_680 = tpu.memref_squeeze %dma_wait3A_679 : memref<1x512xi32, #tpu.memory_space<vmem>> -> memref<512xi32, #tpu.memory_space<vmem>>
    %dma_wait3A_681 = tpu.memref_slice %arg2[%add3A_157] : memref<819200xi32, #tpu.memory_space<hbm>> -> memref<512xi32, #tpu.memory_space<hbm>>
    %dma_wait3A_682 = arith.constant 0 : i32
    %dma_wait3A_683 = tpu.memref_slice %arg5[%dma_wait3A_677, %dma_wait3A_682] : memref<50x512xi32, #tpu.memory_space<vmem>> -> memref<1x512xi32, #tpu.memory_space<vmem>>
    %dma_wait3A_684 = tpu.memref_squeeze %dma_wait3A_683 : memref<1x512xi32, #tpu.memory_space<vmem>> -> memref<512xi32, #tpu.memory_space<vmem>>
    %dma_wait3A_685 = tpu.memref_slice %arg2[%add3A_157] : memref<819200xi32, #tpu.memory_space<hbm>> -> memref<512xi32, #tpu.memory_space<hbm>>
    tpu.wait_dma2 semaphore(%arg8 : memref<!tpu.dma_semaphore, #tpu.memory_space<semaphore_mem>>) src(%dma_wait3A_685 : memref<512xi32, #tpu.memory_space<hbm>>) dst(%dma_wait3A_684 : memref<512xi32, #tpu.memory_space<vmem>>)
    %dma_wait3A_686 = arith.constant 15 : i32
    %dma_wait3A_687 = arith.constant 0 : i32
    %dma_wait3A_688 = tpu.memref_slice %arg5[%dma_wait3A_686, %dma_wait3A_687] : memref<50x512xi32, #tpu.memory_space<vmem>> -> memref<1x512xi32, #tpu.memory_space<vmem>>
    %dma_wait3A_689 = tpu.memref_squeeze %dma_wait3A_688 : memref<1x512xi32, #tpu.memory_space<vmem>> -> memref<512xi32, #tpu.memory_space<vmem>>
    %dma_wait3A_690 = tpu.memref_slice %arg2[%add3A_168] : memref<819200xi32, #tpu.memory_space<hbm>> -> memref<512xi32, #tpu.memory_space<hbm>>
    %dma_wait3A_691 = arith.constant 0 : i32
    %dma_wait3A_692 = tpu.memref_slice %arg5[%dma_wait3A_686, %dma_wait3A_691] : memref<50x512xi32, #tpu.memory_space<vmem>> -> memref<1x512xi32, #tpu.memory_space<vmem>>
    %dma_wait3A_693 = tpu.memref_squeeze %dma_wait3A_692 : memref<1x512xi32, #tpu.memory_space<vmem>> -> memref<512xi32, #tpu.memory_space<vmem>>
    %dma_wait3A_694 = tpu.memref_slice %arg2[%add3A_168] : memref<819200xi32, #tpu.memory_space<hbm>> -> memref<512xi32, #tpu.memory_space<hbm>>
    tpu.wait_dma2 semaphore(%arg8 : memref<!tpu.dma_semaphore, #tpu.memory_space<semaphore_mem>>) src(%dma_wait3A_694 : memref<512xi32, #tpu.memory_space<hbm>>) dst(%dma_wait3A_693 : memref<512xi32, #tpu.memory_space<vmem>>)
    %dma_wait3A_695 = arith.constant 16 : i32
    %dma_wait3A_696 = arith.constant 0 : i32
    %dma_wait3A_697 = tpu.memref_slice %arg5[%dma_wait3A_695, %dma_wait3A_696] : memref<50x512xi32, #tpu.memory_space<vmem>> -> memref<1x512xi32, #tpu.memory_space<vmem>>
    %dma_wait3A_698 = tpu.memref_squeeze %dma_wait3A_697 : memref<1x512xi32, #tpu.memory_space<vmem>> -> memref<512xi32, #tpu.memory_space<vmem>>
    %dma_wait3A_699 = tpu.memref_slice %arg2[%add3A_179] : memref<819200xi32, #tpu.memory_space<hbm>> -> memref<512xi32, #tpu.memory_space<hbm>>
    %dma_wait3A_700 = arith.constant 0 : i32
    %dma_wait3A_701 = tpu.memref_slice %arg5[%dma_wait3A_695, %dma_wait3A_700] : memref<50x512xi32, #tpu.memory_space<vmem>> -> memref<1x512xi32, #tpu.memory_space<vmem>>
    %dma_wait3A_702 = tpu.memref_squeeze %dma_wait3A_701 : memref<1x512xi32, #tpu.memory_space<vmem>> -> memref<512xi32, #tpu.memory_space<vmem>>
    %dma_wait3A_703 = tpu.memref_slice %arg2[%add3A_179] : memref<819200xi32, #tpu.memory_space<hbm>> -> memref<512xi32, #tpu.memory_space<hbm>>
    tpu.wait_dma2 semaphore(%arg8 : memref<!tpu.dma_semaphore, #tpu.memory_space<semaphore_mem>>) src(%dma_wait3A_703 : memref<512xi32, #tpu.memory_space<hbm>>) dst(%dma_wait3A_702 : memref<512xi32, #tpu.memory_space<vmem>>)
    %dma_wait3A_704 = arith.constant 17 : i32
    %dma_wait3A_705 = arith.constant 0 : i32
    %dma_wait3A_706 = tpu.memref_slice %arg5[%dma_wait3A_704, %dma_wait3A_705] : memref<50x512xi32, #tpu.memory_space<vmem>> -> memref<1x512xi32, #tpu.memory_space<vmem>>
    %dma_wait3A_707 = tpu.memref_squeeze %dma_wait3A_706 : memref<1x512xi32, #tpu.memory_space<vmem>> -> memref<512xi32, #tpu.memory_space<vmem>>
    %dma_wait3A_708 = tpu.memref_slice %arg2[%add3A_190] : memref<819200xi32, #tpu.memory_space<hbm>> -> memref<512xi32, #tpu.memory_space<hbm>>
    %dma_wait3A_709 = arith.constant 0 : i32
    %dma_wait3A_710 = tpu.memref_slice %arg5[%dma_wait3A_704, %dma_wait3A_709] : memref<50x512xi32, #tpu.memory_space<vmem>> -> memref<1x512xi32, #tpu.memory_space<vmem>>
    %dma_wait3A_711 = tpu.memref_squeeze %dma_wait3A_710 : memref<1x512xi32, #tpu.memory_space<vmem>> -> memref<512xi32, #tpu.memory_space<vmem>>
    %dma_wait3A_712 = tpu.memref_slice %arg2[%add3A_190] : memref<819200xi32, #tpu.memory_space<hbm>> -> memref<512xi32, #tpu.memory_space<hbm>>
    tpu.wait_dma2 semaphore(%arg8 : memref<!tpu.dma_semaphore, #tpu.memory_space<semaphore_mem>>) src(%dma_wait3A_712 : memref<512xi32, #tpu.memory_space<hbm>>) dst(%dma_wait3A_711 : memref<512xi32, #tpu.memory_space<vmem>>)
    %dma_wait3A_713 = arith.constant 18 : i32
    %dma_wait3A_714 = arith.constant 0 : i32
    %dma_wait3A_715 = tpu.memref_slice %arg5[%dma_wait3A_713, %dma_wait3A_714] : memref<50x512xi32, #tpu.memory_space<vmem>> -> memref<1x512xi32, #tpu.memory_space<vmem>>
    %dma_wait3A_716 = tpu.memref_squeeze %dma_wait3A_715 : memref<1x512xi32, #tpu.memory_space<vmem>> -> memref<512xi32, #tpu.memory_space<vmem>>
    %dma_wait3A_717 = tpu.memref_slice %arg2[%add3A_201] : memref<819200xi32, #tpu.memory_space<hbm>> -> memref<512xi32, #tpu.memory_space<hbm>>
    %dma_wait3A_718 = arith.constant 0 : i32
    %dma_wait3A_719 = tpu.memref_slice %arg5[%dma_wait3A_713, %dma_wait3A_718] : memref<50x512xi32, #tpu.memory_space<vmem>> -> memref<1x512xi32, #tpu.memory_space<vmem>>
    %dma_wait3A_720 = tpu.memref_squeeze %dma_wait3A_719 : memref<1x512xi32, #tpu.memory_space<vmem>> -> memref<512xi32, #tpu.memory_space<vmem>>
    %dma_wait3A_721 = tpu.memref_slice %arg2[%add3A_201] : memref<819200xi32, #tpu.memory_space<hbm>> -> memref<512xi32, #tpu.memory_space<hbm>>
    tpu.wait_dma2 semaphore(%arg8 : memref<!tpu.dma_semaphore, #tpu.memory_space<semaphore_mem>>) src(%dma_wait3A_721 : memref<512xi32, #tpu.memory_space<hbm>>) dst(%dma_wait3A_720 : memref<512xi32, #tpu.memory_space<vmem>>)
    %dma_wait3A_722 = arith.constant 19 : i32
    %dma_wait3A_723 = arith.constant 0 : i32
    %dma_wait3A_724 = tpu.memref_slice %arg5[%dma_wait3A_722, %dma_wait3A_723] : memref<50x512xi32, #tpu.memory_space<vmem>> -> memref<1x512xi32, #tpu.memory_space<vmem>>
    %dma_wait3A_725 = tpu.memref_squeeze %dma_wait3A_724 : memref<1x512xi32, #tpu.memory_space<vmem>> -> memref<512xi32, #tpu.memory_space<vmem>>
    %dma_wait3A_726 = tpu.memref_slice %arg2[%add3A_212] : memref<819200xi32, #tpu.memory_space<hbm>> -> memref<512xi32, #tpu.memory_space<hbm>>
    %dma_wait3A_727 = arith.constant 0 : i32
    %dma_wait3A_728 = tpu.memref_slice %arg5[%dma_wait3A_722, %dma_wait3A_727] : memref<50x512xi32, #tpu.memory_space<vmem>> -> memref<1x512xi32, #tpu.memory_space<vmem>>
    %dma_wait3A_729 = tpu.memref_squeeze %dma_wait3A_728 : memref<1x512xi32, #tpu.memory_space<vmem>> -> memref<512xi32, #tpu.memory_space<vmem>>
    %dma_wait3A_730 = tpu.memref_slice %arg2[%add3A_212] : memref<819200xi32, #tpu.memory_space<hbm>> -> memref<512xi32, #tpu.memory_space<hbm>>
    tpu.wait_dma2 semaphore(%arg8 : memref<!tpu.dma_semaphore, #tpu.memory_space<semaphore_mem>>) src(%dma_wait3A_730 : memref<512xi32, #tpu.memory_space<hbm>>) dst(%dma_wait3A_729 : memref<512xi32, #tpu.memory_space<vmem>>)
    %dma_wait3A_731 = arith.constant 20 : i32
    %dma_wait3A_732 = arith.constant 0 : i32
    %dma_wait3A_733 = tpu.memref_slice %arg5[%dma_wait3A_731, %dma_wait3A_732] : memref<50x512xi32, #tpu.memory_space<vmem>> -> memref<1x512xi32, #tpu.memory_space<vmem>>
    %dma_wait3A_734 = tpu.memref_squeeze %dma_wait3A_733 : memref<1x512xi32, #tpu.memory_space<vmem>> -> memref<512xi32, #tpu.memory_space<vmem>>
    %dma_wait3A_735 = tpu.memref_slice %arg2[%add3A_223] : memref<819200xi32, #tpu.memory_space<hbm>> -> memref<512xi32, #tpu.memory_space<hbm>>
    %dma_wait3A_736 = arith.constant 0 : i32
    %dma_wait3A_737 = tpu.memref_slice %arg5[%dma_wait3A_731, %dma_wait3A_736] : memref<50x512xi32, #tpu.memory_space<vmem>> -> memref<1x512xi32, #tpu.memory_space<vmem>>
    %dma_wait3A_738 = tpu.memref_squeeze %dma_wait3A_737 : memref<1x512xi32, #tpu.memory_space<vmem>> -> memref<512xi32, #tpu.memory_space<vmem>>
    %dma_wait3A_739 = tpu.memref_slice %arg2[%add3A_223] : memref<819200xi32, #tpu.memory_space<hbm>> -> memref<512xi32, #tpu.memory_space<hbm>>
    tpu.wait_dma2 semaphore(%arg8 : memref<!tpu.dma_semaphore, #tpu.memory_space<semaphore_mem>>) src(%dma_wait3A_739 : memref<512xi32, #tpu.memory_space<hbm>>) dst(%dma_wait3A_738 : memref<512xi32, #tpu.memory_space<vmem>>)
    %dma_wait3A_740 = arith.constant 21 : i32
    %dma_wait3A_741 = arith.constant 0 : i32
    %dma_wait3A_742 = tpu.memref_slice %arg5[%dma_wait3A_740, %dma_wait3A_741] : memref<50x512xi32, #tpu.memory_space<vmem>> -> memref<1x512xi32, #tpu.memory_space<vmem>>
    %dma_wait3A_743 = tpu.memref_squeeze %dma_wait3A_742 : memref<1x512xi32, #tpu.memory_space<vmem>> -> memref<512xi32, #tpu.memory_space<vmem>>
    %dma_wait3A_744 = tpu.memref_slice %arg2[%add3A_234] : memref<819200xi32, #tpu.memory_space<hbm>> -> memref<512xi32, #tpu.memory_space<hbm>>
    %dma_wait3A_745 = arith.constant 0 : i32
    %dma_wait3A_746 = tpu.memref_slice %arg5[%dma_wait3A_740, %dma_wait3A_745] : memref<50x512xi32, #tpu.memory_space<vmem>> -> memref<1x512xi32, #tpu.memory_space<vmem>>
    %dma_wait3A_747 = tpu.memref_squeeze %dma_wait3A_746 : memref<1x512xi32, #tpu.memory_space<vmem>> -> memref<512xi32, #tpu.memory_space<vmem>>
    %dma_wait3A_748 = tpu.memref_slice %arg2[%add3A_234] : memref<819200xi32, #tpu.memory_space<hbm>> -> memref<512xi32, #tpu.memory_space<hbm>>
    tpu.wait_dma2 semaphore(%arg8 : memref<!tpu.dma_semaphore, #tpu.memory_space<semaphore_mem>>) src(%dma_wait3A_748 : memref<512xi32, #tpu.memory_space<hbm>>) dst(%dma_wait3A_747 : memref<512xi32, #tpu.memory_space<vmem>>)
    %dma_wait3A_749 = arith.constant 22 : i32
    %dma_wait3A_750 = arith.constant 0 : i32
    %dma_wait3A_751 = tpu.memref_slice %arg5[%dma_wait3A_749, %dma_wait3A_750] : memref<50x512xi32, #tpu.memory_space<vmem>> -> memref<1x512xi32, #tpu.memory_space<vmem>>
    %dma_wait3A_752 = tpu.memref_squeeze %dma_wait3A_751 : memref<1x512xi32, #tpu.memory_space<vmem>> -> memref<512xi32, #tpu.memory_space<vmem>>
    %dma_wait3A_753 = tpu.memref_slice %arg2[%add3A_245] : memref<819200xi32, #tpu.memory_space<hbm>> -> memref<512xi32, #tpu.memory_space<hbm>>
    %dma_wait3A_754 = arith.constant 0 : i32
    %dma_wait3A_755 = tpu.memref_slice %arg5[%dma_wait3A_749, %dma_wait3A_754] : memref<50x512xi32, #tpu.memory_space<vmem>> -> memref<1x512xi32, #tpu.memory_space<vmem>>
    %dma_wait3A_756 = tpu.memref_squeeze %dma_wait3A_755 : memref<1x512xi32, #tpu.memory_space<vmem>> -> memref<512xi32, #tpu.memory_space<vmem>>
    %dma_wait3A_757 = tpu.memref_slice %arg2[%add3A_245] : memref<819200xi32, #tpu.memory_space<hbm>> -> memref<512xi32, #tpu.memory_space<hbm>>
    tpu.wait_dma2 semaphore(%arg8 : memref<!tpu.dma_semaphore, #tpu.memory_space<semaphore_mem>>) src(%dma_wait3A_757 : memref<512xi32, #tpu.memory_space<hbm>>) dst(%dma_wait3A_756 : memref<512xi32, #tpu.memory_space<vmem>>)
    %dma_wait3A_758 = arith.constant 23 : i32
    %dma_wait3A_759 = arith.constant 0 : i32
    %dma_wait3A_760 = tpu.memref_slice %arg5[%dma_wait3A_758, %dma_wait3A_759] : memref<50x512xi32, #tpu.memory_space<vmem>> -> memref<1x512xi32, #tpu.memory_space<vmem>>
    %dma_wait3A_761 = tpu.memref_squeeze %dma_wait3A_760 : memref<1x512xi32, #tpu.memory_space<vmem>> -> memref<512xi32, #tpu.memory_space<vmem>>
    %dma_wait3A_762 = tpu.memref_slice %arg2[%add3A_256] : memref<819200xi32, #tpu.memory_space<hbm>> -> memref<512xi32, #tpu.memory_space<hbm>>
    %dma_wait3A_763 = arith.constant 0 : i32
    %dma_wait3A_764 = tpu.memref_slice %arg5[%dma_wait3A_758, %dma_wait3A_763] : memref<50x512xi32, #tpu.memory_space<vmem>> -> memref<1x512xi32, #tpu.memory_space<vmem>>
    %dma_wait3A_765 = tpu.memref_squeeze %dma_wait3A_764 : memref<1x512xi32, #tpu.memory_space<vmem>> -> memref<512xi32, #tpu.memory_space<vmem>>
    %dma_wait3A_766 = tpu.memref_slice %arg2[%add3A_256] : memref<819200xi32, #tpu.memory_space<hbm>> -> memref<512xi32, #tpu.memory_space<hbm>>
    tpu.wait_dma2 semaphore(%arg8 : memref<!tpu.dma_semaphore, #tpu.memory_space<semaphore_mem>>) src(%dma_wait3A_766 : memref<512xi32, #tpu.memory_space<hbm>>) dst(%dma_wait3A_765 : memref<512xi32, #tpu.memory_space<vmem>>)
    %dma_wait3A_767 = arith.constant 24 : i32
    %dma_wait3A_768 = arith.constant 0 : i32
    %dma_wait3A_769 = tpu.memref_slice %arg5[%dma_wait3A_767, %dma_wait3A_768] : memref<50x512xi32, #tpu.memory_space<vmem>> -> memref<1x512xi32, #tpu.memory_space<vmem>>
    %dma_wait3A_770 = tpu.memref_squeeze %dma_wait3A_769 : memref<1x512xi32, #tpu.memory_space<vmem>> -> memref<512xi32, #tpu.memory_space<vmem>>
    %dma_wait3A_771 = tpu.memref_slice %arg2[%add3A_267] : memref<819200xi32, #tpu.memory_space<hbm>> -> memref<512xi32, #tpu.memory_space<hbm>>
    %dma_wait3A_772 = arith.constant 0 : i32
    %dma_wait3A_773 = tpu.memref_slice %arg5[%dma_wait3A_767, %dma_wait3A_772] : memref<50x512xi32, #tpu.memory_space<vmem>> -> memref<1x512xi32, #tpu.memory_space<vmem>>
    %dma_wait3A_774 = tpu.memref_squeeze %dma_wait3A_773 : memref<1x512xi32, #tpu.memory_space<vmem>> -> memref<512xi32, #tpu.memory_space<vmem>>
    %dma_wait3A_775 = tpu.memref_slice %arg2[%add3A_267] : memref<819200xi32, #tpu.memory_space<hbm>> -> memref<512xi32, #tpu.memory_space<hbm>>
    tpu.wait_dma2 semaphore(%arg8 : memref<!tpu.dma_semaphore, #tpu.memory_space<semaphore_mem>>) src(%dma_wait3A_775 : memref<512xi32, #tpu.memory_space<hbm>>) dst(%dma_wait3A_774 : memref<512xi32, #tpu.memory_space<vmem>>)
    %dma_wait3A_776 = arith.constant 25 : i32
    %dma_wait3A_777 = arith.constant 0 : i32
    %dma_wait3A_778 = tpu.memref_slice %arg5[%dma_wait3A_776, %dma_wait3A_777] : memref<50x512xi32, #tpu.memory_space<vmem>> -> memref<1x512xi32, #tpu.memory_space<vmem>>
    %dma_wait3A_779 = tpu.memref_squeeze %dma_wait3A_778 : memref<1x512xi32, #tpu.memory_space<vmem>> -> memref<512xi32, #tpu.memory_space<vmem>>
    %dma_wait3A_780 = tpu.memref_slice %arg2[%add3A_278] : memref<819200xi32, #tpu.memory_space<hbm>> -> memref<512xi32, #tpu.memory_space<hbm>>
    %dma_wait3A_781 = arith.constant 0 : i32
    %dma_wait3A_782 = tpu.memref_slice %arg5[%dma_wait3A_776, %dma_wait3A_781] : memref<50x512xi32, #tpu.memory_space<vmem>> -> memref<1x512xi32, #tpu.memory_space<vmem>>
    %dma_wait3A_783 = tpu.memref_squeeze %dma_wait3A_782 : memref<1x512xi32, #tpu.memory_space<vmem>> -> memref<512xi32, #tpu.memory_space<vmem>>
    %dma_wait3A_784 = tpu.memref_slice %arg2[%add3A_278] : memref<819200xi32, #tpu.memory_space<hbm>> -> memref<512xi32, #tpu.memory_space<hbm>>
    tpu.wait_dma2 semaphore(%arg8 : memref<!tpu.dma_semaphore, #tpu.memory_space<semaphore_mem>>) src(%dma_wait3A_784 : memref<512xi32, #tpu.memory_space<hbm>>) dst(%dma_wait3A_783 : memref<512xi32, #tpu.memory_space<vmem>>)
    %dma_wait3A_785 = arith.constant 26 : i32
    %dma_wait3A_786 = arith.constant 0 : i32
    %dma_wait3A_787 = tpu.memref_slice %arg5[%dma_wait3A_785, %dma_wait3A_786] : memref<50x512xi32, #tpu.memory_space<vmem>> -> memref<1x512xi32, #tpu.memory_space<vmem>>
    %dma_wait3A_788 = tpu.memref_squeeze %dma_wait3A_787 : memref<1x512xi32, #tpu.memory_space<vmem>> -> memref<512xi32, #tpu.memory_space<vmem>>
    %dma_wait3A_789 = tpu.memref_slice %arg2[%add3A_289] : memref<819200xi32, #tpu.memory_space<hbm>> -> memref<512xi32, #tpu.memory_space<hbm>>
    %dma_wait3A_790 = arith.constant 0 : i32
    %dma_wait3A_791 = tpu.memref_slice %arg5[%dma_wait3A_785, %dma_wait3A_790] : memref<50x512xi32, #tpu.memory_space<vmem>> -> memref<1x512xi32, #tpu.memory_space<vmem>>
    %dma_wait3A_792 = tpu.memref_squeeze %dma_wait3A_791 : memref<1x512xi32, #tpu.memory_space<vmem>> -> memref<512xi32, #tpu.memory_space<vmem>>
    %dma_wait3A_793 = tpu.memref_slice %arg2[%add3A_289] : memref<819200xi32, #tpu.memory_space<hbm>> -> memref<512xi32, #tpu.memory_space<hbm>>
    tpu.wait_dma2 semaphore(%arg8 : memref<!tpu.dma_semaphore, #tpu.memory_space<semaphore_mem>>) src(%dma_wait3A_793 : memref<512xi32, #tpu.memory_space<hbm>>) dst(%dma_wait3A_792 : memref<512xi32, #tpu.memory_space<vmem>>)
    %dma_wait3A_794 = arith.constant 27 : i32
    %dma_wait3A_795 = arith.constant 0 : i32
    %dma_wait3A_796 = tpu.memref_slice %arg5[%dma_wait3A_794, %dma_wait3A_795] : memref<50x512xi32, #tpu.memory_space<vmem>> -> memref<1x512xi32, #tpu.memory_space<vmem>>
    %dma_wait3A_797 = tpu.memref_squeeze %dma_wait3A_796 : memref<1x512xi32, #tpu.memory_space<vmem>> -> memref<512xi32, #tpu.memory_space<vmem>>
    %dma_wait3A_798 = tpu.memref_slice %arg2[%add3A_300] : memref<819200xi32, #tpu.memory_space<hbm>> -> memref<512xi32, #tpu.memory_space<hbm>>
    %dma_wait3A_799 = arith.constant 0 : i32
    %dma_wait3A_800 = tpu.memref_slice %arg5[%dma_wait3A_794, %dma_wait3A_799] : memref<50x512xi32, #tpu.memory_space<vmem>> -> memref<1x512xi32, #tpu.memory_space<vmem>>
    %dma_wait3A_801 = tpu.memref_squeeze %dma_wait3A_800 : memref<1x512xi32, #tpu.memory_space<vmem>> -> memref<512xi32, #tpu.memory_space<vmem>>
    %dma_wait3A_802 = tpu.memref_slice %arg2[%add3A_300] : memref<819200xi32, #tpu.memory_space<hbm>> -> memref<512xi32, #tpu.memory_space<hbm>>
    tpu.wait_dma2 semaphore(%arg8 : memref<!tpu.dma_semaphore, #tpu.memory_space<semaphore_mem>>) src(%dma_wait3A_802 : memref<512xi32, #tpu.memory_space<hbm>>) dst(%dma_wait3A_801 : memref<512xi32, #tpu.memory_space<vmem>>)
    %dma_wait3A_803 = arith.constant 28 : i32
    %dma_wait3A_804 = arith.constant 0 : i32
    %dma_wait3A_805 = tpu.memref_slice %arg5[%dma_wait3A_803, %dma_wait3A_804] : memref<50x512xi32, #tpu.memory_space<vmem>> -> memref<1x512xi32, #tpu.memory_space<vmem>>
    %dma_wait3A_806 = tpu.memref_squeeze %dma_wait3A_805 : memref<1x512xi32, #tpu.memory_space<vmem>> -> memref<512xi32, #tpu.memory_space<vmem>>
    %dma_wait3A_807 = tpu.memref_slice %arg2[%add3A_311] : memref<819200xi32, #tpu.memory_space<hbm>> -> memref<512xi32, #tpu.memory_space<hbm>>
    %dma_wait3A_808 = arith.constant 0 : i32
    %dma_wait3A_809 = tpu.memref_slice %arg5[%dma_wait3A_803, %dma_wait3A_808] : memref<50x512xi32, #tpu.memory_space<vmem>> -> memref<1x512xi32, #tpu.memory_space<vmem>>
    %dma_wait3A_810 = tpu.memref_squeeze %dma_wait3A_809 : memref<1x512xi32, #tpu.memory_space<vmem>> -> memref<512xi32, #tpu.memory_space<vmem>>
    %dma_wait3A_811 = tpu.memref_slice %arg2[%add3A_311] : memref<819200xi32, #tpu.memory_space<hbm>> -> memref<512xi32, #tpu.memory_space<hbm>>
    tpu.wait_dma2 semaphore(%arg8 : memref<!tpu.dma_semaphore, #tpu.memory_space<semaphore_mem>>) src(%dma_wait3A_811 : memref<512xi32, #tpu.memory_space<hbm>>) dst(%dma_wait3A_810 : memref<512xi32, #tpu.memory_space<vmem>>)
    %dma_wait3A_812 = arith.constant 29 : i32
    %dma_wait3A_813 = arith.constant 0 : i32
    %dma_wait3A_814 = tpu.memref_slice %arg5[%dma_wait3A_812, %dma_wait3A_813] : memref<50x512xi32, #tpu.memory_space<vmem>> -> memref<1x512xi32, #tpu.memory_space<vmem>>
    %dma_wait3A_815 = tpu.memref_squeeze %dma_wait3A_814 : memref<1x512xi32, #tpu.memory_space<vmem>> -> memref<512xi32, #tpu.memory_space<vmem>>
    %dma_wait3A_816 = tpu.memref_slice %arg2[%add3A_322] : memref<819200xi32, #tpu.memory_space<hbm>> -> memref<512xi32, #tpu.memory_space<hbm>>
    %dma_wait3A_817 = arith.constant 0 : i32
    %dma_wait3A_818 = tpu.memref_slice %arg5[%dma_wait3A_812, %dma_wait3A_817] : memref<50x512xi32, #tpu.memory_space<vmem>> -> memref<1x512xi32, #tpu.memory_space<vmem>>
    %dma_wait3A_819 = tpu.memref_squeeze %dma_wait3A_818 : memref<1x512xi32, #tpu.memory_space<vmem>> -> memref<512xi32, #tpu.memory_space<vmem>>
    %dma_wait3A_820 = tpu.memref_slice %arg2[%add3A_322] : memref<819200xi32, #tpu.memory_space<hbm>> -> memref<512xi32, #tpu.memory_space<hbm>>
    tpu.wait_dma2 semaphore(%arg8 : memref<!tpu.dma_semaphore, #tpu.memory_space<semaphore_mem>>) src(%dma_wait3A_820 : memref<512xi32, #tpu.memory_space<hbm>>) dst(%dma_wait3A_819 : memref<512xi32, #tpu.memory_space<vmem>>)
    %dma_wait3A_821 = arith.constant 30 : i32
    %dma_wait3A_822 = arith.constant 0 : i32
    %dma_wait3A_823 = tpu.memref_slice %arg5[%dma_wait3A_821, %dma_wait3A_822] : memref<50x512xi32, #tpu.memory_space<vmem>> -> memref<1x512xi32, #tpu.memory_space<vmem>>
    %dma_wait3A_824 = tpu.memref_squeeze %dma_wait3A_823 : memref<1x512xi32, #tpu.memory_space<vmem>> -> memref<512xi32, #tpu.memory_space<vmem>>
    %dma_wait3A_825 = tpu.memref_slice %arg2[%add3A_333] : memref<819200xi32, #tpu.memory_space<hbm>> -> memref<512xi32, #tpu.memory_space<hbm>>
    %dma_wait3A_826 = arith.constant 0 : i32
    %dma_wait3A_827 = tpu.memref_slice %arg5[%dma_wait3A_821, %dma_wait3A_826] : memref<50x512xi32, #tpu.memory_space<vmem>> -> memref<1x512xi32, #tpu.memory_space<vmem>>
    %dma_wait3A_828 = tpu.memref_squeeze %dma_wait3A_827 : memref<1x512xi32, #tpu.memory_space<vmem>> -> memref<512xi32, #tpu.memory_space<vmem>>
    %dma_wait3A_829 = tpu.memref_slice %arg2[%add3A_333] : memref<819200xi32, #tpu.memory_space<hbm>> -> memref<512xi32, #tpu.memory_space<hbm>>
    tpu.wait_dma2 semaphore(%arg8 : memref<!tpu.dma_semaphore, #tpu.memory_space<semaphore_mem>>) src(%dma_wait3A_829 : memref<512xi32, #tpu.memory_space<hbm>>) dst(%dma_wait3A_828 : memref<512xi32, #tpu.memory_space<vmem>>)
    %dma_wait3A_830 = arith.constant 31 : i32
    %dma_wait3A_831 = arith.constant 0 : i32
    %dma_wait3A_832 = tpu.memref_slice %arg5[%dma_wait3A_830, %dma_wait3A_831] : memref<50x512xi32, #tpu.memory_space<vmem>> -> memref<1x512xi32, #tpu.memory_space<vmem>>
    %dma_wait3A_833 = tpu.memref_squeeze %dma_wait3A_832 : memref<1x512xi32, #tpu.memory_space<vmem>> -> memref<512xi32, #tpu.memory_space<vmem>>
    %dma_wait3A_834 = tpu.memref_slice %arg2[%add3A_344] : memref<819200xi32, #tpu.memory_space<hbm>> -> memref<512xi32, #tpu.memory_space<hbm>>
    %dma_wait3A_835 = arith.constant 0 : i32
    %dma_wait3A_836 = tpu.memref_slice %arg5[%dma_wait3A_830, %dma_wait3A_835] : memref<50x512xi32, #tpu.memory_space<vmem>> -> memref<1x512xi32, #tpu.memory_space<vmem>>
    %dma_wait3A_837 = tpu.memref_squeeze %dma_wait3A_836 : memref<1x512xi32, #tpu.memory_space<vmem>> -> memref<512xi32, #tpu.memory_space<vmem>>
    %dma_wait3A_838 = tpu.memref_slice %arg2[%add3A_344] : memref<819200xi32, #tpu.memory_space<hbm>> -> memref<512xi32, #tpu.memory_space<hbm>>
    tpu.wait_dma2 semaphore(%arg8 : memref<!tpu.dma_semaphore, #tpu.memory_space<semaphore_mem>>) src(%dma_wait3A_838 : memref<512xi32, #tpu.memory_space<hbm>>) dst(%dma_wait3A_837 : memref<512xi32, #tpu.memory_space<vmem>>)
    %dma_wait3A_839 = arith.constant 32 : i32
    %dma_wait3A_840 = arith.constant 0 : i32
    %dma_wait3A_841 = tpu.memref_slice %arg5[%dma_wait3A_839, %dma_wait3A_840] : memref<50x512xi32, #tpu.memory_space<vmem>> -> memref<1x512xi32, #tpu.memory_space<vmem>>
    %dma_wait3A_842 = tpu.memref_squeeze %dma_wait3A_841 : memref<1x512xi32, #tpu.memory_space<vmem>> -> memref<512xi32, #tpu.memory_space<vmem>>
    %dma_wait3A_843 = tpu.memref_slice %arg2[%add3A_355] : memref<819200xi32, #tpu.memory_space<hbm>> -> memref<512xi32, #tpu.memory_space<hbm>>
    %dma_wait3A_844 = arith.constant 0 : i32
    %dma_wait3A_845 = tpu.memref_slice %arg5[%dma_wait3A_839, %dma_wait3A_844] : memref<50x512xi32, #tpu.memory_space<vmem>> -> memref<1x512xi32, #tpu.memory_space<vmem>>
    %dma_wait3A_846 = tpu.memref_squeeze %dma_wait3A_845 : memref<1x512xi32, #tpu.memory_space<vmem>> -> memref<512xi32, #tpu.memory_space<vmem>>
    %dma_wait3A_847 = tpu.memref_slice %arg2[%add3A_355] : memref<819200xi32, #tpu.memory_space<hbm>> -> memref<512xi32, #tpu.memory_space<hbm>>
    tpu.wait_dma2 semaphore(%arg8 : memref<!tpu.dma_semaphore, #tpu.memory_space<semaphore_mem>>) src(%dma_wait3A_847 : memref<512xi32, #tpu.memory_space<hbm>>) dst(%dma_wait3A_846 : memref<512xi32, #tpu.memory_space<vmem>>)
    %dma_wait3A_848 = arith.constant 33 : i32
    %dma_wait3A_849 = arith.constant 0 : i32
    %dma_wait3A_850 = tpu.memref_slice %arg5[%dma_wait3A_848, %dma_wait3A_849] : memref<50x512xi32, #tpu.memory_space<vmem>> -> memref<1x512xi32, #tpu.memory_space<vmem>>
    %dma_wait3A_851 = tpu.memref_squeeze %dma_wait3A_850 : memref<1x512xi32, #tpu.memory_space<vmem>> -> memref<512xi32, #tpu.memory_space<vmem>>
    %dma_wait3A_852 = tpu.memref_slice %arg2[%add3A_366] : memref<819200xi32, #tpu.memory_space<hbm>> -> memref<512xi32, #tpu.memory_space<hbm>>
    %dma_wait3A_853 = arith.constant 0 : i32
    %dma_wait3A_854 = tpu.memref_slice %arg5[%dma_wait3A_848, %dma_wait3A_853] : memref<50x512xi32, #tpu.memory_space<vmem>> -> memref<1x512xi32, #tpu.memory_space<vmem>>
    %dma_wait3A_855 = tpu.memref_squeeze %dma_wait3A_854 : memref<1x512xi32, #tpu.memory_space<vmem>> -> memref<512xi32, #tpu.memory_space<vmem>>
    %dma_wait3A_856 = tpu.memref_slice %arg2[%add3A_366] : memref<819200xi32, #tpu.memory_space<hbm>> -> memref<512xi32, #tpu.memory_space<hbm>>
    tpu.wait_dma2 semaphore(%arg8 : memref<!tpu.dma_semaphore, #tpu.memory_space<semaphore_mem>>) src(%dma_wait3A_856 : memref<512xi32, #tpu.memory_space<hbm>>) dst(%dma_wait3A_855 : memref<512xi32, #tpu.memory_space<vmem>>)
    %dma_wait3A_857 = arith.constant 34 : i32
    %dma_wait3A_858 = arith.constant 0 : i32
    %dma_wait3A_859 = tpu.memref_slice %arg5[%dma_wait3A_857, %dma_wait3A_858] : memref<50x512xi32, #tpu.memory_space<vmem>> -> memref<1x512xi32, #tpu.memory_space<vmem>>
    %dma_wait3A_860 = tpu.memref_squeeze %dma_wait3A_859 : memref<1x512xi32, #tpu.memory_space<vmem>> -> memref<512xi32, #tpu.memory_space<vmem>>
    %dma_wait3A_861 = tpu.memref_slice %arg2[%add3A_377] : memref<819200xi32, #tpu.memory_space<hbm>> -> memref<512xi32, #tpu.memory_space<hbm>>
    %dma_wait3A_862 = arith.constant 0 : i32
    %dma_wait3A_863 = tpu.memref_slice %arg5[%dma_wait3A_857, %dma_wait3A_862] : memref<50x512xi32, #tpu.memory_space<vmem>> -> memref<1x512xi32, #tpu.memory_space<vmem>>
    %dma_wait3A_864 = tpu.memref_squeeze %dma_wait3A_863 : memref<1x512xi32, #tpu.memory_space<vmem>> -> memref<512xi32, #tpu.memory_space<vmem>>
    %dma_wait3A_865 = tpu.memref_slice %arg2[%add3A_377] : memref<819200xi32, #tpu.memory_space<hbm>> -> memref<512xi32, #tpu.memory_space<hbm>>
    tpu.wait_dma2 semaphore(%arg8 : memref<!tpu.dma_semaphore, #tpu.memory_space<semaphore_mem>>) src(%dma_wait3A_865 : memref<512xi32, #tpu.memory_space<hbm>>) dst(%dma_wait3A_864 : memref<512xi32, #tpu.memory_space<vmem>>)
    %dma_wait3A_866 = arith.constant 35 : i32
    %dma_wait3A_867 = arith.constant 0 : i32
    %dma_wait3A_868 = tpu.memref_slice %arg5[%dma_wait3A_866, %dma_wait3A_867] : memref<50x512xi32, #tpu.memory_space<vmem>> -> memref<1x512xi32, #tpu.memory_space<vmem>>
    %dma_wait3A_869 = tpu.memref_squeeze %dma_wait3A_868 : memref<1x512xi32, #tpu.memory_space<vmem>> -> memref<512xi32, #tpu.memory_space<vmem>>
    %dma_wait3A_870 = tpu.memref_slice %arg2[%add3A_388] : memref<819200xi32, #tpu.memory_space<hbm>> -> memref<512xi32, #tpu.memory_space<hbm>>
    %dma_wait3A_871 = arith.constant 0 : i32
    %dma_wait3A_872 = tpu.memref_slice %arg5[%dma_wait3A_866, %dma_wait3A_871] : memref<50x512xi32, #tpu.memory_space<vmem>> -> memref<1x512xi32, #tpu.memory_space<vmem>>
    %dma_wait3A_873 = tpu.memref_squeeze %dma_wait3A_872 : memref<1x512xi32, #tpu.memory_space<vmem>> -> memref<512xi32, #tpu.memory_space<vmem>>
    %dma_wait3A_874 = tpu.memref_slice %arg2[%add3A_388] : memref<819200xi32, #tpu.memory_space<hbm>> -> memref<512xi32, #tpu.memory_space<hbm>>
    tpu.wait_dma2 semaphore(%arg8 : memref<!tpu.dma_semaphore, #tpu.memory_space<semaphore_mem>>) src(%dma_wait3A_874 : memref<512xi32, #tpu.memory_space<hbm>>) dst(%dma_wait3A_873 : memref<512xi32, #tpu.memory_space<vmem>>)
    %dma_wait3A_875 = arith.constant 36 : i32
    %dma_wait3A_876 = arith.constant 0 : i32
    %dma_wait3A_877 = tpu.memref_slice %arg5[%dma_wait3A_875, %dma_wait3A_876] : memref<50x512xi32, #tpu.memory_space<vmem>> -> memref<1x512xi32, #tpu.memory_space<vmem>>
    %dma_wait3A_878 = tpu.memref_squeeze %dma_wait3A_877 : memref<1x512xi32, #tpu.memory_space<vmem>> -> memref<512xi32, #tpu.memory_space<vmem>>
    %dma_wait3A_879 = tpu.memref_slice %arg2[%add3A_399] : memref<819200xi32, #tpu.memory_space<hbm>> -> memref<512xi32, #tpu.memory_space<hbm>>
    %dma_wait3A_880 = arith.constant 0 : i32
    %dma_wait3A_881 = tpu.memref_slice %arg5[%dma_wait3A_875, %dma_wait3A_880] : memref<50x512xi32, #tpu.memory_space<vmem>> -> memref<1x512xi32, #tpu.memory_space<vmem>>
    %dma_wait3A_882 = tpu.memref_squeeze %dma_wait3A_881 : memref<1x512xi32, #tpu.memory_space<vmem>> -> memref<512xi32, #tpu.memory_space<vmem>>
    %dma_wait3A_883 = tpu.memref_slice %arg2[%add3A_399] : memref<819200xi32, #tpu.memory_space<hbm>> -> memref<512xi32, #tpu.memory_space<hbm>>
    tpu.wait_dma2 semaphore(%arg8 : memref<!tpu.dma_semaphore, #tpu.memory_space<semaphore_mem>>) src(%dma_wait3A_883 : memref<512xi32, #tpu.memory_space<hbm>>) dst(%dma_wait3A_882 : memref<512xi32, #tpu.memory_space<vmem>>)
    %dma_wait3A_884 = arith.constant 37 : i32
    %dma_wait3A_885 = arith.constant 0 : i32
    %dma_wait3A_886 = tpu.memref_slice %arg5[%dma_wait3A_884, %dma_wait3A_885] : memref<50x512xi32, #tpu.memory_space<vmem>> -> memref<1x512xi32, #tpu.memory_space<vmem>>
    %dma_wait3A_887 = tpu.memref_squeeze %dma_wait3A_886 : memref<1x512xi32, #tpu.memory_space<vmem>> -> memref<512xi32, #tpu.memory_space<vmem>>
    %dma_wait3A_888 = tpu.memref_slice %arg2[%add3A_410] : memref<819200xi32, #tpu.memory_space<hbm>> -> memref<512xi32, #tpu.memory_space<hbm>>
    %dma_wait3A_889 = arith.constant 0 : i32
    %dma_wait3A_890 = tpu.memref_slice %arg5[%dma_wait3A_884, %dma_wait3A_889] : memref<50x512xi32, #tpu.memory_space<vmem>> -> memref<1x512xi32, #tpu.memory_space<vmem>>
    %dma_wait3A_891 = tpu.memref_squeeze %dma_wait3A_890 : memref<1x512xi32, #tpu.memory_space<vmem>> -> memref<512xi32, #tpu.memory_space<vmem>>
    %dma_wait3A_892 = tpu.memref_slice %arg2[%add3A_410] : memref<819200xi32, #tpu.memory_space<hbm>> -> memref<512xi32, #tpu.memory_space<hbm>>
    tpu.wait_dma2 semaphore(%arg8 : memref<!tpu.dma_semaphore, #tpu.memory_space<semaphore_mem>>) src(%dma_wait3A_892 : memref<512xi32, #tpu.memory_space<hbm>>) dst(%dma_wait3A_891 : memref<512xi32, #tpu.memory_space<vmem>>)
    %dma_wait3A_893 = arith.constant 38 : i32
    %dma_wait3A_894 = arith.constant 0 : i32
    %dma_wait3A_895 = tpu.memref_slice %arg5[%dma_wait3A_893, %dma_wait3A_894] : memref<50x512xi32, #tpu.memory_space<vmem>> -> memref<1x512xi32, #tpu.memory_space<vmem>>
    %dma_wait3A_896 = tpu.memref_squeeze %dma_wait3A_895 : memref<1x512xi32, #tpu.memory_space<vmem>> -> memref<512xi32, #tpu.memory_space<vmem>>
    %dma_wait3A_897 = tpu.memref_slice %arg2[%add3A_421] : memref<819200xi32, #tpu.memory_space<hbm>> -> memref<512xi32, #tpu.memory_space<hbm>>
    %dma_wait3A_898 = arith.constant 0 : i32
    %dma_wait3A_899 = tpu.memref_slice %arg5[%dma_wait3A_893, %dma_wait3A_898] : memref<50x512xi32, #tpu.memory_space<vmem>> -> memref<1x512xi32, #tpu.memory_space<vmem>>
    %dma_wait3A_900 = tpu.memref_squeeze %dma_wait3A_899 : memref<1x512xi32, #tpu.memory_space<vmem>> -> memref<512xi32, #tpu.memory_space<vmem>>
    %dma_wait3A_901 = tpu.memref_slice %arg2[%add3A_421] : memref<819200xi32, #tpu.memory_space<hbm>> -> memref<512xi32, #tpu.memory_space<hbm>>
    tpu.wait_dma2 semaphore(%arg8 : memref<!tpu.dma_semaphore, #tpu.memory_space<semaphore_mem>>) src(%dma_wait3A_901 : memref<512xi32, #tpu.memory_space<hbm>>) dst(%dma_wait3A_900 : memref<512xi32, #tpu.memory_space<vmem>>)
    %dma_wait3A_902 = arith.constant 39 : i32
    %dma_wait3A_903 = arith.constant 0 : i32
    %dma_wait3A_904 = tpu.memref_slice %arg5[%dma_wait3A_902, %dma_wait3A_903] : memref<50x512xi32, #tpu.memory_space<vmem>> -> memref<1x512xi32, #tpu.memory_space<vmem>>
    %dma_wait3A_905 = tpu.memref_squeeze %dma_wait3A_904 : memref<1x512xi32, #tpu.memory_space<vmem>> -> memref<512xi32, #tpu.memory_space<vmem>>
    %dma_wait3A_906 = tpu.memref_slice %arg2[%add3A_432] : memref<819200xi32, #tpu.memory_space<hbm>> -> memref<512xi32, #tpu.memory_space<hbm>>
    %dma_wait3A_907 = arith.constant 0 : i32
    %dma_wait3A_908 = tpu.memref_slice %arg5[%dma_wait3A_902, %dma_wait3A_907] : memref<50x512xi32, #tpu.memory_space<vmem>> -> memref<1x512xi32, #tpu.memory_space<vmem>>
    %dma_wait3A_909 = tpu.memref_squeeze %dma_wait3A_908 : memref<1x512xi32, #tpu.memory_space<vmem>> -> memref<512xi32, #tpu.memory_space<vmem>>
    %dma_wait3A_910 = tpu.memref_slice %arg2[%add3A_432] : memref<819200xi32, #tpu.memory_space<hbm>> -> memref<512xi32, #tpu.memory_space<hbm>>
    tpu.wait_dma2 semaphore(%arg8 : memref<!tpu.dma_semaphore, #tpu.memory_space<semaphore_mem>>) src(%dma_wait3A_910 : memref<512xi32, #tpu.memory_space<hbm>>) dst(%dma_wait3A_909 : memref<512xi32, #tpu.memory_space<vmem>>)
    %dma_wait3A_911 = arith.constant 40 : i32
    %dma_wait3A_912 = arith.constant 0 : i32
    %dma_wait3A_913 = tpu.memref_slice %arg5[%dma_wait3A_911, %dma_wait3A_912] : memref<50x512xi32, #tpu.memory_space<vmem>> -> memref<1x512xi32, #tpu.memory_space<vmem>>
    %dma_wait3A_914 = tpu.memref_squeeze %dma_wait3A_913 : memref<1x512xi32, #tpu.memory_space<vmem>> -> memref<512xi32, #tpu.memory_space<vmem>>
    %dma_wait3A_915 = tpu.memref_slice %arg2[%add3A_443] : memref<819200xi32, #tpu.memory_space<hbm>> -> memref<512xi32, #tpu.memory_space<hbm>>
    %dma_wait3A_916 = arith.constant 0 : i32
    %dma_wait3A_917 = tpu.memref_slice %arg5[%dma_wait3A_911, %dma_wait3A_916] : memref<50x512xi32, #tpu.memory_space<vmem>> -> memref<1x512xi32, #tpu.memory_space<vmem>>
    %dma_wait3A_918 = tpu.memref_squeeze %dma_wait3A_917 : memref<1x512xi32, #tpu.memory_space<vmem>> -> memref<512xi32, #tpu.memory_space<vmem>>
    %dma_wait3A_919 = tpu.memref_slice %arg2[%add3A_443] : memref<819200xi32, #tpu.memory_space<hbm>> -> memref<512xi32, #tpu.memory_space<hbm>>
    tpu.wait_dma2 semaphore(%arg8 : memref<!tpu.dma_semaphore, #tpu.memory_space<semaphore_mem>>) src(%dma_wait3A_919 : memref<512xi32, #tpu.memory_space<hbm>>) dst(%dma_wait3A_918 : memref<512xi32, #tpu.memory_space<vmem>>)
    %dma_wait3A_920 = arith.constant 41 : i32
    %dma_wait3A_921 = arith.constant 0 : i32
    %dma_wait3A_922 = tpu.memref_slice %arg5[%dma_wait3A_920, %dma_wait3A_921] : memref<50x512xi32, #tpu.memory_space<vmem>> -> memref<1x512xi32, #tpu.memory_space<vmem>>
    %dma_wait3A_923 = tpu.memref_squeeze %dma_wait3A_922 : memref<1x512xi32, #tpu.memory_space<vmem>> -> memref<512xi32, #tpu.memory_space<vmem>>
    %dma_wait3A_924 = tpu.memref_slice %arg2[%add3A_454] : memref<819200xi32, #tpu.memory_space<hbm>> -> memref<512xi32, #tpu.memory_space<hbm>>
    %dma_wait3A_925 = arith.constant 0 : i32
    %dma_wait3A_926 = tpu.memref_slice %arg5[%dma_wait3A_920, %dma_wait3A_925] : memref<50x512xi32, #tpu.memory_space<vmem>> -> memref<1x512xi32, #tpu.memory_space<vmem>>
    %dma_wait3A_927 = tpu.memref_squeeze %dma_wait3A_926 : memref<1x512xi32, #tpu.memory_space<vmem>> -> memref<512xi32, #tpu.memory_space<vmem>>
    %dma_wait3A_928 = tpu.memref_slice %arg2[%add3A_454] : memref<819200xi32, #tpu.memory_space<hbm>> -> memref<512xi32, #tpu.memory_space<hbm>>
    tpu.wait_dma2 semaphore(%arg8 : memref<!tpu.dma_semaphore, #tpu.memory_space<semaphore_mem>>) src(%dma_wait3A_928 : memref<512xi32, #tpu.memory_space<hbm>>) dst(%dma_wait3A_927 : memref<512xi32, #tpu.memory_space<vmem>>)
    %dma_wait3A_929 = arith.constant 42 : i32
    %dma_wait3A_930 = arith.constant 0 : i32
    %dma_wait3A_931 = tpu.memref_slice %arg5[%dma_wait3A_929, %dma_wait3A_930] : memref<50x512xi32, #tpu.memory_space<vmem>> -> memref<1x512xi32, #tpu.memory_space<vmem>>
    %dma_wait3A_932 = tpu.memref_squeeze %dma_wait3A_931 : memref<1x512xi32, #tpu.memory_space<vmem>> -> memref<512xi32, #tpu.memory_space<vmem>>
    %dma_wait3A_933 = tpu.memref_slice %arg2[%add3A_465] : memref<819200xi32, #tpu.memory_space<hbm>> -> memref<512xi32, #tpu.memory_space<hbm>>
    %dma_wait3A_934 = arith.constant 0 : i32
    %dma_wait3A_935 = tpu.memref_slice %arg5[%dma_wait3A_929, %dma_wait3A_934] : memref<50x512xi32, #tpu.memory_space<vmem>> -> memref<1x512xi32, #tpu.memory_space<vmem>>
    %dma_wait3A_936 = tpu.memref_squeeze %dma_wait3A_935 : memref<1x512xi32, #tpu.memory_space<vmem>> -> memref<512xi32, #tpu.memory_space<vmem>>
    %dma_wait3A_937 = tpu.memref_slice %arg2[%add3A_465] : memref<819200xi32, #tpu.memory_space<hbm>> -> memref<512xi32, #tpu.memory_space<hbm>>
    tpu.wait_dma2 semaphore(%arg8 : memref<!tpu.dma_semaphore, #tpu.memory_space<semaphore_mem>>) src(%dma_wait3A_937 : memref<512xi32, #tpu.memory_space<hbm>>) dst(%dma_wait3A_936 : memref<512xi32, #tpu.memory_space<vmem>>)
    %dma_wait3A_938 = arith.constant 43 : i32
    %dma_wait3A_939 = arith.constant 0 : i32
    %dma_wait3A_940 = tpu.memref_slice %arg5[%dma_wait3A_938, %dma_wait3A_939] : memref<50x512xi32, #tpu.memory_space<vmem>> -> memref<1x512xi32, #tpu.memory_space<vmem>>
    %dma_wait3A_941 = tpu.memref_squeeze %dma_wait3A_940 : memref<1x512xi32, #tpu.memory_space<vmem>> -> memref<512xi32, #tpu.memory_space<vmem>>
    %dma_wait3A_942 = tpu.memref_slice %arg2[%add3A_476] : memref<819200xi32, #tpu.memory_space<hbm>> -> memref<512xi32, #tpu.memory_space<hbm>>
    %dma_wait3A_943 = arith.constant 0 : i32
    %dma_wait3A_944 = tpu.memref_slice %arg5[%dma_wait3A_938, %dma_wait3A_943] : memref<50x512xi32, #tpu.memory_space<vmem>> -> memref<1x512xi32, #tpu.memory_space<vmem>>
    %dma_wait3A_945 = tpu.memref_squeeze %dma_wait3A_944 : memref<1x512xi32, #tpu.memory_space<vmem>> -> memref<512xi32, #tpu.memory_space<vmem>>
    %dma_wait3A_946 = tpu.memref_slice %arg2[%add3A_476] : memref<819200xi32, #tpu.memory_space<hbm>> -> memref<512xi32, #tpu.memory_space<hbm>>
    tpu.wait_dma2 semaphore(%arg8 : memref<!tpu.dma_semaphore, #tpu.memory_space<semaphore_mem>>) src(%dma_wait3A_946 : memref<512xi32, #tpu.memory_space<hbm>>) dst(%dma_wait3A_945 : memref<512xi32, #tpu.memory_space<vmem>>)
    %dma_wait3A_947 = arith.constant 44 : i32
    %dma_wait3A_948 = arith.constant 0 : i32
    %dma_wait3A_949 = tpu.memref_slice %arg5[%dma_wait3A_947, %dma_wait3A_948] : memref<50x512xi32, #tpu.memory_space<vmem>> -> memref<1x512xi32, #tpu.memory_space<vmem>>
    %dma_wait3A_950 = tpu.memref_squeeze %dma_wait3A_949 : memref<1x512xi32, #tpu.memory_space<vmem>> -> memref<512xi32, #tpu.memory_space<vmem>>
    %dma_wait3A_951 = tpu.memref_slice %arg2[%add3A_487] : memref<819200xi32, #tpu.memory_space<hbm>> -> memref<512xi32, #tpu.memory_space<hbm>>
    %dma_wait3A_952 = arith.constant 0 : i32
    %dma_wait3A_953 = tpu.memref_slice %arg5[%dma_wait3A_947, %dma_wait3A_952] : memref<50x512xi32, #tpu.memory_space<vmem>> -> memref<1x512xi32, #tpu.memory_space<vmem>>
    %dma_wait3A_954 = tpu.memref_squeeze %dma_wait3A_953 : memref<1x512xi32, #tpu.memory_space<vmem>> -> memref<512xi32, #tpu.memory_space<vmem>>
    %dma_wait3A_955 = tpu.memref_slice %arg2[%add3A_487] : memref<819200xi32, #tpu.memory_space<hbm>> -> memref<512xi32, #tpu.memory_space<hbm>>
    tpu.wait_dma2 semaphore(%arg8 : memref<!tpu.dma_semaphore, #tpu.memory_space<semaphore_mem>>) src(%dma_wait3A_955 : memref<512xi32, #tpu.memory_space<hbm>>) dst(%dma_wait3A_954 : memref<512xi32, #tpu.memory_space<vmem>>)
    %dma_wait3A_956 = arith.constant 45 : i32
    %dma_wait3A_957 = arith.constant 0 : i32
    %dma_wait3A_958 = tpu.memref_slice %arg5[%dma_wait3A_956, %dma_wait3A_957] : memref<50x512xi32, #tpu.memory_space<vmem>> -> memref<1x512xi32, #tpu.memory_space<vmem>>
    %dma_wait3A_959 = tpu.memref_squeeze %dma_wait3A_958 : memref<1x512xi32, #tpu.memory_space<vmem>> -> memref<512xi32, #tpu.memory_space<vmem>>
    %dma_wait3A_960 = tpu.memref_slice %arg2[%add3A_498] : memref<819200xi32, #tpu.memory_space<hbm>> -> memref<512xi32, #tpu.memory_space<hbm>>
    %dma_wait3A_961 = arith.constant 0 : i32
    %dma_wait3A_962 = tpu.memref_slice %arg5[%dma_wait3A_956, %dma_wait3A_961] : memref<50x512xi32, #tpu.memory_space<vmem>> -> memref<1x512xi32, #tpu.memory_space<vmem>>
    %dma_wait3A_963 = tpu.memref_squeeze %dma_wait3A_962 : memref<1x512xi32, #tpu.memory_space<vmem>> -> memref<512xi32, #tpu.memory_space<vmem>>
    %dma_wait3A_964 = tpu.memref_slice %arg2[%add3A_498] : memref<819200xi32, #tpu.memory_space<hbm>> -> memref<512xi32, #tpu.memory_space<hbm>>
    tpu.wait_dma2 semaphore(%arg8 : memref<!tpu.dma_semaphore, #tpu.memory_space<semaphore_mem>>) src(%dma_wait3A_964 : memref<512xi32, #tpu.memory_space<hbm>>) dst(%dma_wait3A_963 : memref<512xi32, #tpu.memory_space<vmem>>)
    %dma_wait3A_965 = arith.constant 46 : i32
    %dma_wait3A_966 = arith.constant 0 : i32
    %dma_wait3A_967 = tpu.memref_slice %arg5[%dma_wait3A_965, %dma_wait3A_966] : memref<50x512xi32, #tpu.memory_space<vmem>> -> memref<1x512xi32, #tpu.memory_space<vmem>>
    %dma_wait3A_968 = tpu.memref_squeeze %dma_wait3A_967 : memref<1x512xi32, #tpu.memory_space<vmem>> -> memref<512xi32, #tpu.memory_space<vmem>>
    %dma_wait3A_969 = tpu.memref_slice %arg2[%add3A_509] : memref<819200xi32, #tpu.memory_space<hbm>> -> memref<512xi32, #tpu.memory_space<hbm>>
    %dma_wait3A_970 = arith.constant 0 : i32
    %dma_wait3A_971 = tpu.memref_slice %arg5[%dma_wait3A_965, %dma_wait3A_970] : memref<50x512xi32, #tpu.memory_space<vmem>> -> memref<1x512xi32, #tpu.memory_space<vmem>>
    %dma_wait3A_972 = tpu.memref_squeeze %dma_wait3A_971 : memref<1x512xi32, #tpu.memory_space<vmem>> -> memref<512xi32, #tpu.memory_space<vmem>>
    %dma_wait3A_973 = tpu.memref_slice %arg2[%add3A_509] : memref<819200xi32, #tpu.memory_space<hbm>> -> memref<512xi32, #tpu.memory_space<hbm>>
    tpu.wait_dma2 semaphore(%arg8 : memref<!tpu.dma_semaphore, #tpu.memory_space<semaphore_mem>>) src(%dma_wait3A_973 : memref<512xi32, #tpu.memory_space<hbm>>) dst(%dma_wait3A_972 : memref<512xi32, #tpu.memory_space<vmem>>)
    %dma_wait3A_974 = arith.constant 47 : i32
    %dma_wait3A_975 = arith.constant 0 : i32
    %dma_wait3A_976 = tpu.memref_slice %arg5[%dma_wait3A_974, %dma_wait3A_975] : memref<50x512xi32, #tpu.memory_space<vmem>> -> memref<1x512xi32, #tpu.memory_space<vmem>>
    %dma_wait3A_977 = tpu.memref_squeeze %dma_wait3A_976 : memref<1x512xi32, #tpu.memory_space<vmem>> -> memref<512xi32, #tpu.memory_space<vmem>>
    %dma_wait3A_978 = tpu.memref_slice %arg2[%add3A_520] : memref<819200xi32, #tpu.memory_space<hbm>> -> memref<512xi32, #tpu.memory_space<hbm>>
    %dma_wait3A_979 = arith.constant 0 : i32
    %dma_wait3A_980 = tpu.memref_slice %arg5[%dma_wait3A_974, %dma_wait3A_979] : memref<50x512xi32, #tpu.memory_space<vmem>> -> memref<1x512xi32, #tpu.memory_space<vmem>>
    %dma_wait3A_981 = tpu.memref_squeeze %dma_wait3A_980 : memref<1x512xi32, #tpu.memory_space<vmem>> -> memref<512xi32, #tpu.memory_space<vmem>>
    %dma_wait3A_982 = tpu.memref_slice %arg2[%add3A_520] : memref<819200xi32, #tpu.memory_space<hbm>> -> memref<512xi32, #tpu.memory_space<hbm>>
    tpu.wait_dma2 semaphore(%arg8 : memref<!tpu.dma_semaphore, #tpu.memory_space<semaphore_mem>>) src(%dma_wait3A_982 : memref<512xi32, #tpu.memory_space<hbm>>) dst(%dma_wait3A_981 : memref<512xi32, #tpu.memory_space<vmem>>)
    %dma_wait3A_983 = arith.constant 48 : i32
    %dma_wait3A_984 = arith.constant 0 : i32
    %dma_wait3A_985 = tpu.memref_slice %arg5[%dma_wait3A_983, %dma_wait3A_984] : memref<50x512xi32, #tpu.memory_space<vmem>> -> memref<1x512xi32, #tpu.memory_space<vmem>>
    %dma_wait3A_986 = tpu.memref_squeeze %dma_wait3A_985 : memref<1x512xi32, #tpu.memory_space<vmem>> -> memref<512xi32, #tpu.memory_space<vmem>>
    %dma_wait3A_987 = tpu.memref_slice %arg2[%add3A_531] : memref<819200xi32, #tpu.memory_space<hbm>> -> memref<512xi32, #tpu.memory_space<hbm>>
    %dma_wait3A_988 = arith.constant 0 : i32
    %dma_wait3A_989 = tpu.memref_slice %arg5[%dma_wait3A_983, %dma_wait3A_988] : memref<50x512xi32, #tpu.memory_space<vmem>> -> memref<1x512xi32, #tpu.memory_space<vmem>>
    %dma_wait3A_990 = tpu.memref_squeeze %dma_wait3A_989 : memref<1x512xi32, #tpu.memory_space<vmem>> -> memref<512xi32, #tpu.memory_space<vmem>>
    %dma_wait3A_991 = tpu.memref_slice %arg2[%add3A_531] : memref<819200xi32, #tpu.memory_space<hbm>> -> memref<512xi32, #tpu.memory_space<hbm>>
    tpu.wait_dma2 semaphore(%arg8 : memref<!tpu.dma_semaphore, #tpu.memory_space<semaphore_mem>>) src(%dma_wait3A_991 : memref<512xi32, #tpu.memory_space<hbm>>) dst(%dma_wait3A_990 : memref<512xi32, #tpu.memory_space<vmem>>)
    %dma_wait3A_992 = arith.constant 49 : i32
    %dma_wait3A_993 = arith.constant 0 : i32
    %dma_wait3A_994 = tpu.memref_slice %arg5[%dma_wait3A_992, %dma_wait3A_993] : memref<50x512xi32, #tpu.memory_space<vmem>> -> memref<1x512xi32, #tpu.memory_space<vmem>>
    %dma_wait3A_995 = tpu.memref_squeeze %dma_wait3A_994 : memref<1x512xi32, #tpu.memory_space<vmem>> -> memref<512xi32, #tpu.memory_space<vmem>>
    %dma_wait3A_996 = tpu.memref_slice %arg2[%add3A_542] : memref<819200xi32, #tpu.memory_space<hbm>> -> memref<512xi32, #tpu.memory_space<hbm>>
    %dma_wait3A_997 = arith.constant 0 : i32
    %dma_wait3A_998 = tpu.memref_slice %arg5[%dma_wait3A_992, %dma_wait3A_997] : memref<50x512xi32, #tpu.memory_space<vmem>> -> memref<1x512xi32, #tpu.memory_space<vmem>>
    %dma_wait3A_999 = tpu.memref_squeeze %dma_wait3A_998 : memref<1x512xi32, #tpu.memory_space<vmem>> -> memref<512xi32, #tpu.memory_space<vmem>>
    %dma_wait3A_1000 = tpu.memref_slice %arg2[%add3A_542] : memref<819200xi32, #tpu.memory_space<hbm>> -> memref<512xi32, #tpu.memory_space<hbm>>
    tpu.wait_dma2 semaphore(%arg8 : memref<!tpu.dma_semaphore, #tpu.memory_space<semaphore_mem>>) src(%dma_wait3A_1000 : memref<512xi32, #tpu.memory_space<hbm>>) dst(%dma_wait3A_999 : memref<512xi32, #tpu.memory_space<vmem>>)
    %dma_start3A_1001 = arith.constant 0 : i32
    %dma_start3A_1002 = arith.constant 0 : i32
    %dma_start3A_1003 = arith.constant 0 : i32
    %dma_start3A_1004 = tpu.memref_slice %arg6[%dma_start3A_1002, %dma_start3A_1003] : memref<512x32xf32, #tpu.memory_space<vmem>> -> memref<128x32xf32, #tpu.memory_space<vmem>>
    %dma_start3A_1005 = arith.constant 0 : i32
    %dma_start3A_1006 = tpu.memref_slice %arg5[%dma_start3A_1001, %dma_start3A_1005] : memref<50x512xi32, #tpu.memory_space<vmem>> -> memref<1x128xi32, #tpu.memory_space<vmem>>
    %dma_start3A_1007 = tpu.memref_squeeze %dma_start3A_1006 : memref<1x128xi32, #tpu.memory_space<vmem>> -> memref<128xi32, #tpu.memory_space<vmem>>
    %dma_start3A_1008 = arith.constant 0 : i32
    %dma_start3A_1009 = arith.constant 0 : i32
    %dma_start3A_1010 = tpu.memref_slice %arg3[%dma_start3A_1008, %dma_start3A_1009] : memref<1000000x32xf32, #tpu.memory_space<hbm>> -> memref<1000000x32xf32, #tpu.memory_space<hbm>>
    tpu.enqueue_indirect_dma source(%dma_start3A_1010 : memref<1000000x32xf32, #tpu.memory_space<hbm>>) target(%dma_start3A_1004 : memref<128x32xf32, #tpu.memory_space<vmem>>) offsets(%dma_start3A_1007 : memref<128xi32, #tpu.memory_space<vmem>>) semaphore(%arg9 : memref<!tpu.dma_semaphore, #tpu.memory_space<semaphore_mem>>)
    %dma_start3A_1011 = arith.constant 0 : i32
    %dma_start3A_1012 = arith.constant 128 : i32
    %dma_start3A_1013 = arith.constant 0 : i32
    %dma_start3A_1014 = tpu.memref_slice %arg6[%dma_start3A_1012, %dma_start3A_1013] : memref<512x32xf32, #tpu.memory_space<vmem>> -> memref<128x32xf32, #tpu.memory_space<vmem>>
    %dma_start3A_1015 = arith.constant 128 : i32
    %dma_start3A_1016 = tpu.memref_slice %arg5[%dma_start3A_1011, %dma_start3A_1015] : memref<50x512xi32, #tpu.memory_space<vmem>> -> memref<1x128xi32, #tpu.memory_space<vmem>>
    %dma_start3A_1017 = tpu.memref_squeeze %dma_start3A_1016 : memref<1x128xi32, #tpu.memory_space<vmem>> -> memref<128xi32, #tpu.memory_space<vmem>>
    %dma_start3A_1018 = arith.constant 0 : i32
    %dma_start3A_1019 = arith.constant 0 : i32
    %dma_start3A_1020 = tpu.memref_slice %arg3[%dma_start3A_1018, %dma_start3A_1019] : memref<1000000x32xf32, #tpu.memory_space<hbm>> -> memref<1000000x32xf32, #tpu.memory_space<hbm>>
    tpu.enqueue_indirect_dma source(%dma_start3A_1020 : memref<1000000x32xf32, #tpu.memory_space<hbm>>) target(%dma_start3A_1014 : memref<128x32xf32, #tpu.memory_space<vmem>>) offsets(%dma_start3A_1017 : memref<128xi32, #tpu.memory_space<vmem>>) semaphore(%arg9 : memref<!tpu.dma_semaphore, #tpu.memory_space<semaphore_mem>>)
    %dma_start3A_1021 = arith.constant 0 : i32
    %dma_start3A_1022 = arith.constant 256 : i32
    %dma_start3A_1023 = arith.constant 0 : i32
    %dma_start3A_1024 = tpu.memref_slice %arg6[%dma_start3A_1022, %dma_start3A_1023] : memref<512x32xf32, #tpu.memory_space<vmem>> -> memref<128x32xf32, #tpu.memory_space<vmem>>
    %dma_start3A_1025 = arith.constant 256 : i32
    %dma_start3A_1026 = tpu.memref_slice %arg5[%dma_start3A_1021, %dma_start3A_1025] : memref<50x512xi32, #tpu.memory_space<vmem>> -> memref<1x128xi32, #tpu.memory_space<vmem>>
    %dma_start3A_1027 = tpu.memref_squeeze %dma_start3A_1026 : memref<1x128xi32, #tpu.memory_space<vmem>> -> memref<128xi32, #tpu.memory_space<vmem>>
    %dma_start3A_1028 = arith.constant 0 : i32
    %dma_start3A_1029 = arith.constant 0 : i32
    %dma_start3A_1030 = tpu.memref_slice %arg3[%dma_start3A_1028, %dma_start3A_1029] : memref<1000000x32xf32, #tpu.memory_space<hbm>> -> memref<1000000x32xf32, #tpu.memory_space<hbm>>
    tpu.enqueue_indirect_dma source(%dma_start3A_1030 : memref<1000000x32xf32, #tpu.memory_space<hbm>>) target(%dma_start3A_1024 : memref<128x32xf32, #tpu.memory_space<vmem>>) offsets(%dma_start3A_1027 : memref<128xi32, #tpu.memory_space<vmem>>) semaphore(%arg9 : memref<!tpu.dma_semaphore, #tpu.memory_space<semaphore_mem>>)
    %dma_start3A_1031 = arith.constant 0 : i32
    %dma_start3A_1032 = arith.constant 384 : i32
    %dma_start3A_1033 = arith.constant 0 : i32
    %dma_start3A_1034 = tpu.memref_slice %arg6[%dma_start3A_1032, %dma_start3A_1033] : memref<512x32xf32, #tpu.memory_space<vmem>> -> memref<128x32xf32, #tpu.memory_space<vmem>>
    %dma_start3A_1035 = arith.constant 384 : i32
    %dma_start3A_1036 = tpu.memref_slice %arg5[%dma_start3A_1031, %dma_start3A_1035] : memref<50x512xi32, #tpu.memory_space<vmem>> -> memref<1x128xi32, #tpu.memory_space<vmem>>
    %dma_start3A_1037 = tpu.memref_squeeze %dma_start3A_1036 : memref<1x128xi32, #tpu.memory_space<vmem>> -> memref<128xi32, #tpu.memory_space<vmem>>
    %dma_start3A_1038 = arith.constant 0 : i32
    %dma_start3A_1039 = arith.constant 0 : i32
    %dma_start3A_1040 = tpu.memref_slice %arg3[%dma_start3A_1038, %dma_start3A_1039] : memref<1000000x32xf32, #tpu.memory_space<hbm>> -> memref<1000000x32xf32, #tpu.memory_space<hbm>>
    tpu.enqueue_indirect_dma source(%dma_start3A_1040 : memref<1000000x32xf32, #tpu.memory_space<hbm>>) target(%dma_start3A_1034 : memref<128x32xf32, #tpu.memory_space<vmem>>) offsets(%dma_start3A_1037 : memref<128xi32, #tpu.memory_space<vmem>>) semaphore(%arg9 : memref<!tpu.dma_semaphore, #tpu.memory_space<semaphore_mem>>)
    %dma_start3A_1041 = arith.constant 1 : i32
    %dma_start3A_1042 = arith.constant 0 : i32
    %dma_start3A_1043 = arith.constant 0 : i32
    %dma_start3A_1044 = tpu.memref_slice %arg7[%dma_start3A_1042, %dma_start3A_1043] : memref<512x32xf32, #tpu.memory_space<vmem>> -> memref<128x32xf32, #tpu.memory_space<vmem>>
    %dma_start3A_1045 = arith.constant 0 : i32
    %dma_start3A_1046 = tpu.memref_slice %arg5[%dma_start3A_1041, %dma_start3A_1045] : memref<50x512xi32, #tpu.memory_space<vmem>> -> memref<1x128xi32, #tpu.memory_space<vmem>>
    %dma_start3A_1047 = tpu.memref_squeeze %dma_start3A_1046 : memref<1x128xi32, #tpu.memory_space<vmem>> -> memref<128xi32, #tpu.memory_space<vmem>>
    %dma_start3A_1048 = arith.constant 0 : i32
    %dma_start3A_1049 = arith.constant 0 : i32
    %dma_start3A_1050 = tpu.memref_slice %arg3[%dma_start3A_1048, %dma_start3A_1049] : memref<1000000x32xf32, #tpu.memory_space<hbm>> -> memref<1000000x32xf32, #tpu.memory_space<hbm>>
    tpu.enqueue_indirect_dma source(%dma_start3A_1050 : memref<1000000x32xf32, #tpu.memory_space<hbm>>) target(%dma_start3A_1044 : memref<128x32xf32, #tpu.memory_space<vmem>>) offsets(%dma_start3A_1047 : memref<128xi32, #tpu.memory_space<vmem>>) semaphore(%arg10 : memref<!tpu.dma_semaphore, #tpu.memory_space<semaphore_mem>>)
    %dma_start3A_1051 = arith.constant 1 : i32
    %dma_start3A_1052 = arith.constant 128 : i32
    %dma_start3A_1053 = arith.constant 0 : i32
    %dma_start3A_1054 = tpu.memref_slice %arg7[%dma_start3A_1052, %dma_start3A_1053] : memref<512x32xf32, #tpu.memory_space<vmem>> -> memref<128x32xf32, #tpu.memory_space<vmem>>
    %dma_start3A_1055 = arith.constant 128 : i32
    %dma_start3A_1056 = tpu.memref_slice %arg5[%dma_start3A_1051, %dma_start3A_1055] : memref<50x512xi32, #tpu.memory_space<vmem>> -> memref<1x128xi32, #tpu.memory_space<vmem>>
    %dma_start3A_1057 = tpu.memref_squeeze %dma_start3A_1056 : memref<1x128xi32, #tpu.memory_space<vmem>> -> memref<128xi32, #tpu.memory_space<vmem>>
    %dma_start3A_1058 = arith.constant 0 : i32
    %dma_start3A_1059 = arith.constant 0 : i32
    %dma_start3A_1060 = tpu.memref_slice %arg3[%dma_start3A_1058, %dma_start3A_1059] : memref<1000000x32xf32, #tpu.memory_space<hbm>> -> memref<1000000x32xf32, #tpu.memory_space<hbm>>
    tpu.enqueue_indirect_dma source(%dma_start3A_1060 : memref<1000000x32xf32, #tpu.memory_space<hbm>>) target(%dma_start3A_1054 : memref<128x32xf32, #tpu.memory_space<vmem>>) offsets(%dma_start3A_1057 : memref<128xi32, #tpu.memory_space<vmem>>) semaphore(%arg10 : memref<!tpu.dma_semaphore, #tpu.memory_space<semaphore_mem>>)
    %dma_start3A_1061 = arith.constant 1 : i32
    %dma_start3A_1062 = arith.constant 256 : i32
    %dma_start3A_1063 = arith.constant 0 : i32
    %dma_start3A_1064 = tpu.memref_slice %arg7[%dma_start3A_1062, %dma_start3A_1063] : memref<512x32xf32, #tpu.memory_space<vmem>> -> memref<128x32xf32, #tpu.memory_space<vmem>>
    %dma_start3A_1065 = arith.constant 256 : i32
    %dma_start3A_1066 = tpu.memref_slice %arg5[%dma_start3A_1061, %dma_start3A_1065] : memref<50x512xi32, #tpu.memory_space<vmem>> -> memref<1x128xi32, #tpu.memory_space<vmem>>
    %dma_start3A_1067 = tpu.memref_squeeze %dma_start3A_1066 : memref<1x128xi32, #tpu.memory_space<vmem>> -> memref<128xi32, #tpu.memory_space<vmem>>
    %dma_start3A_1068 = arith.constant 0 : i32
    %dma_start3A_1069 = arith.constant 0 : i32
    %dma_start3A_1070 = tpu.memref_slice %arg3[%dma_start3A_1068, %dma_start3A_1069] : memref<1000000x32xf32, #tpu.memory_space<hbm>> -> memref<1000000x32xf32, #tpu.memory_space<hbm>>
    tpu.enqueue_indirect_dma source(%dma_start3A_1070 : memref<1000000x32xf32, #tpu.memory_space<hbm>>) target(%dma_start3A_1064 : memref<128x32xf32, #tpu.memory_space<vmem>>) offsets(%dma_start3A_1067 : memref<128xi32, #tpu.memory_space<vmem>>) semaphore(%arg10 : memref<!tpu.dma_semaphore, #tpu.memory_space<semaphore_mem>>)
    %dma_start3A_1071 = arith.constant 1 : i32
    %dma_start3A_1072 = arith.constant 384 : i32
    %dma_start3A_1073 = arith.constant 0 : i32
    %dma_start3A_1074 = tpu.memref_slice %arg7[%dma_start3A_1072, %dma_start3A_1073] : memref<512x32xf32, #tpu.memory_space<vmem>> -> memref<128x32xf32, #tpu.memory_space<vmem>>
    %dma_start3A_1075 = arith.constant 384 : i32
    %dma_start3A_1076 = tpu.memref_slice %arg5[%dma_start3A_1071, %dma_start3A_1075] : memref<50x512xi32, #tpu.memory_space<vmem>> -> memref<1x128xi32, #tpu.memory_space<vmem>>
    %dma_start3A_1077 = tpu.memref_squeeze %dma_start3A_1076 : memref<1x128xi32, #tpu.memory_space<vmem>> -> memref<128xi32, #tpu.memory_space<vmem>>
    %dma_start3A_1078 = arith.constant 0 : i32
    %dma_start3A_1079 = arith.constant 0 : i32
    %dma_start3A_1080 = tpu.memref_slice %arg3[%dma_start3A_1078, %dma_start3A_1079] : memref<1000000x32xf32, #tpu.memory_space<hbm>> -> memref<1000000x32xf32, #tpu.memory_space<hbm>>
    tpu.enqueue_indirect_dma source(%dma_start3A_1080 : memref<1000000x32xf32, #tpu.memory_space<hbm>>) target(%dma_start3A_1074 : memref<128x32xf32, #tpu.memory_space<vmem>>) offsets(%dma_start3A_1077 : memref<128xi32, #tpu.memory_space<vmem>>) semaphore(%arg10 : memref<!tpu.dma_semaphore, #tpu.memory_space<semaphore_mem>>)
    %scan3A = arith.constant 0 : i32
    %scan3A_1081 = arith.constant 0 : i32
    %scan3A_1082 = arith.constant 24 : i32
    %scan3A_1083 = arith.addi %scan3A_1081, %scan3A_1082 : i32
    %scan3A_1084 = arith.constant 1 : i32
    scf.for %scan3A_1194 = %scan3A_1081 to %scan3A_1083 step %scan3A_1084  : i32 {
      %mul3A_1195 = arith.constant 2 : i32
      %mul3A_1196 = arith.muli %mul3A_1195, %scan3A_1194 : i32
      %dma_wait3A_1197 = arith.constant 0 : i32
      %dma_wait3A_1198 = arith.constant 0 : i32
      %dma_wait3A_1199 = tpu.memref_slice %arg6[%dma_wait3A_1197, %dma_wait3A_1198] : memref<512x32xf32, #tpu.memory_space<vmem>> -> memref<128x32xf32, #tpu.memory_space<vmem>>
      %dma_wait3A_1200 = arith.constant 0 : i32
      %dma_wait3A_1201 = tpu.memref_slice %arg5[%mul3A_1196, %dma_wait3A_1200] : memref<50x512xi32, #tpu.memory_space<vmem>> -> memref<1x128xi32, #tpu.memory_space<vmem>>
      %dma_wait3A_1202 = tpu.memref_squeeze %dma_wait3A_1201 : memref<1x128xi32, #tpu.memory_space<vmem>> -> memref<128xi32, #tpu.memory_space<vmem>>
      %dma_wait3A_1203 = arith.constant 0 : i32
      %dma_wait3A_1204 = arith.constant 0 : i32
      %dma_wait3A_1205 = tpu.memref_slice %arg3[%dma_wait3A_1203, %dma_wait3A_1204] : memref<1000000x32xf32, #tpu.memory_space<hbm>> -> memref<1000000x32xf32, #tpu.memory_space<hbm>>
      tpu.wait_indirect_dma semaphore(%arg9 : memref<!tpu.dma_semaphore, #tpu.memory_space<semaphore_mem>>) src(%dma_wait3A_1205 : memref<1000000x32xf32, #tpu.memory_space<hbm>>) dst(%dma_wait3A_1199 : memref<128x32xf32, #tpu.memory_space<vmem>>)
      %dma_wait3A_1206 = arith.constant 128 : i32
      %dma_wait3A_1207 = arith.constant 0 : i32
      %dma_wait3A_1208 = tpu.memref_slice %arg6[%dma_wait3A_1206, %dma_wait3A_1207] : memref<512x32xf32, #tpu.memory_space<vmem>> -> memref<128x32xf32, #tpu.memory_space<vmem>>
      %dma_wait3A_1209 = arith.constant 128 : i32
      %dma_wait3A_1210 = tpu.memref_slice %arg5[%mul3A_1196, %dma_wait3A_1209] : memref<50x512xi32, #tpu.memory_space<vmem>> -> memref<1x128xi32, #tpu.memory_space<vmem>>
      %dma_wait3A_1211 = tpu.memref_squeeze %dma_wait3A_1210 : memref<1x128xi32, #tpu.memory_space<vmem>> -> memref<128xi32, #tpu.memory_space<vmem>>
      %dma_wait3A_1212 = arith.constant 0 : i32
      %dma_wait3A_1213 = arith.constant 0 : i32
      %dma_wait3A_1214 = tpu.memref_slice %arg3[%dma_wait3A_1212, %dma_wait3A_1213] : memref<1000000x32xf32, #tpu.memory_space<hbm>> -> memref<1000000x32xf32, #tpu.memory_space<hbm>>
      tpu.wait_indirect_dma semaphore(%arg9 : memref<!tpu.dma_semaphore, #tpu.memory_space<semaphore_mem>>) src(%dma_wait3A_1214 : memref<1000000x32xf32, #tpu.memory_space<hbm>>) dst(%dma_wait3A_1208 : memref<128x32xf32, #tpu.memory_space<vmem>>)
      %dma_wait3A_1215 = arith.constant 256 : i32
      %dma_wait3A_1216 = arith.constant 0 : i32
      %dma_wait3A_1217 = tpu.memref_slice %arg6[%dma_wait3A_1215, %dma_wait3A_1216] : memref<512x32xf32, #tpu.memory_space<vmem>> -> memref<128x32xf32, #tpu.memory_space<vmem>>
      %dma_wait3A_1218 = arith.constant 256 : i32
      %dma_wait3A_1219 = tpu.memref_slice %arg5[%mul3A_1196, %dma_wait3A_1218] : memref<50x512xi32, #tpu.memory_space<vmem>> -> memref<1x128xi32, #tpu.memory_space<vmem>>
      %dma_wait3A_1220 = tpu.memref_squeeze %dma_wait3A_1219 : memref<1x128xi32, #tpu.memory_space<vmem>> -> memref<128xi32, #tpu.memory_space<vmem>>
      %dma_wait3A_1221 = arith.constant 0 : i32
      %dma_wait3A_1222 = arith.constant 0 : i32
      %dma_wait3A_1223 = tpu.memref_slice %arg3[%dma_wait3A_1221, %dma_wait3A_1222] : memref<1000000x32xf32, #tpu.memory_space<hbm>> -> memref<1000000x32xf32, #tpu.memory_space<hbm>>
      tpu.wait_indirect_dma semaphore(%arg9 : memref<!tpu.dma_semaphore, #tpu.memory_space<semaphore_mem>>) src(%dma_wait3A_1223 : memref<1000000x32xf32, #tpu.memory_space<hbm>>) dst(%dma_wait3A_1217 : memref<128x32xf32, #tpu.memory_space<vmem>>)
      %dma_wait3A_1224 = arith.constant 384 : i32
      %dma_wait3A_1225 = arith.constant 0 : i32
      %dma_wait3A_1226 = tpu.memref_slice %arg6[%dma_wait3A_1224, %dma_wait3A_1225] : memref<512x32xf32, #tpu.memory_space<vmem>> -> memref<128x32xf32, #tpu.memory_space<vmem>>
      %dma_wait3A_1227 = arith.constant 384 : i32
      %dma_wait3A_1228 = tpu.memref_slice %arg5[%mul3A_1196, %dma_wait3A_1227] : memref<50x512xi32, #tpu.memory_space<vmem>> -> memref<1x128xi32, #tpu.memory_space<vmem>>
      %dma_wait3A_1229 = tpu.memref_squeeze %dma_wait3A_1228 : memref<1x128xi32, #tpu.memory_space<vmem>> -> memref<128xi32, #tpu.memory_space<vmem>>
      %dma_wait3A_1230 = arith.constant 0 : i32
      %dma_wait3A_1231 = arith.constant 0 : i32
      %dma_wait3A_1232 = tpu.memref_slice %arg3[%dma_wait3A_1230, %dma_wait3A_1231] : memref<1000000x32xf32, #tpu.memory_space<hbm>> -> memref<1000000x32xf32, #tpu.memory_space<hbm>>
      tpu.wait_indirect_dma semaphore(%arg9 : memref<!tpu.dma_semaphore, #tpu.memory_space<semaphore_mem>>) src(%dma_wait3A_1232 : memref<1000000x32xf32, #tpu.memory_space<hbm>>) dst(%dma_wait3A_1226 : memref<128x32xf32, #tpu.memory_space<vmem>>)
      %dma_start3A_1233 = arith.constant 0 : i32
      %dma_start3A_1234 = tpu.memref_slice %arg4[%mul3A_1196, %mul3A_2, %dma_start3A_1233] : memref<50x16384x32xf32, #tpu.memory_space<hbm>> -> memref<1x512x32xf32, #tpu.memory_space<hbm>>
      %dma_start3A_1235 = tpu.memref_squeeze %dma_start3A_1234 : memref<1x512x32xf32, #tpu.memory_space<hbm>> -> memref<512x32xf32, #tpu.memory_space<hbm>>
      %dma_start3A_1236 = arith.constant 0 : i32
      %dma_start3A_1237 = tpu.memref_slice %arg4[%mul3A_1196, %mul3A_2, %dma_start3A_1236] : memref<50x16384x32xf32, #tpu.memory_space<hbm>> -> memref<1x512x32xf32, #tpu.memory_space<hbm>>
      %dma_start3A_1238 = tpu.memref_squeeze %dma_start3A_1237 : memref<1x512x32xf32, #tpu.memory_space<hbm>> -> memref<512x32xf32, #tpu.memory_space<hbm>>
      tpu.enqueue_dma source(%arg6 : memref<512x32xf32, #tpu.memory_space<vmem>>) target(%dma_start3A_1238 : memref<512x32xf32, #tpu.memory_space<hbm>>) target_semaphore(%arg11 : memref<!tpu.dma_semaphore, #tpu.memory_space<semaphore_mem>>)
      %add3A_1239 = arith.constant 1 : i32
      %add3A_1240 = arith.addi %mul3A_1196, %add3A_1239 : i32
      %dma_wait3A_1241 = arith.constant 0 : i32
      %dma_wait3A_1242 = arith.constant 0 : i32
      %dma_wait3A_1243 = tpu.memref_slice %arg7[%dma_wait3A_1241, %dma_wait3A_1242] : memref<512x32xf32, #tpu.memory_space<vmem>> -> memref<128x32xf32, #tpu.memory_space<vmem>>
      %dma_wait3A_1244 = arith.constant 0 : i32
      %dma_wait3A_1245 = tpu.memref_slice %arg5[%add3A_1240, %dma_wait3A_1244] : memref<50x512xi32, #tpu.memory_space<vmem>> -> memref<1x128xi32, #tpu.memory_space<vmem>>
      %dma_wait3A_1246 = tpu.memref_squeeze %dma_wait3A_1245 : memref<1x128xi32, #tpu.memory_space<vmem>> -> memref<128xi32, #tpu.memory_space<vmem>>
      %dma_wait3A_1247 = arith.constant 0 : i32
      %dma_wait3A_1248 = arith.constant 0 : i32
      %dma_wait3A_1249 = tpu.memref_slice %arg3[%dma_wait3A_1247, %dma_wait3A_1248] : memref<1000000x32xf32, #tpu.memory_space<hbm>> -> memref<1000000x32xf32, #tpu.memory_space<hbm>>
      tpu.wait_indirect_dma semaphore(%arg10 : memref<!tpu.dma_semaphore, #tpu.memory_space<semaphore_mem>>) src(%dma_wait3A_1249 : memref<1000000x32xf32, #tpu.memory_space<hbm>>) dst(%dma_wait3A_1243 : memref<128x32xf32, #tpu.memory_space<vmem>>)
      %dma_wait3A_1250 = arith.constant 128 : i32
      %dma_wait3A_1251 = arith.constant 0 : i32
      %dma_wait3A_1252 = tpu.memref_slice %arg7[%dma_wait3A_1250, %dma_wait3A_1251] : memref<512x32xf32, #tpu.memory_space<vmem>> -> memref<128x32xf32, #tpu.memory_space<vmem>>
      %dma_wait3A_1253 = arith.constant 128 : i32
      %dma_wait3A_1254 = tpu.memref_slice %arg5[%add3A_1240, %dma_wait3A_1253] : memref<50x512xi32, #tpu.memory_space<vmem>> -> memref<1x128xi32, #tpu.memory_space<vmem>>
      %dma_wait3A_1255 = tpu.memref_squeeze %dma_wait3A_1254 : memref<1x128xi32, #tpu.memory_space<vmem>> -> memref<128xi32, #tpu.memory_space<vmem>>
      %dma_wait3A_1256 = arith.constant 0 : i32
      %dma_wait3A_1257 = arith.constant 0 : i32
      %dma_wait3A_1258 = tpu.memref_slice %arg3[%dma_wait3A_1256, %dma_wait3A_1257] : memref<1000000x32xf32, #tpu.memory_space<hbm>> -> memref<1000000x32xf32, #tpu.memory_space<hbm>>
      tpu.wait_indirect_dma semaphore(%arg10 : memref<!tpu.dma_semaphore, #tpu.memory_space<semaphore_mem>>) src(%dma_wait3A_1258 : memref<1000000x32xf32, #tpu.memory_space<hbm>>) dst(%dma_wait3A_1252 : memref<128x32xf32, #tpu.memory_space<vmem>>)
      %dma_wait3A_1259 = arith.constant 256 : i32
      %dma_wait3A_1260 = arith.constant 0 : i32
      %dma_wait3A_1261 = tpu.memref_slice %arg7[%dma_wait3A_1259, %dma_wait3A_1260] : memref<512x32xf32, #tpu.memory_space<vmem>> -> memref<128x32xf32, #tpu.memory_space<vmem>>
      %dma_wait3A_1262 = arith.constant 256 : i32
      %dma_wait3A_1263 = tpu.memref_slice %arg5[%add3A_1240, %dma_wait3A_1262] : memref<50x512xi32, #tpu.memory_space<vmem>> -> memref<1x128xi32, #tpu.memory_space<vmem>>
      %dma_wait3A_1264 = tpu.memref_squeeze %dma_wait3A_1263 : memref<1x128xi32, #tpu.memory_space<vmem>> -> memref<128xi32, #tpu.memory_space<vmem>>
      %dma_wait3A_1265 = arith.constant 0 : i32
      %dma_wait3A_1266 = arith.constant 0 : i32
      %dma_wait3A_1267 = tpu.memref_slice %arg3[%dma_wait3A_1265, %dma_wait3A_1266] : memref<1000000x32xf32, #tpu.memory_space<hbm>> -> memref<1000000x32xf32, #tpu.memory_space<hbm>>
      tpu.wait_indirect_dma semaphore(%arg10 : memref<!tpu.dma_semaphore, #tpu.memory_space<semaphore_mem>>) src(%dma_wait3A_1267 : memref<1000000x32xf32, #tpu.memory_space<hbm>>) dst(%dma_wait3A_1261 : memref<128x32xf32, #tpu.memory_space<vmem>>)
      %dma_wait3A_1268 = arith.constant 384 : i32
      %dma_wait3A_1269 = arith.constant 0 : i32
      %dma_wait3A_1270 = tpu.memref_slice %arg7[%dma_wait3A_1268, %dma_wait3A_1269] : memref<512x32xf32, #tpu.memory_space<vmem>> -> memref<128x32xf32, #tpu.memory_space<vmem>>
      %dma_wait3A_1271 = arith.constant 384 : i32
      %dma_wait3A_1272 = tpu.memref_slice %arg5[%add3A_1240, %dma_wait3A_1271] : memref<50x512xi32, #tpu.memory_space<vmem>> -> memref<1x128xi32, #tpu.memory_space<vmem>>
      %dma_wait3A_1273 = tpu.memref_squeeze %dma_wait3A_1272 : memref<1x128xi32, #tpu.memory_space<vmem>> -> memref<128xi32, #tpu.memory_space<vmem>>
      %dma_wait3A_1274 = arith.constant 0 : i32
      %dma_wait3A_1275 = arith.constant 0 : i32
      %dma_wait3A_1276 = tpu.memref_slice %arg3[%dma_wait3A_1274, %dma_wait3A_1275] : memref<1000000x32xf32, #tpu.memory_space<hbm>> -> memref<1000000x32xf32, #tpu.memory_space<hbm>>
      tpu.wait_indirect_dma semaphore(%arg10 : memref<!tpu.dma_semaphore, #tpu.memory_space<semaphore_mem>>) src(%dma_wait3A_1276 : memref<1000000x32xf32, #tpu.memory_space<hbm>>) dst(%dma_wait3A_1270 : memref<128x32xf32, #tpu.memory_space<vmem>>)
      %dma_wait3A_1277 = arith.constant 0 : i32
      %dma_wait3A_1278 = tpu.memref_slice %arg4[%mul3A_1196, %mul3A_2, %dma_wait3A_1277] : memref<50x16384x32xf32, #tpu.memory_space<hbm>> -> memref<1x512x32xf32, #tpu.memory_space<hbm>>
      %dma_wait3A_1279 = tpu.memref_squeeze %dma_wait3A_1278 : memref<1x512x32xf32, #tpu.memory_space<hbm>> -> memref<512x32xf32, #tpu.memory_space<hbm>>
      %dma_wait3A_1280 = arith.constant 0 : i32
      %dma_wait3A_1281 = tpu.memref_slice %arg4[%mul3A_1196, %mul3A_2, %dma_wait3A_1280] : memref<50x16384x32xf32, #tpu.memory_space<hbm>> -> memref<1x512x32xf32, #tpu.memory_space<hbm>>
      %dma_wait3A_1282 = tpu.memref_squeeze %dma_wait3A_1281 : memref<1x512x32xf32, #tpu.memory_space<hbm>> -> memref<512x32xf32, #tpu.memory_space<hbm>>
      tpu.wait_dma2 semaphore(%arg11 : memref<!tpu.dma_semaphore, #tpu.memory_space<semaphore_mem>>) src(%arg6 : memref<512x32xf32, #tpu.memory_space<vmem>>) dst(%dma_wait3A_1282 : memref<512x32xf32, #tpu.memory_space<hbm>>)
      %add3A_1283 = arith.constant 2 : i32
      %add3A_1284 = arith.addi %mul3A_1196, %add3A_1283 : i32
      %dma_start3A_1285 = arith.constant 0 : i32
      %dma_start3A_1286 = arith.constant 0 : i32
      %dma_start3A_1287 = tpu.memref_slice %arg6[%dma_start3A_1285, %dma_start3A_1286] : memref<512x32xf32, #tpu.memory_space<vmem>> -> memref<128x32xf32, #tpu.memory_space<vmem>>
      %dma_start3A_1288 = arith.constant 0 : i32
      %dma_start3A_1289 = tpu.memref_slice %arg5[%add3A_1284, %dma_start3A_1288] : memref<50x512xi32, #tpu.memory_space<vmem>> -> memref<1x128xi32, #tpu.memory_space<vmem>>
      %dma_start3A_1290 = tpu.memref_squeeze %dma_start3A_1289 : memref<1x128xi32, #tpu.memory_space<vmem>> -> memref<128xi32, #tpu.memory_space<vmem>>
      %dma_start3A_1291 = arith.constant 0 : i32
      %dma_start3A_1292 = arith.constant 0 : i32
      %dma_start3A_1293 = tpu.memref_slice %arg3[%dma_start3A_1291, %dma_start3A_1292] : memref<1000000x32xf32, #tpu.memory_space<hbm>> -> memref<1000000x32xf32, #tpu.memory_space<hbm>>
      tpu.enqueue_indirect_dma source(%dma_start3A_1293 : memref<1000000x32xf32, #tpu.memory_space<hbm>>) target(%dma_start3A_1287 : memref<128x32xf32, #tpu.memory_space<vmem>>) offsets(%dma_start3A_1290 : memref<128xi32, #tpu.memory_space<vmem>>) semaphore(%arg9 : memref<!tpu.dma_semaphore, #tpu.memory_space<semaphore_mem>>)
      %dma_start3A_1294 = arith.constant 128 : i32
      %dma_start3A_1295 = arith.constant 0 : i32
      %dma_start3A_1296 = tpu.memref_slice %arg6[%dma_start3A_1294, %dma_start3A_1295] : memref<512x32xf32, #tpu.memory_space<vmem>> -> memref<128x32xf32, #tpu.memory_space<vmem>>
      %dma_start3A_1297 = arith.constant 128 : i32
      %dma_start3A_1298 = tpu.memref_slice %arg5[%add3A_1284, %dma_start3A_1297] : memref<50x512xi32, #tpu.memory_space<vmem>> -> memref<1x128xi32, #tpu.memory_space<vmem>>
      %dma_start3A_1299 = tpu.memref_squeeze %dma_start3A_1298 : memref<1x128xi32, #tpu.memory_space<vmem>> -> memref<128xi32, #tpu.memory_space<vmem>>
      %dma_start3A_1300 = arith.constant 0 : i32
      %dma_start3A_1301 = arith.constant 0 : i32
      %dma_start3A_1302 = tpu.memref_slice %arg3[%dma_start3A_1300, %dma_start3A_1301] : memref<1000000x32xf32, #tpu.memory_space<hbm>> -> memref<1000000x32xf32, #tpu.memory_space<hbm>>
      tpu.enqueue_indirect_dma source(%dma_start3A_1302 : memref<1000000x32xf32, #tpu.memory_space<hbm>>) target(%dma_start3A_1296 : memref<128x32xf32, #tpu.memory_space<vmem>>) offsets(%dma_start3A_1299 : memref<128xi32, #tpu.memory_space<vmem>>) semaphore(%arg9 : memref<!tpu.dma_semaphore, #tpu.memory_space<semaphore_mem>>)
      %dma_start3A_1303 = arith.constant 256 : i32
      %dma_start3A_1304 = arith.constant 0 : i32
      %dma_start3A_1305 = tpu.memref_slice %arg6[%dma_start3A_1303, %dma_start3A_1304] : memref<512x32xf32, #tpu.memory_space<vmem>> -> memref<128x32xf32, #tpu.memory_space<vmem>>
      %dma_start3A_1306 = arith.constant 256 : i32
      %dma_start3A_1307 = tpu.memref_slice %arg5[%add3A_1284, %dma_start3A_1306] : memref<50x512xi32, #tpu.memory_space<vmem>> -> memref<1x128xi32, #tpu.memory_space<vmem>>
      %dma_start3A_1308 = tpu.memref_squeeze %dma_start3A_1307 : memref<1x128xi32, #tpu.memory_space<vmem>> -> memref<128xi32, #tpu.memory_space<vmem>>
      %dma_start3A_1309 = arith.constant 0 : i32
      %dma_start3A_1310 = arith.constant 0 : i32
      %dma_start3A_1311 = tpu.memref_slice %arg3[%dma_start3A_1309, %dma_start3A_1310] : memref<1000000x32xf32, #tpu.memory_space<hbm>> -> memref<1000000x32xf32, #tpu.memory_space<hbm>>
      tpu.enqueue_indirect_dma source(%dma_start3A_1311 : memref<1000000x32xf32, #tpu.memory_space<hbm>>) target(%dma_start3A_1305 : memref<128x32xf32, #tpu.memory_space<vmem>>) offsets(%dma_start3A_1308 : memref<128xi32, #tpu.memory_space<vmem>>) semaphore(%arg9 : memref<!tpu.dma_semaphore, #tpu.memory_space<semaphore_mem>>)
      %dma_start3A_1312 = arith.constant 384 : i32
      %dma_start3A_1313 = arith.constant 0 : i32
      %dma_start3A_1314 = tpu.memref_slice %arg6[%dma_start3A_1312, %dma_start3A_1313] : memref<512x32xf32, #tpu.memory_space<vmem>> -> memref<128x32xf32, #tpu.memory_space<vmem>>
      %dma_start3A_1315 = arith.constant 384 : i32
      %dma_start3A_1316 = tpu.memref_slice %arg5[%add3A_1284, %dma_start3A_1315] : memref<50x512xi32, #tpu.memory_space<vmem>> -> memref<1x128xi32, #tpu.memory_space<vmem>>
      %dma_start3A_1317 = tpu.memref_squeeze %dma_start3A_1316 : memref<1x128xi32, #tpu.memory_space<vmem>> -> memref<128xi32, #tpu.memory_space<vmem>>
      %dma_start3A_1318 = arith.constant 0 : i32
      %dma_start3A_1319 = arith.constant 0 : i32
      %dma_start3A_1320 = tpu.memref_slice %arg3[%dma_start3A_1318, %dma_start3A_1319] : memref<1000000x32xf32, #tpu.memory_space<hbm>> -> memref<1000000x32xf32, #tpu.memory_space<hbm>>
      tpu.enqueue_indirect_dma source(%dma_start3A_1320 : memref<1000000x32xf32, #tpu.memory_space<hbm>>) target(%dma_start3A_1314 : memref<128x32xf32, #tpu.memory_space<vmem>>) offsets(%dma_start3A_1317 : memref<128xi32, #tpu.memory_space<vmem>>) semaphore(%arg9 : memref<!tpu.dma_semaphore, #tpu.memory_space<semaphore_mem>>)
      %add3A_1321 = arith.constant 1 : i32
      %add3A_1322 = arith.addi %mul3A_1196, %add3A_1321 : i32
      %dma_start3A_1323 = arith.constant 0 : i32
      %dma_start3A_1324 = tpu.memref_slice %arg4[%add3A_1322, %mul3A_2, %dma_start3A_1323] : memref<50x16384x32xf32, #tpu.memory_space<hbm>> -> memref<1x512x32xf32, #tpu.memory_space<hbm>>
      %dma_start3A_1325 = tpu.memref_squeeze %dma_start3A_1324 : memref<1x512x32xf32, #tpu.memory_space<hbm>> -> memref<512x32xf32, #tpu.memory_space<hbm>>
      %dma_start3A_1326 = arith.constant 0 : i32
      %dma_start3A_1327 = tpu.memref_slice %arg4[%add3A_1322, %mul3A_2, %dma_start3A_1326] : memref<50x16384x32xf32, #tpu.memory_space<hbm>> -> memref<1x512x32xf32, #tpu.memory_space<hbm>>
      %dma_start3A_1328 = tpu.memref_squeeze %dma_start3A_1327 : memref<1x512x32xf32, #tpu.memory_space<hbm>> -> memref<512x32xf32, #tpu.memory_space<hbm>>
      tpu.enqueue_dma source(%arg7 : memref<512x32xf32, #tpu.memory_space<vmem>>) target(%dma_start3A_1328 : memref<512x32xf32, #tpu.memory_space<hbm>>) target_semaphore(%arg12 : memref<!tpu.dma_semaphore, #tpu.memory_space<semaphore_mem>>)
      %add3A_1329 = arith.constant 1 : i32
      %add3A_1330 = arith.addi %mul3A_1196, %add3A_1329 : i32
      %dma_wait3A_1331 = arith.constant 0 : i32
      %dma_wait3A_1332 = tpu.memref_slice %arg4[%add3A_1330, %mul3A_2, %dma_wait3A_1331] : memref<50x16384x32xf32, #tpu.memory_space<hbm>> -> memref<1x512x32xf32, #tpu.memory_space<hbm>>
      %dma_wait3A_1333 = tpu.memref_squeeze %dma_wait3A_1332 : memref<1x512x32xf32, #tpu.memory_space<hbm>> -> memref<512x32xf32, #tpu.memory_space<hbm>>
      %dma_wait3A_1334 = arith.constant 0 : i32
      %dma_wait3A_1335 = tpu.memref_slice %arg4[%add3A_1330, %mul3A_2, %dma_wait3A_1334] : memref<50x16384x32xf32, #tpu.memory_space<hbm>> -> memref<1x512x32xf32, #tpu.memory_space<hbm>>
      %dma_wait3A_1336 = tpu.memref_squeeze %dma_wait3A_1335 : memref<1x512x32xf32, #tpu.memory_space<hbm>> -> memref<512x32xf32, #tpu.memory_space<hbm>>
      tpu.wait_dma2 semaphore(%arg12 : memref<!tpu.dma_semaphore, #tpu.memory_space<semaphore_mem>>) src(%arg7 : memref<512x32xf32, #tpu.memory_space<vmem>>) dst(%dma_wait3A_1336 : memref<512x32xf32, #tpu.memory_space<hbm>>)
      %add3A_1337 = arith.constant 3 : i32
      %add3A_1338 = arith.addi %mul3A_1196, %add3A_1337 : i32
      %dma_start3A_1339 = arith.constant 0 : i32
      %dma_start3A_1340 = arith.constant 0 : i32
      %dma_start3A_1341 = tpu.memref_slice %arg7[%dma_start3A_1339, %dma_start3A_1340] : memref<512x32xf32, #tpu.memory_space<vmem>> -> memref<128x32xf32, #tpu.memory_space<vmem>>
      %dma_start3A_1342 = arith.constant 0 : i32
      %dma_start3A_1343 = tpu.memref_slice %arg5[%add3A_1338, %dma_start3A_1342] : memref<50x512xi32, #tpu.memory_space<vmem>> -> memref<1x128xi32, #tpu.memory_space<vmem>>
      %dma_start3A_1344 = tpu.memref_squeeze %dma_start3A_1343 : memref<1x128xi32, #tpu.memory_space<vmem>> -> memref<128xi32, #tpu.memory_space<vmem>>
      %dma_start3A_1345 = arith.constant 0 : i32
      %dma_start3A_1346 = arith.constant 0 : i32
      %dma_start3A_1347 = tpu.memref_slice %arg3[%dma_start3A_1345, %dma_start3A_1346] : memref<1000000x32xf32, #tpu.memory_space<hbm>> -> memref<1000000x32xf32, #tpu.memory_space<hbm>>
      tpu.enqueue_indirect_dma source(%dma_start3A_1347 : memref<1000000x32xf32, #tpu.memory_space<hbm>>) target(%dma_start3A_1341 : memref<128x32xf32, #tpu.memory_space<vmem>>) offsets(%dma_start3A_1344 : memref<128xi32, #tpu.memory_space<vmem>>) semaphore(%arg10 : memref<!tpu.dma_semaphore, #tpu.memory_space<semaphore_mem>>)
      %dma_start3A_1348 = arith.constant 128 : i32
      %dma_start3A_1349 = arith.constant 0 : i32
      %dma_start3A_1350 = tpu.memref_slice %arg7[%dma_start3A_1348, %dma_start3A_1349] : memref<512x32xf32, #tpu.memory_space<vmem>> -> memref<128x32xf32, #tpu.memory_space<vmem>>
      %dma_start3A_1351 = arith.constant 128 : i32
      %dma_start3A_1352 = tpu.memref_slice %arg5[%add3A_1338, %dma_start3A_1351] : memref<50x512xi32, #tpu.memory_space<vmem>> -> memref<1x128xi32, #tpu.memory_space<vmem>>
      %dma_start3A_1353 = tpu.memref_squeeze %dma_start3A_1352 : memref<1x128xi32, #tpu.memory_space<vmem>> -> memref<128xi32, #tpu.memory_space<vmem>>
      %dma_start3A_1354 = arith.constant 0 : i32
      %dma_start3A_1355 = arith.constant 0 : i32
      %dma_start3A_1356 = tpu.memref_slice %arg3[%dma_start3A_1354, %dma_start3A_1355] : memref<1000000x32xf32, #tpu.memory_space<hbm>> -> memref<1000000x32xf32, #tpu.memory_space<hbm>>
      tpu.enqueue_indirect_dma source(%dma_start3A_1356 : memref<1000000x32xf32, #tpu.memory_space<hbm>>) target(%dma_start3A_1350 : memref<128x32xf32, #tpu.memory_space<vmem>>) offsets(%dma_start3A_1353 : memref<128xi32, #tpu.memory_space<vmem>>) semaphore(%arg10 : memref<!tpu.dma_semaphore, #tpu.memory_space<semaphore_mem>>)
      %dma_start3A_1357 = arith.constant 256 : i32
      %dma_start3A_1358 = arith.constant 0 : i32
      %dma_start3A_1359 = tpu.memref_slice %arg7[%dma_start3A_1357, %dma_start3A_1358] : memref<512x32xf32, #tpu.memory_space<vmem>> -> memref<128x32xf32, #tpu.memory_space<vmem>>
      %dma_start3A_1360 = arith.constant 256 : i32
      %dma_start3A_1361 = tpu.memref_slice %arg5[%add3A_1338, %dma_start3A_1360] : memref<50x512xi32, #tpu.memory_space<vmem>> -> memref<1x128xi32, #tpu.memory_space<vmem>>
      %dma_start3A_1362 = tpu.memref_squeeze %dma_start3A_1361 : memref<1x128xi32, #tpu.memory_space<vmem>> -> memref<128xi32, #tpu.memory_space<vmem>>
      %dma_start3A_1363 = arith.constant 0 : i32
      %dma_start3A_1364 = arith.constant 0 : i32
      %dma_start3A_1365 = tpu.memref_slice %arg3[%dma_start3A_1363, %dma_start3A_1364] : memref<1000000x32xf32, #tpu.memory_space<hbm>> -> memref<1000000x32xf32, #tpu.memory_space<hbm>>
      tpu.enqueue_indirect_dma source(%dma_start3A_1365 : memref<1000000x32xf32, #tpu.memory_space<hbm>>) target(%dma_start3A_1359 : memref<128x32xf32, #tpu.memory_space<vmem>>) offsets(%dma_start3A_1362 : memref<128xi32, #tpu.memory_space<vmem>>) semaphore(%arg10 : memref<!tpu.dma_semaphore, #tpu.memory_space<semaphore_mem>>)
      %dma_start3A_1366 = arith.constant 384 : i32
      %dma_start3A_1367 = arith.constant 0 : i32
      %dma_start3A_1368 = tpu.memref_slice %arg7[%dma_start3A_1366, %dma_start3A_1367] : memref<512x32xf32, #tpu.memory_space<vmem>> -> memref<128x32xf32, #tpu.memory_space<vmem>>
      %dma_start3A_1369 = arith.constant 384 : i32
      %dma_start3A_1370 = tpu.memref_slice %arg5[%add3A_1338, %dma_start3A_1369] : memref<50x512xi32, #tpu.memory_space<vmem>> -> memref<1x128xi32, #tpu.memory_space<vmem>>
      %dma_start3A_1371 = tpu.memref_squeeze %dma_start3A_1370 : memref<1x128xi32, #tpu.memory_space<vmem>> -> memref<128xi32, #tpu.memory_space<vmem>>
      %dma_start3A_1372 = arith.constant 0 : i32
      %dma_start3A_1373 = arith.constant 0 : i32
      %dma_start3A_1374 = tpu.memref_slice %arg3[%dma_start3A_1372, %dma_start3A_1373] : memref<1000000x32xf32, #tpu.memory_space<hbm>> -> memref<1000000x32xf32, #tpu.memory_space<hbm>>
      tpu.enqueue_indirect_dma source(%dma_start3A_1374 : memref<1000000x32xf32, #tpu.memory_space<hbm>>) target(%dma_start3A_1368 : memref<128x32xf32, #tpu.memory_space<vmem>>) offsets(%dma_start3A_1371 : memref<128xi32, #tpu.memory_space<vmem>>) semaphore(%arg10 : memref<!tpu.dma_semaphore, #tpu.memory_space<semaphore_mem>>)
    }
    %scan3A_1085 = arith.constant 24 : i32
    %dma_wait3A_1086 = arith.constant 48 : i32
    %dma_wait3A_1087 = arith.constant 0 : i32
    %dma_wait3A_1088 = arith.constant 0 : i32
    %dma_wait3A_1089 = tpu.memref_slice %arg6[%dma_wait3A_1087, %dma_wait3A_1088] : memref<512x32xf32, #tpu.memory_space<vmem>> -> memref<128x32xf32, #tpu.memory_space<vmem>>
    %dma_wait3A_1090 = arith.constant 0 : i32
    %dma_wait3A_1091 = tpu.memref_slice %arg5[%dma_wait3A_1086, %dma_wait3A_1090] : memref<50x512xi32, #tpu.memory_space<vmem>> -> memref<1x128xi32, #tpu.memory_space<vmem>>
    %dma_wait3A_1092 = tpu.memref_squeeze %dma_wait3A_1091 : memref<1x128xi32, #tpu.memory_space<vmem>> -> memref<128xi32, #tpu.memory_space<vmem>>
    %dma_wait3A_1093 = arith.constant 0 : i32
    %dma_wait3A_1094 = arith.constant 0 : i32
    %dma_wait3A_1095 = tpu.memref_slice %arg3[%dma_wait3A_1093, %dma_wait3A_1094] : memref<1000000x32xf32, #tpu.memory_space<hbm>> -> memref<1000000x32xf32, #tpu.memory_space<hbm>>
    tpu.wait_indirect_dma semaphore(%arg9 : memref<!tpu.dma_semaphore, #tpu.memory_space<semaphore_mem>>) src(%dma_wait3A_1095 : memref<1000000x32xf32, #tpu.memory_space<hbm>>) dst(%dma_wait3A_1089 : memref<128x32xf32, #tpu.memory_space<vmem>>)
    %dma_wait3A_1096 = arith.constant 48 : i32
    %dma_wait3A_1097 = arith.constant 128 : i32
    %dma_wait3A_1098 = arith.constant 0 : i32
    %dma_wait3A_1099 = tpu.memref_slice %arg6[%dma_wait3A_1097, %dma_wait3A_1098] : memref<512x32xf32, #tpu.memory_space<vmem>> -> memref<128x32xf32, #tpu.memory_space<vmem>>
    %dma_wait3A_1100 = arith.constant 128 : i32
    %dma_wait3A_1101 = tpu.memref_slice %arg5[%dma_wait3A_1096, %dma_wait3A_1100] : memref<50x512xi32, #tpu.memory_space<vmem>> -> memref<1x128xi32, #tpu.memory_space<vmem>>
    %dma_wait3A_1102 = tpu.memref_squeeze %dma_wait3A_1101 : memref<1x128xi32, #tpu.memory_space<vmem>> -> memref<128xi32, #tpu.memory_space<vmem>>
    %dma_wait3A_1103 = arith.constant 0 : i32
    %dma_wait3A_1104 = arith.constant 0 : i32
    %dma_wait3A_1105 = tpu.memref_slice %arg3[%dma_wait3A_1103, %dma_wait3A_1104] : memref<1000000x32xf32, #tpu.memory_space<hbm>> -> memref<1000000x32xf32, #tpu.memory_space<hbm>>
    tpu.wait_indirect_dma semaphore(%arg9 : memref<!tpu.dma_semaphore, #tpu.memory_space<semaphore_mem>>) src(%dma_wait3A_1105 : memref<1000000x32xf32, #tpu.memory_space<hbm>>) dst(%dma_wait3A_1099 : memref<128x32xf32, #tpu.memory_space<vmem>>)
    %dma_wait3A_1106 = arith.constant 48 : i32
    %dma_wait3A_1107 = arith.constant 256 : i32
    %dma_wait3A_1108 = arith.constant 0 : i32
    %dma_wait3A_1109 = tpu.memref_slice %arg6[%dma_wait3A_1107, %dma_wait3A_1108] : memref<512x32xf32, #tpu.memory_space<vmem>> -> memref<128x32xf32, #tpu.memory_space<vmem>>
    %dma_wait3A_1110 = arith.constant 256 : i32
    %dma_wait3A_1111 = tpu.memref_slice %arg5[%dma_wait3A_1106, %dma_wait3A_1110] : memref<50x512xi32, #tpu.memory_space<vmem>> -> memref<1x128xi32, #tpu.memory_space<vmem>>
    %dma_wait3A_1112 = tpu.memref_squeeze %dma_wait3A_1111 : memref<1x128xi32, #tpu.memory_space<vmem>> -> memref<128xi32, #tpu.memory_space<vmem>>
    %dma_wait3A_1113 = arith.constant 0 : i32
    %dma_wait3A_1114 = arith.constant 0 : i32
    %dma_wait3A_1115 = tpu.memref_slice %arg3[%dma_wait3A_1113, %dma_wait3A_1114] : memref<1000000x32xf32, #tpu.memory_space<hbm>> -> memref<1000000x32xf32, #tpu.memory_space<hbm>>
    tpu.wait_indirect_dma semaphore(%arg9 : memref<!tpu.dma_semaphore, #tpu.memory_space<semaphore_mem>>) src(%dma_wait3A_1115 : memref<1000000x32xf32, #tpu.memory_space<hbm>>) dst(%dma_wait3A_1109 : memref<128x32xf32, #tpu.memory_space<vmem>>)
    %dma_wait3A_1116 = arith.constant 48 : i32
    %dma_wait3A_1117 = arith.constant 384 : i32
    %dma_wait3A_1118 = arith.constant 0 : i32
    %dma_wait3A_1119 = tpu.memref_slice %arg6[%dma_wait3A_1117, %dma_wait3A_1118] : memref<512x32xf32, #tpu.memory_space<vmem>> -> memref<128x32xf32, #tpu.memory_space<vmem>>
    %dma_wait3A_1120 = arith.constant 384 : i32
    %dma_wait3A_1121 = tpu.memref_slice %arg5[%dma_wait3A_1116, %dma_wait3A_1120] : memref<50x512xi32, #tpu.memory_space<vmem>> -> memref<1x128xi32, #tpu.memory_space<vmem>>
    %dma_wait3A_1122 = tpu.memref_squeeze %dma_wait3A_1121 : memref<1x128xi32, #tpu.memory_space<vmem>> -> memref<128xi32, #tpu.memory_space<vmem>>
    %dma_wait3A_1123 = arith.constant 0 : i32
    %dma_wait3A_1124 = arith.constant 0 : i32
    %dma_wait3A_1125 = tpu.memref_slice %arg3[%dma_wait3A_1123, %dma_wait3A_1124] : memref<1000000x32xf32, #tpu.memory_space<hbm>> -> memref<1000000x32xf32, #tpu.memory_space<hbm>>
    tpu.wait_indirect_dma semaphore(%arg9 : memref<!tpu.dma_semaphore, #tpu.memory_space<semaphore_mem>>) src(%dma_wait3A_1125 : memref<1000000x32xf32, #tpu.memory_space<hbm>>) dst(%dma_wait3A_1119 : memref<128x32xf32, #tpu.memory_space<vmem>>)
    %dma_start3A_1126 = arith.constant 48 : i32
    %dma_start3A_1127 = arith.constant 0 : i32
    %dma_start3A_1128 = tpu.memref_slice %arg4[%dma_start3A_1126, %mul3A_2, %dma_start3A_1127] : memref<50x16384x32xf32, #tpu.memory_space<hbm>> -> memref<1x512x32xf32, #tpu.memory_space<hbm>>
    %dma_start3A_1129 = tpu.memref_squeeze %dma_start3A_1128 : memref<1x512x32xf32, #tpu.memory_space<hbm>> -> memref<512x32xf32, #tpu.memory_space<hbm>>
    %dma_start3A_1130 = arith.constant 0 : i32
    %dma_start3A_1131 = tpu.memref_slice %arg4[%dma_start3A_1126, %mul3A_2, %dma_start3A_1130] : memref<50x16384x32xf32, #tpu.memory_space<hbm>> -> memref<1x512x32xf32, #tpu.memory_space<hbm>>
    %dma_start3A_1132 = tpu.memref_squeeze %dma_start3A_1131 : memref<1x512x32xf32, #tpu.memory_space<hbm>> -> memref<512x32xf32, #tpu.memory_space<hbm>>
    tpu.enqueue_dma source(%arg6 : memref<512x32xf32, #tpu.memory_space<vmem>>) target(%dma_start3A_1132 : memref<512x32xf32, #tpu.memory_space<hbm>>) target_semaphore(%arg11 : memref<!tpu.dma_semaphore, #tpu.memory_space<semaphore_mem>>)
    %dma_wait3A_1133 = arith.constant 49 : i32
    %dma_wait3A_1134 = arith.constant 0 : i32
    %dma_wait3A_1135 = arith.constant 0 : i32
    %dma_wait3A_1136 = tpu.memref_slice %arg7[%dma_wait3A_1134, %dma_wait3A_1135] : memref<512x32xf32, #tpu.memory_space<vmem>> -> memref<128x32xf32, #tpu.memory_space<vmem>>
    %dma_wait3A_1137 = arith.constant 0 : i32
    %dma_wait3A_1138 = tpu.memref_slice %arg5[%dma_wait3A_1133, %dma_wait3A_1137] : memref<50x512xi32, #tpu.memory_space<vmem>> -> memref<1x128xi32, #tpu.memory_space<vmem>>
    %dma_wait3A_1139 = tpu.memref_squeeze %dma_wait3A_1138 : memref<1x128xi32, #tpu.memory_space<vmem>> -> memref<128xi32, #tpu.memory_space<vmem>>
    %dma_wait3A_1140 = arith.constant 0 : i32
    %dma_wait3A_1141 = arith.constant 0 : i32
    %dma_wait3A_1142 = tpu.memref_slice %arg3[%dma_wait3A_1140, %dma_wait3A_1141] : memref<1000000x32xf32, #tpu.memory_space<hbm>> -> memref<1000000x32xf32, #tpu.memory_space<hbm>>
    tpu.wait_indirect_dma semaphore(%arg10 : memref<!tpu.dma_semaphore, #tpu.memory_space<semaphore_mem>>) src(%dma_wait3A_1142 : memref<1000000x32xf32, #tpu.memory_space<hbm>>) dst(%dma_wait3A_1136 : memref<128x32xf32, #tpu.memory_space<vmem>>)
    %dma_wait3A_1143 = arith.constant 49 : i32
    %dma_wait3A_1144 = arith.constant 128 : i32
    %dma_wait3A_1145 = arith.constant 0 : i32
    %dma_wait3A_1146 = tpu.memref_slice %arg7[%dma_wait3A_1144, %dma_wait3A_1145] : memref<512x32xf32, #tpu.memory_space<vmem>> -> memref<128x32xf32, #tpu.memory_space<vmem>>
    %dma_wait3A_1147 = arith.constant 128 : i32
    %dma_wait3A_1148 = tpu.memref_slice %arg5[%dma_wait3A_1143, %dma_wait3A_1147] : memref<50x512xi32, #tpu.memory_space<vmem>> -> memref<1x128xi32, #tpu.memory_space<vmem>>
    %dma_wait3A_1149 = tpu.memref_squeeze %dma_wait3A_1148 : memref<1x128xi32, #tpu.memory_space<vmem>> -> memref<128xi32, #tpu.memory_space<vmem>>
    %dma_wait3A_1150 = arith.constant 0 : i32
    %dma_wait3A_1151 = arith.constant 0 : i32
    %dma_wait3A_1152 = tpu.memref_slice %arg3[%dma_wait3A_1150, %dma_wait3A_1151] : memref<1000000x32xf32, #tpu.memory_space<hbm>> -> memref<1000000x32xf32, #tpu.memory_space<hbm>>
    tpu.wait_indirect_dma semaphore(%arg10 : memref<!tpu.dma_semaphore, #tpu.memory_space<semaphore_mem>>) src(%dma_wait3A_1152 : memref<1000000x32xf32, #tpu.memory_space<hbm>>) dst(%dma_wait3A_1146 : memref<128x32xf32, #tpu.memory_space<vmem>>)
    %dma_wait3A_1153 = arith.constant 49 : i32
    %dma_wait3A_1154 = arith.constant 256 : i32
    %dma_wait3A_1155 = arith.constant 0 : i32
    %dma_wait3A_1156 = tpu.memref_slice %arg7[%dma_wait3A_1154, %dma_wait3A_1155] : memref<512x32xf32, #tpu.memory_space<vmem>> -> memref<128x32xf32, #tpu.memory_space<vmem>>
    %dma_wait3A_1157 = arith.constant 256 : i32
    %dma_wait3A_1158 = tpu.memref_slice %arg5[%dma_wait3A_1153, %dma_wait3A_1157] : memref<50x512xi32, #tpu.memory_space<vmem>> -> memref<1x128xi32, #tpu.memory_space<vmem>>
    %dma_wait3A_1159 = tpu.memref_squeeze %dma_wait3A_1158 : memref<1x128xi32, #tpu.memory_space<vmem>> -> memref<128xi32, #tpu.memory_space<vmem>>
    %dma_wait3A_1160 = arith.constant 0 : i32
    %dma_wait3A_1161 = arith.constant 0 : i32
    %dma_wait3A_1162 = tpu.memref_slice %arg3[%dma_wait3A_1160, %dma_wait3A_1161] : memref<1000000x32xf32, #tpu.memory_space<hbm>> -> memref<1000000x32xf32, #tpu.memory_space<hbm>>
    tpu.wait_indirect_dma semaphore(%arg10 : memref<!tpu.dma_semaphore, #tpu.memory_space<semaphore_mem>>) src(%dma_wait3A_1162 : memref<1000000x32xf32, #tpu.memory_space<hbm>>) dst(%dma_wait3A_1156 : memref<128x32xf32, #tpu.memory_space<vmem>>)
    %dma_wait3A_1163 = arith.constant 49 : i32
    %dma_wait3A_1164 = arith.constant 384 : i32
    %dma_wait3A_1165 = arith.constant 0 : i32
    %dma_wait3A_1166 = tpu.memref_slice %arg7[%dma_wait3A_1164, %dma_wait3A_1165] : memref<512x32xf32, #tpu.memory_space<vmem>> -> memref<128x32xf32, #tpu.memory_space<vmem>>
    %dma_wait3A_1167 = arith.constant 384 : i32
    %dma_wait3A_1168 = tpu.memref_slice %arg5[%dma_wait3A_1163, %dma_wait3A_1167] : memref<50x512xi32, #tpu.memory_space<vmem>> -> memref<1x128xi32, #tpu.memory_space<vmem>>
    %dma_wait3A_1169 = tpu.memref_squeeze %dma_wait3A_1168 : memref<1x128xi32, #tpu.memory_space<vmem>> -> memref<128xi32, #tpu.memory_space<vmem>>
    %dma_wait3A_1170 = arith.constant 0 : i32
    %dma_wait3A_1171 = arith.constant 0 : i32
    %dma_wait3A_1172 = tpu.memref_slice %arg3[%dma_wait3A_1170, %dma_wait3A_1171] : memref<1000000x32xf32, #tpu.memory_space<hbm>> -> memref<1000000x32xf32, #tpu.memory_space<hbm>>
    tpu.wait_indirect_dma semaphore(%arg10 : memref<!tpu.dma_semaphore, #tpu.memory_space<semaphore_mem>>) src(%dma_wait3A_1172 : memref<1000000x32xf32, #tpu.memory_space<hbm>>) dst(%dma_wait3A_1166 : memref<128x32xf32, #tpu.memory_space<vmem>>)
    %dma_start3A_1173 = arith.constant 49 : i32
    %dma_start3A_1174 = arith.constant 0 : i32
    %dma_start3A_1175 = tpu.memref_slice %arg4[%dma_start3A_1173, %mul3A_2, %dma_start3A_1174] : memref<50x16384x32xf32, #tpu.memory_space<hbm>> -> memref<1x512x32xf32, #tpu.memory_space<hbm>>
    %dma_start3A_1176 = tpu.memref_squeeze %dma_start3A_1175 : memref<1x512x32xf32, #tpu.memory_space<hbm>> -> memref<512x32xf32, #tpu.memory_space<hbm>>
    %dma_start3A_1177 = arith.constant 0 : i32
    %dma_start3A_1178 = tpu.memref_slice %arg4[%dma_start3A_1173, %mul3A_2, %dma_start3A_1177] : memref<50x16384x32xf32, #tpu.memory_space<hbm>> -> memref<1x512x32xf32, #tpu.memory_space<hbm>>
    %dma_start3A_1179 = tpu.memref_squeeze %dma_start3A_1178 : memref<1x512x32xf32, #tpu.memory_space<hbm>> -> memref<512x32xf32, #tpu.memory_space<hbm>>
    tpu.enqueue_dma source(%arg7 : memref<512x32xf32, #tpu.memory_space<vmem>>) target(%dma_start3A_1179 : memref<512x32xf32, #tpu.memory_space<hbm>>) target_semaphore(%arg12 : memref<!tpu.dma_semaphore, #tpu.memory_space<semaphore_mem>>)
    %dma_wait3A_1180 = arith.constant 48 : i32
    %dma_wait3A_1181 = arith.constant 0 : i32
    %dma_wait3A_1182 = tpu.memref_slice %arg4[%dma_wait3A_1180, %mul3A_2, %dma_wait3A_1181] : memref<50x16384x32xf32, #tpu.memory_space<hbm>> -> memref<1x512x32xf32, #tpu.memory_space<hbm>>
    %dma_wait3A_1183 = tpu.memref_squeeze %dma_wait3A_1182 : memref<1x512x32xf32, #tpu.memory_space<hbm>> -> memref<512x32xf32, #tpu.memory_space<hbm>>
    %dma_wait3A_1184 = arith.constant 0 : i32
    %dma_wait3A_1185 = tpu.memref_slice %arg4[%dma_wait3A_1180, %mul3A_2, %dma_wait3A_1184] : memref<50x16384x32xf32, #tpu.memory_space<hbm>> -> memref<1x512x32xf32, #tpu.memory_space<hbm>>
    %dma_wait3A_1186 = tpu.memref_squeeze %dma_wait3A_1185 : memref<1x512x32xf32, #tpu.memory_space<hbm>> -> memref<512x32xf32, #tpu.memory_space<hbm>>
    tpu.wait_dma2 semaphore(%arg11 : memref<!tpu.dma_semaphore, #tpu.memory_space<semaphore_mem>>) src(%arg6 : memref<512x32xf32, #tpu.memory_space<vmem>>) dst(%dma_wait3A_1186 : memref<512x32xf32, #tpu.memory_space<hbm>>)
    %dma_wait3A_1187 = arith.constant 49 : i32
    %dma_wait3A_1188 = arith.constant 0 : i32
    %dma_wait3A_1189 = tpu.memref_slice %arg4[%dma_wait3A_1187, %mul3A_2, %dma_wait3A_1188] : memref<50x16384x32xf32, #tpu.memory_space<hbm>> -> memref<1x512x32xf32, #tpu.memory_space<hbm>>
    %dma_wait3A_1190 = tpu.memref_squeeze %dma_wait3A_1189 : memref<1x512x32xf32, #tpu.memory_space<hbm>> -> memref<512x32xf32, #tpu.memory_space<hbm>>
    %dma_wait3A_1191 = arith.constant 0 : i32
    %dma_wait3A_1192 = tpu.memref_slice %arg4[%dma_wait3A_1187, %mul3A_2, %dma_wait3A_1191] : memref<50x16384x32xf32, #tpu.memory_space<hbm>> -> memref<1x512x32xf32, #tpu.memory_space<hbm>>
    %dma_wait3A_1193 = tpu.memref_squeeze %dma_wait3A_1192 : memref<1x512x32xf32, #tpu.memory_space<hbm>> -> memref<512x32xf32, #tpu.memory_space<hbm>>
    tpu.wait_dma2 semaphore(%arg12 : memref<!tpu.dma_semaphore, #tpu.memory_space<semaphore_mem>>) src(%arg7 : memref<512x32xf32, #tpu.memory_space<vmem>>) dst(%dma_wait3A_1193 : memref<512x32xf32, #tpu.memory_space<hbm>>)
    return
  }
}

</mosaic_0001>

<sc_bundles>
// kernel: kernel.3.cloned.1.call-start
scs
__scs_entry_jumppad:
0x0: {  	(pc) =	sbr.rel $0x88, $3  }
0x1: {  	(tag) =	ssettag $0x0;
	lr =	simm.s32 $0x1  }
0x2: {  	[smem:$0x3F9F] =	sst lr;
	_ =	strace $0xD0000000  }
0x3: {  	_ = 	snop  }
0x4: {  	_ = 	snop  }
0x5: {  	_ = 	snop  }
0x6: {  	_ = 	snop  }
0x7: {  	_ = 	snop  }
__scs_overlays_trampoline_lowered:
0x8: {  	[smem:$0x3FAE] =	sst s0  }
0x9: {  	[smem:$0x3FAF] =	sst s1  }
0xa: {  	[smem:$0x3FB0] =	sst s2  }
0xb: {  	[smem:$0x3FB1] =	sst s3  }
0xc: {  	[smem:$0x3FB2] =	sst s4  }
0xd: {  	[smem:$0x3FB3] =	sst s5  }
0xe: {  	[smem:$0x3FB4] =	sst s6  }
0xf: {  	[smem:$0x3FB5] =	sst s7  }
0x10: {  	[smem:$0x3FB6] =	sst s8  }
0x11: {  	[smem:$0x3FB7] =	sst s9;
	s0 =	simm.s32 @!p0 $0x0  }
0x12: {  	s1 =	sld [smem:$0x3F9D];
	s0 =	simm.s32 @p0 $0x1  }
0x13: {  	[smem:$0x3FB8] =	sst s0;
	s0 =	simm.s32 @!p1 $0x0  }
0x14: {  	s2 =	sld [smem:$0x3F9C];
	s0 =	simm.s32 @p1 $0x1  }
0x15: {  	[smem:$0x3FB9] =	sst s0;
	s0 =	simm.s32 @!p2 $0x0  }
0x16: {  	s3 =	sld [smem:$0x3FDB];
	s0 =	simm.s32 @p2 $0x1  }
0x17: {  	s4 =	simm.s32 $0x1BF5;
	[smem:$0x3FBB] =	sst s0  }
0x18: {  	s0 =	sld [smem:$0x3F9E];
	_ =	swait.ge [sflag:s4], $0x0  }
0x19: {  	s7 =	sld [smem:$0x3F9F]  }
0x1a: {  	s8 =	sadd.s32 $0xFFFFE003, lr  }
0x1b: {  	s9 =	sadd.s32 $0xFFFFFEF7, lr;
	s5 =	simm.s32 $0xFFFFFFFF;
	p2 =	slt.u32 s8, $0xFFFFF086  }
0x1c: {  	p1 =	slt.u32 s9, $0xF7A;
	s5 =	simm.s32 @!p2 $0x0  }
0x1d: {  	s5 =	simm.s32 @p1 $0x1;
	p0 =	seq.s32 s7, s2  }
0x1e: {  	s7 =	smul.u32 @!p0 $0xF7A, s2;
	p2 =	seq.s32 @!p0 s5, $0x0  }
0x1f: {  	s9 =	smul.u32 $0xF7A, s1;
	s8 =	simm.s32 @!p0 $0x1BF5;
	p2 =	por !p2, p0  }
0x20: {  	[sflag:s8] =	ssyncset.s32 @!p0 $0xFFFFF086;
	s6 =	sadd.s32 @!p0 s3, s7;
	s7 =	simm.s32 @!p0 $0x108  }
0x21: {  	s3 =	sadd.s32 s3, s9;
	s6 =	sadd.s32 @!p0 $0x88, s6;
	s7 =	simm.s32 @p2 $0x1082  }
0x22: {  	[simem:s7], [sflag:s8] =	dma.local @!p0 [hbm:s6], $0xF7A  }
0x23: {  	s9 =	sor.u32 $0xD0000000, s2;
	s6 =	simm.s32 $0x108;
	_ =	swait.ge @!p0 [sflag:s8], $0x0  }
0x24: {  	s3 =	sadd.s32 $0x88, s3;
	s6 =	simm.s32 @!p1 $0x1082;
	[sflag:s4] =	ssyncset.s32 $0xFFFFF086  }
0x25: {  	[simem:s6], [sflag:s4] =	dma.local [hbm:s3], $0xF7A  }
0x26: {  	[smem:$0x3F9F] =	sst s1;
	(tag) =	ssettag s2;
	_ =	strace s9  }
0x27: {  	s1 =	sld [smem:$0x3FAF]  }
0x28: {  	s2 =	sld [smem:$0x3FB0]  }
0x29: {  	s4 =	sld [smem:$0x3FB2]  }
0x2a: {  	p0 =	seq.s32 s5, $0x0;
	s5 =	sld [smem:$0x3FB3]  }
0x2b: {  	s6 =	sld [smem:$0x3FB4]  }
0x2c: {  	s7 =	sld [smem:$0x3FB5]  }
0x2d: {  	s3 =	simm.s32 $0x108;
	s8 =	sld [smem:$0x3FB6]  }
0x2e: {  	s3 =	simm.s32 @!p0 $0x1082;
	s9 =	sld [smem:$0x3FB7]  }
0x2f: {  	lr =	sadd.s32 s0, s3;
	s0 =	sld [smem:$0x3FAE]  }
0x30: {  	s3 =	sld [smem:$0x3FB1]  }
0x31: {  	[smem:$0x3FBA] =	sst s10  }
0x32: {  	s10 =	sld [smem:$0x3FB8];
	_ =	sdelay $0x3  }
0x33: {  	p0 =	seq.s32 s10, $0x1;
	s10 =	sld [smem:$0x3FBA];
	_ =	sdelay $0x3  }
0x34: {  	[smem:$0x3FBA] =	sst s10  }
0x35: {  	s10 =	sld [smem:$0x3FB9];
	_ =	sdelay $0x3  }
0x36: {  	p1 =	seq.s32 s10, $0x1;
	s10 =	sld [smem:$0x3FBA];
	_ =	sdelay $0x3  }
0x37: {  	[smem:$0x3FBA] =	sst s10  }
0x38: {  	s10 =	sld [smem:$0x3FBB]  }
0x39: {  	_ = 	snop;
	(pc) =	sbr.ind lr, $3  }
0x3a: {  	_ = 	snop  }
0x3b: {  	_ = 	snop  }
0x3c: {  	p2 =	seq.s32 s10, $0x1;
	s10 =	sld [smem:$0x3FBA]  }
0x3d: {  	_ =	shalt  }
0x3e: {  	_ =	shalt  }
0x3f: {  	_ =	shalt  }
0x40: {  	_ =	shalt  }
0x41: {  	_ =	shalt  }
0x42: {  	_ =	shalt  }
0x43: {  	_ =	shalt  }
0x44: {  	_ =	shalt  }
0x45: {  	_ =	shalt  }
0x46: {  	_ =	shalt  }
0x47: {  	_ =	shalt  }
0x48: {  	_ =	shalt  }
0x49: {  	_ =	shalt  }
0x4a: {  	_ =	shalt  }
0x4b: {  	_ =	shalt  }
0x4c: {  	_ =	shalt  }
0x4d: {  	_ =	shalt  }
0x4e: {  	_ =	shalt  }
0x4f: {  	_ =	shalt  }
0x50: {  	_ =	shalt  }
0x51: {  	_ =	shalt  }
0x52: {  	_ =	shalt  }
0x53: {  	_ =	shalt  }
0x54: {  	_ =	shalt  }
0x55: {  	_ =	shalt  }
0x56: {  	_ =	shalt  }
0x57: {  	_ =	shalt  }
0x58: {  	_ =	shalt  }
0x59: {  	_ =	shalt  }
0x5a: {  	_ =	shalt  }
0x5b: {  	_ =	shalt  }
0x5c: {  	_ =	shalt  }
0x5d: {  	_ =	shalt  }
0x5e: {  	_ =	shalt  }
0x5f: {  	_ =	shalt  }
0x60: {  	_ =	shalt  }
0x61: {  	_ =	shalt  }
0x62: {  	_ =	shalt  }
0x63: {  	_ =	shalt  }
0x64: {  	_ =	shalt  }
0x65: {  	_ =	shalt  }
0x66: {  	_ =	shalt  }
0x67: {  	_ =	shalt  }
0x68: {  	_ =	shalt  }
0x69: {  	_ =	shalt  }
0x6a: {  	_ =	shalt  }
0x6b: {  	_ =	shalt  }
0x6c: {  	_ =	shalt  }
0x6d: {  	_ =	shalt  }
0x6e: {  	_ =	shalt  }
0x6f: {  	_ =	shalt  }
0x70: {  	_ =	shalt  }
0x71: {  	_ =	shalt  }
0x72: {  	_ =	shalt  }
0x73: {  	_ =	shalt  }
0x74: {  	_ =	shalt  }
0x75: {  	_ =	shalt  }
0x76: {  	_ =	shalt  }
0x77: {  	_ =	shalt  }
0x78: {  	_ =	shalt  }
0x79: {  	_ =	shalt  }
0x7a: {  	_ =	shalt  }
0x7b: {  	_ =	shalt  }
0x7c: {  	_ =	shalt  }
0x7d: {  	_ =	shalt  }
0x7e: {  	_ =	shalt  }
0x7f: {  	_ =	shalt  }
0x80: {  	_ =	shalt  }
0x81: {  	_ =	shalt  }
0x82: {  	_ =	shalt  }
0x83: {  	_ =	shalt  }
0x84: {  	_ =	shalt  }
0x85: {  	_ =	shalt  }
0x86: {  	_ =	shalt  }
0x87: {  	_ =	shalt  }
.Lfunc_end0:
.L_simem_size_0:
called_computation.1_lowered:
.L_overlay_start_0:
0x88: {  	s2 =	sld [smem:$0x3FD9]  }
0x89: {  	s3 =	sld [smem:$0x3FFE];
	_ =	sdelay $0x1  }
0x8a: {  	s1 =	srdreg.scid  }
0x8b: {  	s0 =	sand.u32 $0x1, s1  }
0x8c: {  	s17 =	sshll.u32 s0, $0xA;
	s2 =	sadd.s32 s3, s2  }
0x8d: {  	s2 =	sadd.s32 s2, s17  }
0x8e: {  	[smem:$0x3FC6] =	sst s2  }
0x8f: {  	_ = 	snop  }
0x90: {  	s2 =	sld [smem:$0x3FD0];
	(tm) =	ssettm $0x1  }
0x91: {  	s18 =	sld [smem:$0x3FFB];
	_ =	sdelay $0x3  }
0x92: {  	_ =	strace s18  }
0x93: {  	s3 =	sld [smem:$0x3FFC];
	_ =	sdelay $0x3  }
0x94: {  	_ =	strace s3  }
0x95: {  	s3 =	sld [smem:$0x3FFD];
	_ =	sdelay $0x3  }
0x96: {  	_ =	strace s3  }
0x97: {  	_ =	strace $0x8FFFFFFF  }
0x98: {  	s19 =	sld [smem:$0x3FDB];
	_ =	sdelay $0x1  }
0x99: {  	s4 =	simm.s32 $_scs_section_size  }
0x9a: {  	s5 =	simm.s32 $_size__tile_overlayer_lowered;
	s6 =	simm.s32 $_tile_overlayer_lowered  }
0x9b: {  	s22 =	simm.s32 $0x1BFF;
	s21 =	sshll.u32 s6, $0x1;
	s3 =	sadd.s32 s4, s19  }
0x9c: {  	s7 =	simm.s32 $0x0;
	s20 =	sshll.u32 s5, $0x1;
	s5 =	sadd.s32 s21, s3  }
0x9d: {  	[timem:s7], [sflag:s22] =	dma.local [hbm:s5], s20  }
0x9e: {  	_ =	swait.ge [sflag:s22], s20  }
0x9f: {  	s4 =	ssub.s32 $0x0, s20;
	[sflag:s22] =	ssyncset.done $0x0  }
0xa0: {  	[sflag:s22] =	ssyncadd.s32 s4;
	_ =	sdelay $0x1  }
0xa1: {  	s23 =	simm.s32 $0x1B8B  }
0xa2: {  	_ =	swait.ge [sflag:s23], $0x1  }
0xa3: {  	[sflag:s23] =	ssyncset.done $0x0  }
0xa4: {  	s25 =	simm.s32 $0x1B8E;
	s24 =	sld [smem:$0x3FFE];
	[sflag:s23] =	ssyncadd.s32 $0xFFFFFFFF  }
0xa5: {  	s26 =	simm.s32 $execute0_lowered;
	[smem:$0x3FD2] =	sst s25  }
0xa6: {  	s5 =	sshll.u32 s26, $0x1;
	_ =	strace $0x80000046;
	[dreg:$0x1] =	wrdreg $0xFFFFFFFF  }
0xa7: {  	s28 =	simm.s32 $_size_execute0_lowered;
	s3 =	sadd.s32 s3, s5;
	[dreg:$0x0] =	wrdreg $0x0  }
0xa8: {  	s5 =	sshll.u32 s28, $0x1;
	[dreg:$0x2] =	wrdreg s3  }
0xa9: {  	[dreg:$0x3] =	wrdreg s5  }
0xaa: {  	[dreg:$0x4] =	wrdreg $0xC0  }
0xab: {  	_ =	task [dreg:s7], $0x5FFFF  }
0xac: {  	[dreg:$0x1] =	wrdreg $0xFFFFFFFF  }
0xad: {  	[dreg:$0x0] =	wrdreg $0x60  }
0xae: {  	[dreg:$0x2] =	wrdreg s24  }
0xaf: {  	[dreg:$0x3] =	wrdreg s2  }
0xb0: {  	[dreg:$0x4] =	wrdreg $0x9  }
0xb1: {  	_ =	task.clear_ibuf [dreg:s7], $0x5FFFF;
	_ =	strace $0x90000046  }
0xb2: {  	s29 =	simm.s32 $0x9;
	_ =	strace $0x80000048  }
0xb3: {  	_ =	swait.ge [sflag:s29], $0x1  }
0xb4: {  	[sflag:s29] =	ssyncadd.s32 $0xFFFFFFFF  }
0xb5: {  	_ =	strace $0x90000048  }
0xb6: {  	_ =	sfence  }
0xb7: {  	s30 =	sld [smem:$0x0];
	_ =	sdelay $0x2  }
0xb8: {  	s31 =	sshll.u32 s1, $0xD;
	s1 =	sshrl.u32 s1, $0x2  }
0xb9: {  	s3 =	sand.u32 $0x4000, s31;
	s1 =	sadd.s32 s1, s30  }
0xba: {  	s0 =	sor.u32 s3, s0;
	s1 =	sshll.u32 s1, $0x11  }
0xbb: {  	s0 =	sor.u32 s1, s0  }
0xbc: {  	s0 =	sadd.s32 $0x8F2B, s0  }
0xbd: {  	[sflag:s0] =	ssyncadd.remote.s32 $0x1  }
0xbe: {  	_ =	sfence.sel $0xFFFF  }
0xbf: {  	[dreg:$0x0] =	wrdreg $0xFFFFFFFF;
	(pc) =	sbr.abs _section_cstart, $3  }
0xc0: {  	[dreg:$0x1] =	wrdreg $0xFFFFFFFF  }
0xc1: {  	_ =	task.clear_ibuf [dreg:s7], $0x2FFFF;
	_ =	strace $0x9FFFFFFF  }
0xc2: {  	(tm) =	ssettm $0x7FFFFFFF  }
0xc3: {  	_ =	shalt  }
tec
execute0_lowered:
.L_overlay_start_1:
0x0: {  	(tag) =	ssettag $0x1  }
0x1: {  	s2 =	srdreg.scid  }
0x2: {  	s8 =	stileid.u32;
	s4 =	sand.u32 $0x1, s2  }
0x3: {  	s3 =	sshll.u32 s8, $0xA;
	s5 =	sshll.u32 s4, $0x9  }
0x4: {  	s5 =	sor.u32 s5, s3  }
0x5: {  	s0 =	rddreg [dreg:$0x0];
	s3 =	sshrl.u32 s5, $0x3  }
0x6: {  	s1 =	rddreg [dreg:$0x1];
	s2 =	simm.s32 $0x0;
	s7 =	sadd.s32 s3, s0  }
0x7: {  	[smem:$0x7FF] =	sst s2;
	s18 =	sadd.s32 $0xA00, s7  }
0x8: {  	_ =	strace $0x80000047;
	s19 =	sadd.s32 $0x1200, s7;
	[dreg:$0x3] =	wrdreg s18  }
0x9: {  	s20 =	sadd.s32 $0x1A00, s7;
	[dreg:$0x4] =	wrdreg s19  }
0xa: {  	s21 =	sadd.s32 $0x2200, s7;
	[dreg:$0x5] =	wrdreg s20  }
0xb: {  	s22 =	sadd.s32 $0x2A00, s7;
	[dreg:$0x6] =	wrdreg s21  }
0xc: {  	s23 =	sadd.s32 $0x3200, s7;
	[dreg:$0x7] =	wrdreg s22  }
0xd: {  	s24 =	sadd.s32 $0x3A00, s7;
	[dreg:$0x8] =	wrdreg s23  }
0xe: {  	s25 =	sadd.s32 $0x4200, s7;
	[dreg:$0x9] =	wrdreg s24  }
0xf: {  	s26 =	sadd.s32 $0x4A00, s7;
	[dreg:$0xa] =	wrdreg s25  }
0x10: {  	s9 =	sadd.s32 $0x5200, s7;
	[dreg:$0xb] =	wrdreg s26  }
0x11: {  	s16 =	sshll.u32 s8, $0xC;
	s10 =	sadd.s32 $0x5A00, s7;
	[dreg:$0xc] =	wrdreg s9  }
0x12: {  	s6 =	ssub.s32 $0x2, s4;
	s11 =	sadd.s32 $0x6200, s7;
	[dreg:$0xd] =	wrdreg s10  }
0x13: {  	s17 =	sshrl.u32 s6, $0x1;
	s12 =	sadd.s32 $0x6A00, s7;
	[dreg:$0xe] =	wrdreg s11  }
0x14: {  	s5 =	sshll.u32 s5, $0x2;
	s13 =	sadd.s32 $0x7200, s7;
	[dreg:$0xf] =	wrdreg s12  }
0x15: {  	s3 =	sadd.s32 $0xF42E00, s0;
	s14 =	sadd.s32 $0x7A00, s7;
	[dreg:$0x10] =	wrdreg s13  }
0x16: {  	s0 =	ssub.s32 s6, s17;
	s15 =	sadd.s32 $0x8200, s7;
	[dreg:$0x11] =	wrdreg s14  }
0x17: {  	s6 =	sadd.s32 s16, s1;
	s17 =	sadd.s32 $0x8A00, s7;
	[dreg:$0x12] =	wrdreg s15  }
0x18: {  	s1 =	sadd.s32 s5, s1;
	s5 =	sadd.s32 $0xD200, s7;
	[dreg:$0x13] =	wrdreg s17  }
0x19: {  	s8 =	sadd.s32 $0xE200, s7;
	[dreg:$0x1c] =	wrdreg s5  }
0x1a: {  	s16 =	sadd.s32 $0x12200, s7;
	[dreg:$0x1e] =	wrdreg s8  }
0x1b: {  	s18 =	sadd.s32 $0x9200, s7;
	[smem:$0x7F4] =	sst s16  }
0x1c: {  	s19 =	sadd.s32 $0x9A00, s7;
	[dreg:$0x14] =	wrdreg s18  }
0x1d: {  	s20 =	sadd.s32 $0xA200, s7;
	[dreg:$0x15] =	wrdreg s19  }
0x1e: {  	s22 =	sadd.s32 $0xAA00, s7;
	[dreg:$0x16] =	wrdreg s20  }
0x1f: {  	s23 =	sadd.s32 $0xB200, s7;
	[dreg:$0x17] =	wrdreg s22  }
0x20: {  	s24 =	sadd.s32 $0xBA00, s7;
	[dreg:$0x18] =	wrdreg s23  }
0x21: {  	s25 =	sadd.s32 $0xC200, s7;
	[dreg:$0x19] =	wrdreg s24  }
0x22: {  	s4 =	sshll.u32 s4, $0xB;
	s26 =	sadd.s32 $0xCA00, s7;
	[dreg:$0x1a] =	wrdreg s25  }
0x23: {  	s21 =	sadd.s32 s4, s6;
	s6 =	sadd.s32 $0xDA00, s7;
	[dreg:$0x1b] =	wrdreg s26  }
0x24: {  	s31 =	simm.s32 $0x200;
	s9 =	sadd.s32 $0xEA00, s7;
	[dreg:$0x1d] =	wrdreg s6  }
0x25: {  	s28 =	sadd.s32 $0x300000, s1;
	s10 =	sadd.s32 $0xF200, s7;
	[dreg:$0x1f] =	wrdreg s9  }
0x26: {  	s29 =	sadd.s32 $0x310000, s1;
	s11 =	sadd.s32 $0xFA00, s7;
	[smem:$0x7EE] =	sst s10  }
0x27: {  	s30 =	smax.u32 s0, $0x1;
	s12 =	sadd.s32 $0x10200, s7;
	[smem:$0x7EF] =	sst s11  }
0x28: {  	s0 =	simm.s32 $0x1;
	s13 =	sadd.s32 $0x10A00, s7;
	[smem:$0x7F0] =	sst s12  }
0x29: {  	s1 =	simm.s32 $0x80;
	s14 =	sadd.s32 $0x11200, s7;
	[smem:$0x7F1] =	sst s13  }
0x2a: {  	s15 =	sadd.s32 $0x11A00, s7;
	s17 =	sadd.s32 $0x12A00, s7;
	[smem:$0x7F2] =	sst s14  }
0x2b: {  	s4 =	simm.s32 $0x6400;
	s5 =	simm.s32 $0x7400;
	[smem:$0x7F3] =	sst s15  }
0x2c: {  	s8 =	simm.s32 $0xA400;
	[smem:$0x7F5] =	sst s17;
	s18 =	sadd.s32 $0x13200, s7  }
0x2d: {  	s16 =	simm.s32 $0x0;
	s19 =	sadd.s32 $0x13A00, s7;
	[smem:$0x7F6] =	sst s18  }
0x2e: {  	s20 =	sadd.s32 $0x14200, s7;
	s22 =	sadd.s32 $0x14A00, s7;
	[smem:$0x7F7] =	sst s19  }
0x2f: {  	s23 =	sadd.s32 $0x15200, s7;
	s24 =	sadd.s32 $0x15A00, s7;
	[smem:$0x7F8] =	sst s20  }
0x30: {  	s25 =	sadd.s32 $0x16200, s7;
	s26 =	sadd.s32 $0x16A00, s7;
	[smem:$0x7F9] =	sst s22  }
0x31: {  	s6 =	simm.s32 $0x8400;
	s9 =	simm.s32 $0xB400;
	[smem:$0x7FA] =	sst s23  }
0x32: {  	s10 =	simm.s32 $0xC400;
	s11 =	simm.s32 $0xD400;
	[smem:$0x7FB] =	sst s24  }
0x33: {  	s12 =	simm.s32 $0x2;
	s13 =	simm.s32 $0x3;
	[smem:$0x7FC] =	sst s25  }
0x34: {  	s14 =	simm.s32 $0x4;
	s15 =	simm.s32 $0x5;
	[smem:$0x7FD] =	sst s26  }
0x35: {  	s22 =	sadd.s32 $0x17200, s7;
	s23 =	sadd.s32 $0x17A00, s7;
	s24 =	sadd.s32 $0x18200, s7  }
0x36: {  	s25 =	sadd.s32 $0x18A00, s7;
	s26 =	sadd.s32 $0x19200, s7;
	s7 =	simm.s32 $0x9400  }
.LBB2_1:
0x37: {  	s17 =	rddreg [dreg:$0x3]  }
0x38: {  	[tilespmem:s2], [sflag:$0x1] =	stream.linear.gather [hbm4b:s17+s2], $0x200, $0x38;
	[tilespmem:$0xE400] =	vst v63  }
0x39: {  	s19 =	rddreg [dreg:$0x4]  }
0x3a: {  	[tilespmem:s31], [sflag:$0x1] =	stream.linear.gather [hbm4b:s19+s2], $0x200, $0x38;
	[tilespmem:$0xE400] =	vst v63  }
0x3b: {  	s20 =	rddreg [dreg:$0x5];
	s18 =	simm.s32 $0x400  }
0x3c: {  	[tilespmem:s18], [sflag:$0x1] =	stream.linear.gather [hbm4b:s20+s2], $0x200, $0x38;
	[tilespmem:$0xE400] =	vst v63  }
0x3d: {  	s19 =	rddreg [dreg:$0x6];
	s20 =	simm.s32 $0x600  }
0x3e: {  	[tilespmem:s20], [sflag:$0x1] =	stream.linear.gather [hbm4b:s19+s2], $0x200, $0x38;
	[tilespmem:$0xE400] =	vst v63  }
0x3f: {  	s19 =	rddreg [dreg:$0x7];
	s20 =	simm.s32 $0x800  }
0x40: {  	[tilespmem:s20], [sflag:$0x1] =	stream.linear.gather [hbm4b:s19+s2], $0x200, $0x38;
	[tilespmem:$0xE400] =	vst v63  }
0x41: {  	s19 =	rddreg [dreg:$0x8];
	s20 =	simm.s32 $0xA00  }
0x42: {  	[tilespmem:s20], [sflag:$0x1] =	stream.linear.gather [hbm4b:s19+s2], $0x200, $0x38;
	[tilespmem:$0xE400] =	vst v63  }
0x43: {  	s19 =	rddreg [dreg:$0x9];
	s20 =	simm.s32 $0xC00  }
0x44: {  	[tilespmem:s20], [sflag:$0x1] =	stream.linear.gather [hbm4b:s19+s2], $0x200, $0x38;
	[tilespmem:$0xE400] =	vst v63  }
0x45: {  	s19 =	rddreg [dreg:$0xa];
	s20 =	simm.s32 $0xE00  }
0x46: {  	[tilespmem:s20], [sflag:$0x1] =	stream.linear.gather [hbm4b:s19+s2], $0x200, $0x38;
	[tilespmem:$0xE400] =	vst v63  }
0x47: {  	s19 =	rddreg [dreg:$0xb];
	s20 =	simm.s32 $0x1000  }
0x48: {  	[tilespmem:s20], [sflag:$0x1] =	stream.linear.gather [hbm4b:s19+s2], $0x200, $0x38;
	[tilespmem:$0xE400] =	vst v63  }
0x49: {  	s19 =	rddreg [dreg:$0xc];
	s20 =	simm.s32 $0x1200  }
0x4a: {  	[tilespmem:s20], [sflag:$0x1] =	stream.linear.gather [hbm4b:s19+s2], $0x200, $0x38;
	[tilespmem:$0xE400] =	vst v63  }
0x4b: {  	s19 =	rddreg [dreg:$0xd];
	s20 =	simm.s32 $0x1400  }
0x4c: {  	[tilespmem:s20], [sflag:$0x1] =	stream.linear.gather [hbm4b:s19+s2], $0x200, $0x38;
	[tilespmem:$0xE400] =	vst v63  }
0x4d: {  	s19 =	rddreg [dreg:$0xe];
	s20 =	simm.s32 $0x1600  }
0x4e: {  	[tilespmem:s20], [sflag:$0x1] =	stream.linear.gather [hbm4b:s19+s2], $0x200, $0x38;
	[tilespmem:$0xE400] =	vst v63  }
0x4f: {  	s19 =	rddreg [dreg:$0xf];
	s20 =	simm.s32 $0x1800  }
0x50: {  	[tilespmem:s20], [sflag:$0x1] =	stream.linear.gather [hbm4b:s19+s2], $0x200, $0x38;
	[tilespmem:$0xE400] =	vst v63  }
0x51: {  	s19 =	rddreg [dreg:$0x10];
	s20 =	simm.s32 $0x1A00  }
0x52: {  	[tilespmem:s20], [sflag:$0x1] =	stream.linear.gather [hbm4b:s19+s2], $0x200, $0x38;
	[tilespmem:$0xE400] =	vst v63  }
0x53: {  	s19 =	rddreg [dreg:$0x11];
	s20 =	simm.s32 $0x1C00  }
0x54: {  	[tilespmem:s20], [sflag:$0x1] =	stream.linear.gather [hbm4b:s19+s2], $0x200, $0x38;
	[tilespmem:$0xE400] =	vst v63  }
0x55: {  	s19 =	rddreg [dreg:$0x12];
	s20 =	simm.s32 $0x1E00  }
0x56: {  	[tilespmem:s20], [sflag:$0x1] =	stream.linear.gather [hbm4b:s19+s2], $0x200, $0x38;
	[tilespmem:$0xE400] =	vst v63  }
0x57: {  	s19 =	rddreg [dreg:$0x13];
	s20 =	simm.s32 $0x2000  }
0x58: {  	[tilespmem:s20], [sflag:$0x1] =	stream.linear.gather [hbm4b:s19+s2], $0x200, $0x38;
	[tilespmem:$0xE400] =	vst v63  }
0x59: {  	s19 =	rddreg [dreg:$0x14];
	s20 =	simm.s32 $0x2200  }
0x5a: {  	[tilespmem:s20], [sflag:$0x1] =	stream.linear.gather [hbm4b:s19+s2], $0x200, $0x38;
	[tilespmem:$0xE400] =	vst v63  }
0x5b: {  	s19 =	rddreg [dreg:$0x15];
	s20 =	simm.s32 $0x2400  }
0x5c: {  	[tilespmem:s20], [sflag:$0x1] =	stream.linear.gather [hbm4b:s19+s2], $0x200, $0x38;
	[tilespmem:$0xE400] =	vst v63  }
0x5d: {  	s19 =	rddreg [dreg:$0x16];
	s20 =	simm.s32 $0x2600  }
0x5e: {  	[tilespmem:s20], [sflag:$0x1] =	stream.linear.gather [hbm4b:s19+s2], $0x200, $0x38;
	[tilespmem:$0xE400] =	vst v63  }
0x5f: {  	s19 =	rddreg [dreg:$0x17];
	s20 =	simm.s32 $0x2800  }
0x60: {  	[tilespmem:s20], [sflag:$0x1] =	stream.linear.gather [hbm4b:s19+s2], $0x200, $0x38;
	[tilespmem:$0xE400] =	vst v63  }
0x61: {  	s19 =	rddreg [dreg:$0x18];
	s20 =	simm.s32 $0x2A00  }
0x62: {  	[tilespmem:s20], [sflag:$0x1] =	stream.linear.gather [hbm4b:s19+s2], $0x200, $0x38;
	[tilespmem:$0xE400] =	vst v63  }
0x63: {  	s19 =	rddreg [dreg:$0x19];
	s20 =	simm.s32 $0x2C00  }
0x64: {  	[tilespmem:s20], [sflag:$0x1] =	stream.linear.gather [hbm4b:s19+s2], $0x200, $0x38;
	[tilespmem:$0xE400] =	vst v63  }
0x65: {  	s19 =	rddreg [dreg:$0x1a];
	s20 =	simm.s32 $0x2E00  }
0x66: {  	[tilespmem:s20], [sflag:$0x1] =	stream.linear.gather [hbm4b:s19+s2], $0x200, $0x38;
	[tilespmem:$0xE400] =	vst v63  }
0x67: {  	s19 =	rddreg [dreg:$0x1b];
	s20 =	simm.s32 $0x3000  }
0x68: {  	[tilespmem:s20], [sflag:$0x1] =	stream.linear.gather [hbm4b:s19+s2], $0x200, $0x38;
	[tilespmem:$0xE400] =	vst v63  }
0x69: {  	s19 =	rddreg [dreg:$0x1c];
	s20 =	simm.s32 $0x3200  }
0x6a: {  	[tilespmem:s20], [sflag:$0x1] =	stream.linear.gather [hbm4b:s19+s2], $0x200, $0x38;
	[tilespmem:$0xE400] =	vst v63  }
0x6b: {  	s19 =	rddreg [dreg:$0x1d];
	s20 =	simm.s32 $0x3400  }
0x6c: {  	[tilespmem:s20], [sflag:$0x1] =	stream.linear.gather [hbm4b:s19+s2], $0x200, $0x38;
	[tilespmem:$0xE400] =	vst v63  }
0x6d: {  	s19 =	rddreg [dreg:$0x1e];
	s20 =	simm.s32 $0x3600  }
0x6e: {  	[tilespmem:s20], [sflag:$0x1] =	stream.linear.gather [hbm4b:s19+s2], $0x200, $0x38;
	[tilespmem:$0xE400] =	vst v63  }
0x6f: {  	s19 =	rddreg [dreg:$0x1f];
	s20 =	simm.s32 $0x3800  }
0x70: {  	[tilespmem:s20], [sflag:$0x1] =	stream.linear.gather [hbm4b:s19+s2], $0x200, $0x38;
	[tilespmem:$0xE400] =	vst v63  }
0x71: {  	s19 =	sld [smem:$0x7EE];
	_ =	sdelay $0x1  }
0x72: {  	s20 =	simm.s32 $0x3A00  }
0x73: {  	[tilespmem:s20], [sflag:$0x1] =	stream.linear.gather [hbm4b:s19+s2], $0x200, $0x38;
	[tilespmem:$0xE400] =	vst v63  }
0x74: {  	s19 =	sld [smem:$0x7EF];
	_ =	sdelay $0x1  }
0x75: {  	s20 =	simm.s32 $0x3C00  }
0x76: {  	[tilespmem:s20], [sflag:$0x1] =	stream.linear.gather [hbm4b:s19+s2], $0x200, $0x38;
	[tilespmem:$0xE400] =	vst v63  }
0x77: {  	s19 =	sld [smem:$0x7F0];
	_ =	sdelay $0x1  }
0x78: {  	s20 =	simm.s32 $0x3E00  }
0x79: {  	[tilespmem:s20], [sflag:$0x1] =	stream.linear.gather [hbm4b:s19+s2], $0x200, $0x38;
	[tilespmem:$0xE400] =	vst v63  }
0x7a: {  	s19 =	sld [smem:$0x7F1];
	_ =	sdelay $0x1  }
0x7b: {  	s20 =	simm.s32 $0x4000  }
0x7c: {  	[tilespmem:s20], [sflag:$0x1] =	stream.linear.gather [hbm4b:s19+s2], $0x200, $0x38;
	[tilespmem:$0xE400] =	vst v63  }
0x7d: {  	s19 =	sld [smem:$0x7F2];
	_ =	sdelay $0x1  }
0x7e: {  	s20 =	simm.s32 $0x4200  }
0x7f: {  	[tilespmem:s20], [sflag:$0x1] =	stream.linear.gather [hbm4b:s19+s2], $0x200, $0x38;
	[tilespmem:$0xE400] =	vst v63  }
0x80: {  	s19 =	sld [smem:$0x7F3];
	_ =	sdelay $0x1  }
0x81: {  	s20 =	simm.s32 $0x4400  }
0x82: {  	[tilespmem:s20], [sflag:$0x1] =	stream.linear.gather [hbm4b:s19+s2], $0x200, $0x38;
	[tilespmem:$0xE400] =	vst v63  }
0x83: {  	s19 =	sld [smem:$0x7F4];
	_ =	sdelay $0x1  }
0x84: {  	s20 =	simm.s32 $0x4600  }
0x85: {  	[tilespmem:s20], [sflag:$0x1] =	stream.linear.gather [hbm4b:s19+s2], $0x200, $0x38;
	[tilespmem:$0xE400] =	vst v63  }
0x86: {  	s19 =	sld [smem:$0x7F5];
	_ =	sdelay $0x1  }
0x87: {  	s20 =	simm.s32 $0x4800  }
0x88: {  	[tilespmem:s20], [sflag:$0x1] =	stream.linear.gather [hbm4b:s19+s2], $0x200, $0x38;
	[tilespmem:$0xE400] =	vst v63  }
0x89: {  	s19 =	sld [smem:$0x7F6];
	_ =	sdelay $0x1  }
0x8a: {  	s20 =	simm.s32 $0x4A00  }
0x8b: {  	[tilespmem:s20], [sflag:$0x1] =	stream.linear.gather [hbm4b:s19+s2], $0x200, $0x38;
	[tilespmem:$0xE400] =	vst v63  }
0x8c: {  	s19 =	sld [smem:$0x7F7];
	_ =	sdelay $0x1  }
0x8d: {  	s20 =	simm.s32 $0x4C00  }
0x8e: {  	[tilespmem:s20], [sflag:$0x1] =	stream.linear.gather [hbm4b:s19+s2], $0x200, $0x38;
	[tilespmem:$0xE400] =	vst v63  }
0x8f: {  	s19 =	sld [smem:$0x7F8];
	_ =	sdelay $0x1  }
0x90: {  	s20 =	simm.s32 $0x4E00  }
0x91: {  	[tilespmem:s20], [sflag:$0x1] =	stream.linear.gather [hbm4b:s19+s2], $0x200, $0x38;
	[tilespmem:$0xE400] =	vst v63  }
0x92: {  	s19 =	sld [smem:$0x7F9];
	_ =	sdelay $0x1  }
0x93: {  	s20 =	simm.s32 $0x5000  }
0x94: {  	[tilespmem:s20], [sflag:$0x1] =	stream.linear.gather [hbm4b:s19+s2], $0x200, $0x38;
	[tilespmem:$0xE400] =	vst v63  }
0x95: {  	s19 =	sld [smem:$0x7FA];
	_ =	sdelay $0x1  }
0x96: {  	s20 =	simm.s32 $0x5200  }
0x97: {  	[tilespmem:s20], [sflag:$0x1] =	stream.linear.gather [hbm4b:s19+s2], $0x200, $0x38;
	[tilespmem:$0xE400] =	vst v63  }
0x98: {  	s19 =	sld [smem:$0x7FB];
	_ =	sdelay $0x1  }
0x99: {  	s20 =	simm.s32 $0x5400  }
0x9a: {  	[tilespmem:s20], [sflag:$0x1] =	stream.linear.gather [hbm4b:s19+s2], $0x200, $0x38;
	[tilespmem:$0xE400] =	vst v63  }
0x9b: {  	s19 =	sld [smem:$0x7FC];
	_ =	sdelay $0x1  }
0x9c: {  	s20 =	simm.s32 $0x5600  }
0x9d: {  	[tilespmem:s20], [sflag:$0x1] =	stream.linear.gather [hbm4b:s19+s2], $0x200, $0x38;
	[tilespmem:$0xE400] =	vst v63  }
0x9e: {  	s19 =	sld [smem:$0x7FD];
	_ =	sdelay $0x1  }
0x9f: {  	s20 =	simm.s32 $0x5800  }
0xa0: {  	[tilespmem:s20], [sflag:$0x1] =	stream.linear.gather [hbm4b:s19+s2], $0x200, $0x38;
	[tilespmem:$0xE400] =	vst v63  }
0xa1: {  	s18 =	simm.s32 $0x5A00  }
0xa2: {  	[tilespmem:s18], [sflag:$0x1] =	stream.linear.gather [hbm4b:s22+s2], $0x200, $0x38;
	[tilespmem:$0xE400] =	vst v63  }
0xa3: {  	s19 =	simm.s32 $0x5C00  }
0xa4: {  	[tilespmem:s19], [sflag:$0x1] =	stream.linear.gather [hbm4b:s23+s2], $0x200, $0x38;
	[tilespmem:$0xE400] =	vst v63  }
0xa5: {  	s20 =	simm.s32 $0x5E00  }
0xa6: {  	[tilespmem:s20], [sflag:$0x1] =	stream.linear.gather [hbm4b:s24+s2], $0x200, $0x38;
	[tilespmem:$0xE400] =	vst v63  }
0xa7: {  	s18 =	simm.s32 $0x6000  }
0xa8: {  	[tilespmem:s18], [sflag:$0x1] =	stream.linear.gather [hbm4b:s25+s2], $0x200, $0x38;
	[tilespmem:$0xE400] =	vst v63  }
0xa9: {  	s19 =	simm.s32 $0x6200  }
0xaa: {  	[tilespmem:s19], [sflag:$0x1] =	stream.linear.gather [hbm4b:s26+s2], $0x200, $0x38;
	[tilespmem:$0xE400] =	vst v63  }
0xab: {  	_ =	swait.ge [sflag:s0], $0x200  }
0xac: {  	[sflag:s0] =	ssyncset.done $0x0  }
0xad: {  	[sflag:s0] =	ssyncadd.s32 $0xFFFFFE00  }
0xae: {  	_ =	swait.ge [sflag:s0], $0x200  }
0xaf: {  	[sflag:s0] =	ssyncset.done $0x0  }
0xb0: {  	[sflag:s0] =	ssyncadd.s32 $0xFFFFFE00  }
0xb1: {  	_ =	swait.ge [sflag:s0], $0x200  }
0xb2: {  	[sflag:s0] =	ssyncset.done $0x0  }
0xb3: {  	[sflag:s0] =	ssyncadd.s32 $0xFFFFFE00  }
0xb4: {  	_ =	swait.ge [sflag:s0], $0x200  }
0xb5: {  	[sflag:s0] =	ssyncset.done $0x0  }
0xb6: {  	[sflag:s0] =	ssyncadd.s32 $0xFFFFFE00  }
0xb7: {  	_ =	swait.ge [sflag:s0], $0x200  }
0xb8: {  	[sflag:s0] =	ssyncset.done $0x0  }
0xb9: {  	[sflag:s0] =	ssyncadd.s32 $0xFFFFFE00  }
0xba: {  	_ =	swait.ge [sflag:s0], $0x200  }
0xbb: {  	[sflag:s0] =	ssyncset.done $0x0  }
0xbc: {  	[sflag:s0] =	ssyncadd.s32 $0xFFFFFE00  }
0xbd: {  	_ =	swait.ge [sflag:s0], $0x200  }
0xbe: {  	[sflag:s0] =	ssyncset.done $0x0  }
0xbf: {  	[sflag:s0] =	ssyncadd.s32 $0xFFFFFE00  }
0xc0: {  	_ =	swait.ge [sflag:s0], $0x200  }
0xc1: {  	[sflag:s0] =	ssyncset.done $0x0  }
0xc2: {  	[sflag:s0] =	ssyncadd.s32 $0xFFFFFE00  }
0xc3: {  	_ =	swait.ge [sflag:s0], $0x200  }
0xc4: {  	[sflag:s0] =	ssyncset.done $0x0  }
0xc5: {  	[sflag:s0] =	ssyncadd.s32 $0xFFFFFE00  }
0xc6: {  	_ =	swait.ge [sflag:s0], $0x200  }
0xc7: {  	[sflag:s0] =	ssyncset.done $0x0  }
0xc8: {  	[sflag:s0] =	ssyncadd.s32 $0xFFFFFE00  }
0xc9: {  	_ =	swait.ge [sflag:s0], $0x200  }
0xca: {  	[sflag:s0] =	ssyncset.done $0x0  }
0xcb: {  	[sflag:s0] =	ssyncadd.s32 $0xFFFFFE00  }
0xcc: {  	_ =	swait.ge [sflag:s0], $0x200  }
0xcd: {  	[sflag:s0] =	ssyncset.done $0x0  }
0xce: {  	[sflag:s0] =	ssyncadd.s32 $0xFFFFFE00  }
0xcf: {  	_ =	swait.ge [sflag:s0], $0x200  }
0xd0: {  	[sflag:s0] =	ssyncset.done $0x0  }
0xd1: {  	[sflag:s0] =	ssyncadd.s32 $0xFFFFFE00  }
0xd2: {  	_ =	swait.ge [sflag:s0], $0x200  }
0xd3: {  	[sflag:s0] =	ssyncset.done $0x0  }
0xd4: {  	[sflag:s0] =	ssyncadd.s32 $0xFFFFFE00  }
0xd5: {  	_ =	swait.ge [sflag:s0], $0x200  }
0xd6: {  	[sflag:s0] =	ssyncset.done $0x0  }
0xd7: {  	[sflag:s0] =	ssyncadd.s32 $0xFFFFFE00  }
0xd8: {  	_ =	swait.ge [sflag:s0], $0x200  }
0xd9: {  	[sflag:s0] =	ssyncset.done $0x0  }
0xda: {  	[sflag:s0] =	ssyncadd.s32 $0xFFFFFE00  }
0xdb: {  	_ =	swait.ge [sflag:s0], $0x200  }
0xdc: {  	[sflag:s0] =	ssyncset.done $0x0  }
0xdd: {  	[sflag:s0] =	ssyncadd.s32 $0xFFFFFE00  }
0xde: {  	_ =	swait.ge [sflag:s0], $0x200  }
0xdf: {  	[sflag:s0] =	ssyncset.done $0x0  }
0xe0: {  	[sflag:s0] =	ssyncadd.s32 $0xFFFFFE00  }
0xe1: {  	_ =	swait.ge [sflag:s0], $0x200  }
0xe2: {  	[sflag:s0] =	ssyncset.done $0x0  }
0xe3: {  	[sflag:s0] =	ssyncadd.s32 $0xFFFFFE00  }
0xe4: {  	_ =	swait.ge [sflag:s0], $0x200  }
0xe5: {  	[sflag:s0] =	ssyncset.done $0x0  }
0xe6: {  	[sflag:s0] =	ssyncadd.s32 $0xFFFFFE00  }
0xe7: {  	_ =	swait.ge [sflag:s0], $0x200  }
0xe8: {  	[sflag:s0] =	ssyncset.done $0x0  }
0xe9: {  	[sflag:s0] =	ssyncadd.s32 $0xFFFFFE00  }
0xea: {  	_ =	swait.ge [sflag:s0], $0x200  }
0xeb: {  	[sflag:s0] =	ssyncset.done $0x0  }
0xec: {  	[sflag:s0] =	ssyncadd.s32 $0xFFFFFE00  }
0xed: {  	_ =	swait.ge [sflag:s0], $0x200  }
0xee: {  	[sflag:s0] =	ssyncset.done $0x0  }
0xef: {  	[sflag:s0] =	ssyncadd.s32 $0xFFFFFE00  }
0xf0: {  	_ =	swait.ge [sflag:s0], $0x200  }
0xf1: {  	[sflag:s0] =	ssyncset.done $0x0  }
0xf2: {  	[sflag:s0] =	ssyncadd.s32 $0xFFFFFE00  }
0xf3: {  	_ =	swait.ge [sflag:s0], $0x200  }
0xf4: {  	[sflag:s0] =	ssyncset.done $0x0  }
0xf5: {  	[sflag:s0] =	ssyncadd.s32 $0xFFFFFE00  }
0xf6: {  	_ =	swait.ge [sflag:s0], $0x200  }
0xf7: {  	[sflag:s0] =	ssyncset.done $0x0  }
0xf8: {  	[sflag:s0] =	ssyncadd.s32 $0xFFFFFE00  }
0xf9: {  	_ =	swait.ge [sflag:s0], $0x200  }
0xfa: {  	[sflag:s0] =	ssyncset.done $0x0  }
0xfb: {  	[sflag:s0] =	ssyncadd.s32 $0xFFFFFE00  }
0xfc: {  	_ =	swait.ge [sflag:s0], $0x200  }
0xfd: {  	[sflag:s0] =	ssyncset.done $0x0  }
0xfe: {  	[sflag:s0] =	ssyncadd.s32 $0xFFFFFE00  }
0xff: {  	_ =	swait.ge [sflag:s0], $0x200  }
0x100: {  	[sflag:s0] =	ssyncset.done $0x0  }
0x101: {  	[sflag:s0] =	ssyncadd.s32 $0xFFFFFE00  }
0x102: {  	_ =	swait.ge [sflag:s0], $0x200  }
0x103: {  	[sflag:s0] =	ssyncset.done $0x0  }
0x104: {  	[sflag:s0] =	ssyncadd.s32 $0xFFFFFE00  }
0x105: {  	_ =	swait.ge [sflag:s0], $0x200  }
0x106: {  	[sflag:s0] =	ssyncset.done $0x0  }
0x107: {  	[sflag:s0] =	ssyncadd.s32 $0xFFFFFE00  }
0x108: {  	_ =	swait.ge [sflag:s0], $0x200  }
0x109: {  	[sflag:s0] =	ssyncset.done $0x0  }
0x10a: {  	[sflag:s0] =	ssyncadd.s32 $0xFFFFFE00  }
0x10b: {  	_ =	swait.ge [sflag:s0], $0x200  }
0x10c: {  	[sflag:s0] =	ssyncset.done $0x0  }
0x10d: {  	[sflag:s0] =	ssyncadd.s32 $0xFFFFFE00  }
0x10e: {  	_ =	swait.ge [sflag:s0], $0x200  }
0x10f: {  	[sflag:s0] =	ssyncset.done $0x0  }
0x110: {  	[sflag:s0] =	ssyncadd.s32 $0xFFFFFE00  }
0x111: {  	_ =	swait.ge [sflag:s0], $0x200  }
0x112: {  	[sflag:s0] =	ssyncset.done $0x0  }
0x113: {  	[sflag:s0] =	ssyncadd.s32 $0xFFFFFE00  }
0x114: {  	_ =	swait.ge [sflag:s0], $0x200  }
0x115: {  	[sflag:s0] =	ssyncset.done $0x0  }
0x116: {  	[sflag:s0] =	ssyncadd.s32 $0xFFFFFE00  }
0x117: {  	_ =	swait.ge [sflag:s0], $0x200  }
0x118: {  	[sflag:s0] =	ssyncset.done $0x0  }
0x119: {  	[sflag:s0] =	ssyncadd.s32 $0xFFFFFE00  }
0x11a: {  	_ =	swait.ge [sflag:s0], $0x200  }
0x11b: {  	[sflag:s0] =	ssyncset.done $0x0  }
0x11c: {  	[sflag:s0] =	ssyncadd.s32 $0xFFFFFE00  }
0x11d: {  	_ =	swait.ge [sflag:s0], $0x200  }
0x11e: {  	[sflag:s0] =	ssyncset.done $0x0  }
0x11f: {  	[sflag:s0] =	ssyncadd.s32 $0xFFFFFE00  }
0x120: {  	_ =	swait.ge [sflag:s0], $0x200  }
0x121: {  	[sflag:s0] =	ssyncset.done $0x0  }
0x122: {  	[sflag:s0] =	ssyncadd.s32 $0xFFFFFE00  }
0x123: {  	_ =	swait.ge [sflag:s0], $0x200  }
0x124: {  	[sflag:s0] =	ssyncset.done $0x0  }
0x125: {  	[sflag:s0] =	ssyncadd.s32 $0xFFFFFE00  }
0x126: {  	_ =	swait.ge [sflag:s0], $0x200  }
0x127: {  	[sflag:s0] =	ssyncset.done $0x0  }
0x128: {  	[sflag:s0] =	ssyncadd.s32 $0xFFFFFE00  }
0x129: {  	_ =	swait.ge [sflag:s0], $0x200  }
0x12a: {  	[sflag:s0] =	ssyncset.done $0x0  }
0x12b: {  	[sflag:s0] =	ssyncadd.s32 $0xFFFFFE00  }
0x12c: {  	_ =	swait.ge [sflag:s0], $0x200  }
0x12d: {  	[sflag:s0] =	ssyncset.done $0x0  }
0x12e: {  	[sflag:s0] =	ssyncadd.s32 $0xFFFFFE00  }
0x12f: {  	_ =	swait.ge [sflag:s0], $0x200  }
0x130: {  	[sflag:s0] =	ssyncset.done $0x0  }
0x131: {  	[sflag:s0] =	ssyncadd.s32 $0xFFFFFE00  }
0x132: {  	_ =	swait.ge [sflag:s0], $0x200  }
0x133: {  	[sflag:s0] =	ssyncset.done $0x0  }
0x134: {  	[sflag:s0] =	ssyncadd.s32 $0xFFFFFE00  }
0x135: {  	_ =	swait.ge [sflag:s0], $0x200  }
0x136: {  	[sflag:s0] =	ssyncset.done $0x0  }
0x137: {  	[sflag:s0] =	ssyncadd.s32 $0xFFFFFE00  }
0x138: {  	_ =	swait.ge [sflag:s0], $0x200  }
0x139: {  	[sflag:s0] =	ssyncset.done $0x0  }
0x13a: {  	[sflag:s0] =	ssyncadd.s32 $0xFFFFFE00  }
0x13b: {  	_ =	swait.ge [sflag:s0], $0x200  }
0x13c: {  	[sflag:s0] =	ssyncset.done $0x0  }
0x13d: {  	[sflag:s0] =	ssyncadd.s32 $0xFFFFFE00  }
0x13e: {  	_ =	swait.ge [sflag:s0], $0x200  }
0x13f: {  	[sflag:s0] =	ssyncset.done $0x0  }
0x140: {  	[sflag:s0] =	ssyncadd.s32 $0xFFFFFE00  }
0x141: {  	[tilespmem:s4], [sflag:$0x2] =	stream.indirect.gather [hbm4b:s3+s1], $0x20, s2, s1, $0xb8;
	[tilespmem:$0xE400] =	vst v63  }
0x142: {  	_ = 	snop  }
0x143: {  	[tilespmem:s5], [sflag:$0x2] =	stream.indirect.gather [hbm4b:s3+s1], $0x20, s1, s1, $0xb8;
	[tilespmem:$0xE400] =	vst v63  }
0x144: {  	s20 =	simm.s32 $0x100  }
0x145: {  	[tilespmem:s6], [sflag:$0x2] =	stream.indirect.gather [hbm4b:s3+s1], $0x20, s20, s1, $0xb8;
	[tilespmem:$0xE400] =	vst v63  }
0x146: {  	s18 =	simm.s32 $0x180  }
0x147: {  	[tilespmem:s7], [sflag:$0x2] =	stream.indirect.gather [hbm4b:s3+s1], $0x20, s18, s1, $0xb8;
	[tilespmem:$0xE400] =	vst v63  }
0x148: {  	_ = 	snop  }
0x149: {  	[tilespmem:s8], [sflag:$0x3] =	stream.indirect.gather [hbm4b:s3+s1], $0x20, s31, s1, $0xb8;
	[tilespmem:$0xE400] =	vst v63  }
0x14a: {  	s19 =	simm.s32 $0x280  }
0x14b: {  	[tilespmem:s9], [sflag:$0x3] =	stream.indirect.gather [hbm4b:s3+s1], $0x20, s19, s1, $0xb8;
	[tilespmem:$0xE400] =	vst v63  }
0x14c: {  	s20 =	simm.s32 $0x300  }
0x14d: {  	[tilespmem:s10], [sflag:$0x3] =	stream.indirect.gather [hbm4b:s3+s1], $0x20, s20, s1, $0xb8;
	[tilespmem:$0xE400] =	vst v63  }
0x14e: {  	s18 =	simm.s32 $0x380  }
0x14f: {  	[tilespmem:s11], [sflag:$0x3] =	stream.indirect.gather [hbm4b:s3+s1], $0x20, s18, s1, $0xb8;
	[tilespmem:$0xE400] =	vst v63  }
0x150: {  	_ =	swait.ge [sflag:s12], $0x1000  }
0x151: {  	[sflag:s12] =	ssyncset.done $0x0  }
0x152: {  	[sflag:s12] =	ssyncadd.s32 $0xFFFFF000  }
0x153: {  	_ =	swait.ge [sflag:s12], $0x1000  }
0x154: {  	[sflag:s12] =	ssyncset.done $0x0  }
0x155: {  	[sflag:s12] =	ssyncadd.s32 $0xFFFFF000  }
0x156: {  	_ =	swait.ge [sflag:s12], $0x1000  }
0x157: {  	[sflag:s12] =	ssyncset.done $0x0  }
0x158: {  	[sflag:s12] =	ssyncadd.s32 $0xFFFFF000  }
0x159: {  	_ =	swait.ge [sflag:s12], $0x1000  }
0x15a: {  	[sflag:s12] =	ssyncset.done $0x0  }
0x15b: {  	[sflag:s12] =	ssyncadd.s32 $0xFFFFF000  }
0x15c: {  	[hbm4b:s21+s2] =	stream.linear.scatter [tilespmem:s4], [sflag:$0x4], $0x4000, $0x38;
	[tilespmem:$0xE400] =	vst v63  }
0x15d: {  	_ =	swait.ge [sflag:s13], $0x1000  }
0x15e: {  	[sflag:s13] =	ssyncset.done $0x0  }
0x15f: {  	[sflag:s13] =	ssyncadd.s32 $0xFFFFF000  }
0x160: {  	_ =	swait.ge [sflag:s13], $0x1000  }
0x161: {  	[sflag:s13] =	ssyncset.done $0x0  }
0x162: {  	[sflag:s13] =	ssyncadd.s32 $0xFFFFF000  }
0x163: {  	_ =	swait.ge [sflag:s13], $0x1000  }
0x164: {  	[sflag:s13] =	ssyncset.done $0x0  }
0x165: {  	[sflag:s13] =	ssyncadd.s32 $0xFFFFF000  }
0x166: {  	_ =	swait.ge [sflag:s13], $0x1000  }
0x167: {  	[sflag:s13] =	ssyncset.done $0x0  }
0x168: {  	[sflag:s13] =	ssyncadd.s32 $0xFFFFF000  }
0x169: {  	_ =	swait.ge [sflag:s14], $0x4000  }
0x16a: {  	[sflag:s14] =	ssyncset.done $0x0  }
0x16b: {  	s19 =	simm.s32 $0x400;
	[sflag:s14] =	ssyncadd.s32 $0xFFFFC000  }
0x16c: {  	[tilespmem:s4], [sflag:$0x2] =	stream.indirect.gather [hbm4b:s3+s1], $0x20, s19, s1, $0xb8;
	[tilespmem:$0xE400] =	vst v63  }
0x16d: {  	s20 =	simm.s32 $0x480  }
0x16e: {  	[tilespmem:s5], [sflag:$0x2] =	stream.indirect.gather [hbm4b:s3+s1], $0x20, s20, s1, $0xb8;
	[tilespmem:$0xE400] =	vst v63  }
0x16f: {  	s18 =	simm.s32 $0x500  }
0x170: {  	[tilespmem:s6], [sflag:$0x2] =	stream.indirect.gather [hbm4b:s3+s1], $0x20, s18, s1, $0xb8;
	[tilespmem:$0xE400] =	vst v63  }
0x171: {  	s19 =	simm.s32 $0x580  }
0x172: {  	[tilespmem:s7], [sflag:$0x2] =	stream.indirect.gather [hbm4b:s3+s1], $0x20, s19, s1, $0xb8;
	[tilespmem:$0xE400] =	vst v63  }
0x173: {  	s20 =	sadd.s32 $0x10000, s21  }
0x174: {  	[hbm4b:s20+s2] =	stream.linear.scatter [tilespmem:s8], [sflag:$0x5], $0x4000, $0x38;
	[tilespmem:$0xE400] =	vst v63  }
0x175: {  	_ =	swait.ge [sflag:s15], $0x4000  }
0x176: {  	[sflag:s15] =	ssyncset.done $0x0  }
0x177: {  	s18 =	simm.s32 $0x600;
	[sflag:s15] =	ssyncadd.s32 $0xFFFFC000  }
0x178: {  	[tilespmem:s8], [sflag:$0x3] =	stream.indirect.gather [hbm4b:s3+s1], $0x20, s18, s1, $0xb8;
	[tilespmem:$0xE400] =	vst v63  }
0x179: {  	s17 =	simm.s32 $0x1000;
	s19 =	simm.s32 $0x680  }
0x17a: {  	[tilespmem:s9], [sflag:$0x3] =	stream.indirect.gather [hbm4b:s3+s1], $0x20, s19, s1, $0xb8;
	[tilespmem:$0xE400] =	vst v63  }
0x17b: {  	s20 =	simm.s32 $0x700;
	s18 =	sadd.s32 $0x20000, s21;
	s19 =	simm.s32 $0x780  }
0x17c: {  	[tilespmem:s10], [sflag:$0x3] =	stream.indirect.gather [hbm4b:s3+s1], $0x20, s20, s1, $0xb8;
	[tilespmem:$0xE400] =	vst v63  }
.LBB2_2:
0x17d: {  	[tilespmem:s11], [sflag:$0x3] =	stream.indirect.gather [hbm4b:s3+s1], $0x20, s19, s1, $0xb8;
	[tilespmem:$0xE400] =	vst v63  }
0x17e: {  	s19 =	smov.u32 s17  }
0x17f: {  	p0 =	sne.s32 s17, $0x17000;
	s17 =	sadd.s32 $0x1000, s17;
	_ =	swait.ge [sflag:s12], $0x1000  }
0x180: {  	[sflag:s12] =	ssyncset.done $0x0  }
0x181: {  	[sflag:s12] =	ssyncadd.s32 $0xFFFFF000  }
0x182: {  	_ =	swait.ge [sflag:s12], $0x1000  }
0x183: {  	[sflag:s12] =	ssyncset.done $0x0  }
0x184: {  	[sflag:s12] =	ssyncadd.s32 $0xFFFFF000  }
0x185: {  	_ =	swait.ge [sflag:s12], $0x1000  }
0x186: {  	[sflag:s12] =	ssyncset.done $0x0  }
0x187: {  	[sflag:s12] =	ssyncadd.s32 $0xFFFFF000  }
0x188: {  	_ =	swait.ge [sflag:s12], $0x1000  }
0x189: {  	[sflag:s12] =	ssyncset.done $0x0  }
0x18a: {  	[sflag:s12] =	ssyncadd.s32 $0xFFFFF000  }
0x18b: {  	[hbm4b:s18+s2] =	stream.linear.scatter [tilespmem:s4], [sflag:$0x4], $0x4000, $0x38;
	[tilespmem:$0xE400] =	vst v63  }
0x18c: {  	_ =	swait.ge [sflag:s13], $0x1000  }
0x18d: {  	[sflag:s13] =	ssyncset.done $0x0  }
0x18e: {  	[sflag:s13] =	ssyncadd.s32 $0xFFFFF000  }
0x18f: {  	_ =	swait.ge [sflag:s13], $0x1000  }
0x190: {  	[sflag:s13] =	ssyncset.done $0x0  }
0x191: {  	[sflag:s13] =	ssyncadd.s32 $0xFFFFF000  }
0x192: {  	_ =	swait.ge [sflag:s13], $0x1000  }
0x193: {  	[sflag:s13] =	ssyncset.done $0x0  }
0x194: {  	[sflag:s13] =	ssyncadd.s32 $0xFFFFF000  }
0x195: {  	_ =	swait.ge [sflag:s13], $0x1000  }
0x196: {  	[sflag:s13] =	ssyncset.done $0x0  }
0x197: {  	[sflag:s13] =	ssyncadd.s32 $0xFFFFF000  }
0x198: {  	_ =	swait.ge [sflag:s14], $0x4000  }
0x199: {  	s19 =	sshra.s32 s19, $0x2;
	[sflag:s14] =	ssyncset.done $0x0  }
0x19a: {  	s20 =	sadd.s32 $0x400, s19;
	[sflag:s14] =	ssyncadd.s32 $0xFFFFC000  }
0x19b: {  	[tilespmem:s4], [sflag:$0x2] =	stream.indirect.gather [hbm4b:s3+s1], $0x20, s20, s1, $0xb8;
	[tilespmem:$0xE400] =	vst v63  }
0x19c: {  	s20 =	sadd.s32 $0x480, s19  }
0x19d: {  	[tilespmem:s5], [sflag:$0x2] =	stream.indirect.gather [hbm4b:s3+s1], $0x20, s20, s1, $0xb8;
	[tilespmem:$0xE400] =	vst v63  }
0x19e: {  	s20 =	sadd.s32 $0x500, s19  }
0x19f: {  	[tilespmem:s6], [sflag:$0x2] =	stream.indirect.gather [hbm4b:s3+s1], $0x20, s20, s1, $0xb8;
	[tilespmem:$0xE400] =	vst v63  }
0x1a0: {  	s20 =	sadd.s32 $0x580, s19  }
0x1a1: {  	[tilespmem:s7], [sflag:$0x2] =	stream.indirect.gather [hbm4b:s3+s1], $0x20, s20, s1, $0xb8;
	[tilespmem:$0xE400] =	vst v63  }
0x1a2: {  	s20 =	sadd.s32 $0x10000, s18  }
0x1a3: {  	[hbm4b:s20+s2] =	stream.linear.scatter [tilespmem:s8], [sflag:$0x5], $0x4000, $0x38;
	[tilespmem:$0xE400] =	vst v63  }
0x1a4: {  	_ =	swait.ge [sflag:s15], $0x4000  }
0x1a5: {  	[sflag:s15] =	ssyncset.done $0x0  }
0x1a6: {  	s20 =	sadd.s32 $0x600, s19;
	[sflag:s15] =	ssyncadd.s32 $0xFFFFC000  }
0x1a7: {  	[tilespmem:s8], [sflag:$0x3] =	stream.indirect.gather [hbm4b:s3+s1], $0x20, s20, s1, $0xb8;
	[tilespmem:$0xE400] =	vst v63  }
.Ltmp0:
0x1a8: {  	s20 =	sadd.s32 $0x680, s19;
	(pc) =	sbr.rel @p0 .LBB2_2-.Ltmp0, $4  }
0x1a9: {  	[tilespmem:s9], [sflag:$0x3] =	stream.indirect.gather [hbm4b:s3+s1], $0x20, s20, s1, $0xb8;
	[tilespmem:$0xE400] =	vst v63  }
0x1aa: {  	s20 =	sadd.s32 $0x700, s19  }
0x1ab: {  	[tilespmem:s10], [sflag:$0x3] =	stream.indirect.gather [hbm4b:s3+s1], $0x20, s20, s1, $0xb8;
	[tilespmem:$0xE400] =	vst v63  }
0x1ac: {  	s18 =	sadd.s32 $0x20000, s18;
	s19 =	sadd.s32 $0x780, s19  }
0x1ad: {  	[tilespmem:s11], [sflag:$0x3] =	stream.indirect.gather [hbm4b:s3+s1], $0x20, s19, s1, $0xb8;
	[tilespmem:$0xE400] =	vst v63  }
0x1ae: {  	_ =	swait.ge [sflag:s12], $0x1000  }
0x1af: {  	[sflag:s12] =	ssyncset.done $0x0  }
0x1b0: {  	[sflag:s12] =	ssyncadd.s32 $0xFFFFF000  }
0x1b1: {  	_ =	swait.ge [sflag:s12], $0x1000  }
0x1b2: {  	[sflag:s12] =	ssyncset.done $0x0  }
0x1b3: {  	[sflag:s12] =	ssyncadd.s32 $0xFFFFF000  }
0x1b4: {  	_ =	swait.ge [sflag:s12], $0x1000  }
0x1b5: {  	[sflag:s12] =	ssyncset.done $0x0  }
0x1b6: {  	[sflag:s12] =	ssyncadd.s32 $0xFFFFF000  }
0x1b7: {  	_ =	swait.ge [sflag:s12], $0x1000  }
0x1b8: {  	[sflag:s12] =	ssyncset.done $0x0  }
0x1b9: {  	[sflag:s12] =	ssyncadd.s32 $0xFFFFF000  }
0x1ba: {  	[hbm4b:s28+s2] =	stream.linear.scatter [tilespmem:s4], [sflag:$0x4], $0x4000, $0x38;
	[tilespmem:$0xE400] =	vst v63  }
0x1bb: {  	_ =	swait.ge [sflag:s13], $0x1000  }
0x1bc: {  	[sflag:s13] =	ssyncset.done $0x0  }
0x1bd: {  	[sflag:s13] =	ssyncadd.s32 $0xFFFFF000  }
0x1be: {  	_ =	swait.ge [sflag:s13], $0x1000  }
0x1bf: {  	[sflag:s13] =	ssyncset.done $0x0  }
0x1c0: {  	[sflag:s13] =	ssyncadd.s32 $0xFFFFF000  }
0x1c1: {  	_ =	swait.ge [sflag:s13], $0x1000  }
0x1c2: {  	[sflag:s13] =	ssyncset.done $0x0  }
0x1c3: {  	[sflag:s13] =	ssyncadd.s32 $0xFFFFF000  }
0x1c4: {  	_ =	swait.ge [sflag:s13], $0x1000  }
0x1c5: {  	[sflag:s13] =	ssyncset.done $0x0  }
0x1c6: {  	s16 =	sadd.s32 $0x1, s16;
	[sflag:s13] =	ssyncadd.s32 $0xFFFFF000  }
0x1c7: {  	[hbm4b:s29+s2] =	stream.linear.scatter [tilespmem:s8], [sflag:$0x5], $0x4000, $0x38;
	[tilespmem:$0xE400] =	vst v63  }
0x1c8: {  	p0 =	sne.s32 s16, s30;
	_ =	swait.ge [sflag:s14], $0x4000  }
.Ltmp1:
0x1c9: {  	[sflag:s14] =	ssyncset.done $0x0;
	(pc) =	sbr.rel @p0 .LBB2_1-.Ltmp1, $4  }
0x1ca: {  	[sflag:s14] =	ssyncadd.s32 $0xFFFFC000  }
0x1cb: {  	_ =	swait.ge [sflag:s15], $0x4000  }
0x1cc: {  	[sflag:s15] =	ssyncset.done $0x0  }
0x1cd: {  	[sflag:s15] =	ssyncadd.s32 $0xFFFFC000  }
0x1ce: {  	_ =	sfence.sel $0x180000  }
0x1cf: {  	[bflag:$0x0] =	sbarrier.arrive $0xFFFF  }
0x1d0: {  	_ =	strace $0x90000047  }
0x1d1: {  	s0 =	stileid.u32;
	[bflag:$0x2] =	sbarrier.arrive $0xFFFF  }
0x1d2: {  	p0 =	sne.s32 s0, $0x0;
	s0 =	rddreg [dreg:$0x2]  }
0x1d3: {  	s0 =	sadd.s32 @!p0 $0x100000, s0  }
0x1d4: {  	[sflag:s0] =	ssyncadd.tile.s32 @!p0 $0x1;
	_ =	shalt  }
.Lfunc_end2:
_tile_overlayer_lowered:
.L_overlay_start_2:
0x1d5: {  	(tag) =	ssettag $0x2  }
0x1d6: {  	s0 =	rddreg [dreg:$0x0];
	s2 =	stileid.u32  }
0x1d7: {  	s1 =	rddreg [dreg:$0x1];
	p0 =	sne.s32 s2, $0x0  }
0x1d8: {  	s3 =	rddreg [dreg:$0x2];
	[bflag:$0x3] =	sbarrier.arrive $0xFFFF;
	s2 =	simm.s32 @!p0 $0x1C06  }
0x1d9: {  	[timem:s3], [sflag:s2] =	dma.local @!p0 [hbm:s0], s1  }
0x1da: {  	s0 =	simm.s32 @!p0 $0x6  }
0x1db: {  	_ =	swait.ge @!p0 [sflag:s0], s1  }
0x1dc: {  	s1 =	ssub.s32 @!p0 $0x0, s1;
	[sflag:s0] =	ssyncset.done @!p0 $0x0  }
0x1dd: {  	[sflag:s0] =	ssyncadd.s32 @!p0 s1  }
0x1de: {  	[bflag:$0x3] =	sbarrier.arrive $0xFFFF  }
0x1df: {  	_ =	shalt  }

// kernel: sparse-core-data-format-call.cloned.1.call-start
scs
called_computation_lowered:
.L_overlay_start_0:
0x0: {  	s2 =	sld [smem:$0x3FD9]  }
0x1: {  	s3 =	sld [smem:$0x3FFE];
	_ =	sdelay $0x1  }
0x2: {  	s1 =	srdreg.scid  }
0x3: {  	s0 =	sand.u32 $0x1, s1  }
0x4: {  	s18 =	sshll.u32 s0, $0xA;
	s2 =	sadd.s32 s3, s2  }
0x5: {  	s2 =	sadd.s32 s2, s18  }
0x6: {  	[smem:$0x3FC6] =	sst s2  }
0x7: {  	_ = 	snop  }
0x8: {  	s2 =	sld [smem:$0x3FD0];
	(tm) =	ssettm $0x1  }
0x9: {  	s19 =	sld [smem:$0x3FFB];
	_ =	sdelay $0x3  }
0xa: {  	_ =	strace s19  }
0xb: {  	s3 =	sld [smem:$0x3FFC];
	_ =	sdelay $0x3  }
0xc: {  	_ =	strace s3  }
0xd: {  	s3 =	sld [smem:$0x3FFD];
	_ =	sdelay $0x3  }
0xe: {  	_ =	strace s3  }
0xf: {  	_ =	strace $0x8FFFFFFF  }
0x10: {  	s20 =	sld [smem:$0x3FDB];
	_ =	sdelay $0x1  }
0x11: {  	s4 =	simm.s32 $_scs_section_size  }
0x12: {  	s5 =	simm.s32 $_size__tile_overlayer_lowered;
	s6 =	simm.s32 $_tile_overlayer_lowered  }
0x13: {  	s23 =	simm.s32 $0x1BFF;
	s22 =	sshll.u32 s6, $0x1;
	s3 =	sadd.s32 s4, s20  }
0x14: {  	s7 =	simm.s32 $0x0;
	s21 =	sshll.u32 s5, $0x1;
	s5 =	sadd.s32 s22, s3  }
0x15: {  	[timem:s7], [sflag:s23] =	dma.local [hbm:s5], s21  }
0x16: {  	_ =	swait.ge [sflag:s23], s21  }
0x17: {  	s4 =	ssub.s32 $0x0, s21;
	[sflag:s23] =	ssyncset.done $0x0  }
0x18: {  	[sflag:s23] =	ssyncadd.s32 s4;
	_ =	sdelay $0x1  }
0x19: {  	s24 =	simm.s32 $0x1B8B  }
0x1a: {  	_ =	swait.ge [sflag:s24], $0x1  }
0x1b: {  	[sflag:s24] =	ssyncset.done $0x0  }
0x1c: {  	s26 =	simm.s32 $0x1B8E;
	s25 =	sld [smem:$0x3FFE];
	[sflag:s24] =	ssyncadd.s32 $0xFFFFFFFF  }
0x1d: {  	s27 =	simm.s32 $execute0_lowered;
	[smem:$0x3FD2] =	sst s26  }
0x1e: {  	s5 =	sshll.u32 s27, $0x1;
	_ =	strace $0x80000049;
	[dreg:$0x1] =	wrdreg $0xFFFFFFFF  }
0x1f: {  	s28 =	simm.s32 $_size_execute0_lowered;
	s3 =	sadd.s32 s3, s5;
	[dreg:$0x0] =	wrdreg $0x0  }
0x20: {  	s5 =	sshll.u32 s28, $0x1;
	[dreg:$0x2] =	wrdreg s3  }
0x21: {  	[dreg:$0x3] =	wrdreg s5  }
0x22: {  	[dreg:$0x4] =	wrdreg $0xC0  }
0x23: {  	_ =	task [dreg:s7], $0x5FFFF  }
0x24: {  	[dreg:$0x1] =	wrdreg $0xFFFFFFFF  }
0x25: {  	[dreg:$0x0] =	wrdreg $0x60  }
0x26: {  	[dreg:$0x2] =	wrdreg s25  }
0x27: {  	[dreg:$0x3] =	wrdreg s2  }
0x28: {  	[dreg:$0x4] =	wrdreg $0x9  }
0x29: {  	_ =	task.clear_ibuf [dreg:s7], $0x5FFFF;
	_ =	strace $0x90000049  }
0x2a: {  	s29 =	simm.s32 $0x9;
	_ =	strace $0x8000004B  }
0x2b: {  	_ =	swait.ge [sflag:s29], $0x1  }
0x2c: {  	[sflag:s29] =	ssyncadd.s32 $0xFFFFFFFF  }
0x2d: {  	_ =	strace $0x9000004B  }
0x2e: {  	_ =	sfence  }
0x2f: {  	s30 =	sld [smem:$0x0];
	_ =	sdelay $0x2  }
0x30: {  	s31 =	sshll.u32 s1, $0xD;
	s1 =	sshrl.u32 s1, $0x2  }
0x31: {  	s3 =	sand.u32 $0x4000, s31;
	s1 =	sadd.s32 s1, s30  }
0x32: {  	s0 =	sor.u32 s3, s0;
	s1 =	sshll.u32 s1, $0x11  }
0x33: {  	s0 =	sor.u32 s1, s0  }
0x34: {  	s0 =	sadd.s32 $0x8F2B, s0  }
0x35: {  	[sflag:s0] =	ssyncadd.remote.s32 $0x1  }
0x36: {  	_ =	sfence.sel $0xFFFF  }
0x37: {  	[dreg:$0x0] =	wrdreg $0xFFFFFFFF;
	(pc) =	sbr.abs _section_cstart, $3  }
0x38: {  	[dreg:$0x1] =	wrdreg $0xFFFFFFFF  }
0x39: {  	_ =	task.clear_ibuf [dreg:s7], $0x2FFFF;
	_ =	strace $0x9FFFFFFF  }
0x3a: {  	(tm) =	ssettm $0x7FFFFFFF  }
0x3b: {  	_ =	shalt  }
tec
execute0_lowered:
.L_overlay_start_1:
0x0: {  	(tag) =	ssettag $0x1  }
0x1: {  	s0 =	srdreg.scid  }
0x2: {  	s1 =	sshll.u32 s0, $0x4  }
0x3: {  	s0 =	stileid.u32;
	s1 =	sand.u32 $0x10, s1  }
0x4: {  	s7 =	rddreg [dreg:$0x0];
	s1 =	sor.u32 s0, s1  }
0x5: {  	s4 =	simm.s32 $0x1;
	s8 =	simm.s32 $0x2;
	s2 =	sshll.u32 s1, $0x7  }
0x6: {  	s13 =	simm.s32 $0x0;
	s9 =	simm.s32 $0x20000;
	s1 =	ssub.s32 $0x4000, s2  }
0x7: {  	s14 =	simm.s32 $0x0;
	s11 =	simm.s32 $0x0;
	s3 =	sand.u32 $0xF80, s1  }
0x8: {  	s12 =	simm.s32 $0x0;
	s5 =	sshrl.u32 s1, $0xC;
	p0 =	sne.s32 s3, $0x0  }
.Ltmp0:
0x9: {  	s1 =	rddreg [dreg:$0x2];
	s4 =	simm.s32 @!p0 $0x0;
	(pc) =	sbr.rel .LBB1_1-.Ltmp0, $4  }
0xa: {  	s6 =	sadd.s32 $0xA00, s7;
	s3 =	rddreg [dreg:$0x1];
	s5 =	sadd.s32 s4, s5  }
0xb: {  	_ =	strace $0x8000004A;
	s4 =	simm.s32 $0x1;
	s5 =	smul.u32 $0x19, s5  }
0xc: {  	s7 =	sadd.s32 $0x40A00, s7;
	s10 =	smov.u32 s2;
	[sflag:s4] =	ssyncpa.u1 $0x0  }
0xd: {  	p0 =	por $0x0, $0x0;
	[sflag:s8] =	ssyncpa.u1 $0x0;
	s8 =	sadd.s32 $0x1, s5  }
.LBB1_7:
0xe: {  	s15 =	sadd.s32 $0x1000, s10  }
0xf: {  	s13 =	sadd.s32 $0x2, s11;
	s17 =	smov.u32 s11;
	p2 =	sgt.s32 s15, $0x3FFF  }
0x10: {  	s17 =	smov.u32 @p2 s13  }
0x11: {  	s15 =	smov.u32 @p2 s2;
	p2 =	sgt.s32 s17, $0x31  }
0x12: {  	s17 =	simm.s32 @p2 $0x0;
	p2 =	sne.s32 s12, s8  }
.Ltmp1:
0x13: {  	p1 =	slt.u32 s12, $0x2;
	(pc) =	sbr.rel @!p2 .LBB1_8-.Ltmp1, $4  }
0x14: {  	s16 =	simm.s32 @!p1 $0x2  }
0x15: {  	s14 =	smov.u32 s11;
	p0 =	por !p0, !p0;
	_ =	swait.ge @!p1 [sflag:s16], $0x2000  }
0x16: {  	s13 =	smov.u32 s10;
	[sflag:s16] =	ssyncset.done @!p1 $0x0;
	s10 =	smov.u32 s15  }
0x17: {  	s12 =	sadd.s32 $0x1, s12;
	[sflag:s16] =	ssyncadd.s32 @!p1 $0xFFFFE000;
	s11 =	smov.u32 s17  }
.LBB1_1:
0x18: {  	p1 =	sge.u32 s12, s5  }
0x19: {  	s15 =	sxor.u32 @!p1 $0xFFFFFFFF, s12;
	s16 =	sshll.u32 @!p1 s11, $0x12  }
0x1a: {  	s17 =	sshll.u32 @!p1 s10, $0x4;
	s19 =	simm.s32 @!p1 $0x20;
	s20 =	simm.s32 @!p1 $0x80  }
0x1b: {  	s15 =	sshll.u32 @!p1 s15, $0xD;
	s17 =	sand.u32 @!p1 $0x3FFF0, s17;
	s18 =	sadd.s32 @!p1 s6, s16  }
0x1c: {  	s16 =	sadd.s32 @!p1 s16, s7;
	s15 =	sand.u32 @!p1 $0x2000, s15;
	s18 =	sadd.s32 @!p1 s17, s18  }
0x1d: {  	[tilespmem:s15], [sflag:$0x1] =	stream.strided.gather @!p1 [hbm4b:s18+s19], $0x1000, s20, s19, $0x38;
	[tilespmem:$0x8080] =	vst v63  }
0x1e: {  	s31 =	sadd.s32 $0xFFFFFFFF, s12;
	s16 =	sadd.s32 @!p1 s17, s16;
	s15 =	sor.u32 @!p1 $0x1000, s15  }
0x1f: {  	[tilespmem:s15], [sflag:$0x1] =	stream.strided.gather @!p1 [hbm4b:s16+s19], $0x1000, s20, s19, $0x38;
	[tilespmem:$0x8080] =	vst v63  }
0x20: {  	p1 =	sge.u32 s31, s5  }
.Ltmp2:
0x21: {  	_ = 	snop;
	(pc) =	sbr.rel @p1 .LBB1_7-.Ltmp2, $1  }
0x22: {  	_ =	sdelay $0x3  }
0x23: {  	s15 =	simm.s32 $0x1;
	s17 =	sand.u32 $0x1, s12  }
0x24: {  	_ =	swait.ge [sflag:s4], $0x2000;
	s15 =	simm.s32 @!p0 $0x0;
	s17 =	smul.u32 $0x8100, s17  }
0x25: {  	p2 =	por $0x1, $0x1;
	[sflag:s4] =	ssyncset.done $0x0;
	s16 =	smul.u32 $0x8100, s15  }
0x26: {  	s18 =	sshll.u32 s15, $0xF;
	[sflag:s4] =	ssyncadd.s32 $0xFFFFE000;
	s30 =	sshrl.u32 s17, $0x2  }
0x27: {  	s31 =	sshrl.u32 s18, $0x2;
	s18 =	simm.s32 $0x0;
	s16 =	sshrl.u32 s16, $0x2  }
0x28: {  	s15 =	sor.u32 $0x4000, s30;
	s17 =	sadd.s32 $0x10, s31;
	s16 =	sor.u32 $0x4000, s16  }
.LBB1_3:
0x29: {  	s19 =	sshll.u32 s18, $0xC  }
0x2a: {  	s19 =	sand.u32 $0x3FFFF000, s19  }
0x2b: {  	s20 =	sadd.s32 s19, s17  }
0x2c: {  	s31 =	smul.u32 $0x4080, s18;
	v1 =	vld [tilespmem:s20+$0x0]  }
0x2d: {  	v0 =	vld [tilespmem:s20+$0xFFFFFFF0]  }
0x2e: {  	s18 =	sshra.s32 s31, $0x2  }
0x2f: {  	s18 =	sadd.s32 s18, s16  }
0x30: {  	s21 =	sadd.s32 $0x0, s18  }
0x31: {  	p1 =	por p2, p2;
	s19 =	simm.s32 $0x4;
	s20 =	sadd.s32 $0x20, s20;
	[tilespmem:s21+$0x810 ss:$0x81] =	vst.msk $0xffff, v1  }
.LBB1_4:
0x32: {  	v1 =	vld [tilespmem:s20+$0x0];
	p2 =	sne.s32 s19, $0x1FC;
	[tilespmem:s21+$0x0 ss:$0x81] =	vst.msk $0xffff, v0;
	s21 =	smov.u32 s19;
	s19 =	sadd.s32 $0x4, s19  }
.Ltmp3:
0x33: {  	v0 =	vld [tilespmem:s20+$0xFFFFFFF0];
	(pc) =	sbr.rel @p2 .LBB1_4-.Ltmp3, $4  }
0x34: {  	_ = 	snop  }
0x35: {  	s21 =	sshra.s32 s21, $0x2  }
0x36: {  	s21 =	sadd.s32 s21, s18  }
0x37: {  	s20 =	sadd.s32 $0x20, s20;
	[tilespmem:s21+$0x810 ss:$0x81] =	vst.msk $0xffff, v1  }
.Ltmp4:
0x38: {  	(pc) =	sbr.rel @p1 .LBB1_3-.Ltmp4, $2  }
0x39: {  	_ =	sdelay $0x2  }
0x3a: {  	[tilespmem:s21+$0x0 ss:$0x81] =	vst.msk $0xffff, v0;
	s18 =	simm.s32 $0x1;
	p2 =	por $0x0, $0x0  }
0x3b: {  	s16 =	sshll.u32 s13, $0x3;
	s17 =	sand.u32 $0x78, s13;
	s14 =	sshll.u32 s14, $0x10  }
.Ltmp5:
0x3c: {  	s30 =	sand.u32 $0xF800, s13;
	s16 =	sand.u32 $0x3C00, s16;
	(pc) =	sbr.rel .LBB1_7-.Ltmp5, $4  }
0x3d: {  	s31 =	sand.u32 $0x7, s13;
	s14 =	sadd.s32 s3, s14;
	s16 =	sor.u32 s17, s16  }
0x3e: {  	s13 =	sshll.u32 s31, $0x12;
	s14 =	sadd.s32 s30, s14;
	s16 =	sshrl.u32 s16, $0x3  }
0x3f: {  	s13 =	sor.u32 $0x400, s13;
	s14 =	sadd.s32 s16, s14  }
0x40: {  	[hbm4b:s14+s13] =	stream.strided.scatter [tilespmem:s15], [sflag:$0x2], $0x2000, s9, s13, $0x20;
	[tilespmem:$0x8080] =	vst v63  }
.LBB1_8:
0x41: {  	_ =	sfence.sel $0x180000  }
0x42: {  	s2 =	simm.s32 $0x1;
	[bflag:$0x0] =	sbarrier.arrive $0xFFFF  }
0x43: {  	s31 =	simm.s32 $0x2;
	[sflag:s2] =	ssyncpa.u1 $0x1  }
0x44: {  	[sflag:s31] =	ssyncpa.u1 $0x1  }
0x45: {  	p0 =	sne.s32 s0, $0x0;
	_ =	strace $0x9000004A  }
0x46: {  	s0 =	sadd.s32 @!p0 $0x100000, s1;
	[bflag:$0x2] =	sbarrier.arrive $0xFFFF  }
0x47: {  	[sflag:s0] =	ssyncadd.tile.s32 @!p0 $0x1;
	_ =	shalt  }
.Lfunc_end1:
_tile_overlayer_lowered:
.L_overlay_start_2:
0x48: {  	(tag) =	ssettag $0x2  }
0x49: {  	s0 =	rddreg [dreg:$0x0];
	s2 =	stileid.u32  }
0x4a: {  	s1 =	rddreg [dreg:$0x1];
	p0 =	sne.s32 s2, $0x0  }
0x4b: {  	s3 =	rddreg [dreg:$0x2];
	[bflag:$0x3] =	sbarrier.arrive $0xFFFF;
	s2 =	simm.s32 @!p0 $0x1C01  }
0x4c: {  	[timem:s3], [sflag:s2] =	dma.local @!p0 [hbm:s0], s1  }
0x4d: {  	s0 =	simm.s32 @!p0 $0x1  }
0x4e: {  	_ =	swait.ge @!p0 [sflag:s0], s1  }
0x4f: {  	s1 =	ssub.s32 @!p0 $0x0, s1;
	[sflag:s0] =	ssyncset.done @!p0 $0x0  }
0x50: {  	[sflag:s0] =	ssyncadd.s32 @!p0 s1  }
0x51: {  	[bflag:$0x3] =	sbarrier.arrive $0xFFFF  }
0x52: {  	_ =	shalt  }

</sc_bundles>
